<compile_context>
chip_gen: v7x
topology: tpu7x:2x2x1
jax: 0.10.2.dev20260603
libtpu: 0.0.44.dev20260713+nightly
codegen_flags: <defaults>
</compile_context>

<pallas_src>
import functools

import jax
import jax.numpy as jnp
from jax import lax
from jax.experimental import pallas as pl
from jax.experimental.pallas import tpu as pltpu
from jax.experimental.pallas import tpu_sc as plsc

NC, NS, LANES = 2, 16, 16
NW = NC * NS
SPG = 2


def _pooled_sums_sc(samples3d, node_emb, B, L, D, num_nodes):
    samples_per_w = B // NW
    n_groups = samples_per_w // SPG
    rows_per_g = SPG * L
    idx_pitch = samples3d.shape[2]
    n_col = D // LANES
    mesh = plsc.VectorSubcoreMesh(core_axis_name="c", subcore_axis_name="s")

    @functools.partial(
        pl.kernel,
        mesh=mesh,
        out_type=jax.ShapeDtypeStruct((B, D), jnp.float32),
        scratch_types=[
            pltpu.VMEM((n_groups, idx_pitch), jnp.int32),
            pltpu.VMEM((idx_pitch, D), jnp.float32),
            pltpu.VMEM((idx_pitch, D), jnp.float32),
            pltpu.VMEM((samples_per_w, D), jnp.float32),
            pltpu.VMEM((16, D), jnp.float32),
            pltpu.VMEM((16,), jnp.int32),
            pltpu.SemaphoreType.DMA,
            pltpu.SemaphoreType.DMA,
            pltpu.SemaphoreType.DMA,
        ],
        compiler_params=pltpu.CompilerParams(
            use_tc_tiling_on_sc=True, needs_layout_passes=False
        ),
    )
    def pool(samples_hbm, table_hbm, out_hbm, idx_v, rows0, rows1, acc_v,
             padrow_v, padidx_v, sem0, sem1, sem_pad):
        wid = lax.axis_index("s") * NC + lax.axis_index("c")
        iota = lax.iota(jnp.int32, LANES)

        pltpu.sync_copy(samples_hbm.at[wid], idx_v)
        padidx_v[...] = jnp.full((LANES,), num_nodes, jnp.int32)
        pltpu.async_copy(table_hbm.at[padidx_v], padrow_v, sem_pad)
        pltpu.make_async_copy(table_hbm.at[pl.ds(0, LANES)], padrow_v, sem_pad).wait()
        zvec = jnp.zeros((LANES,), jnp.int32)
        padrow = [
            plsc.load_gather(padrow_v, [zvec, iota + c * LANES])
            for c in range(n_col)
        ]

        def start(g, buf, sem):
            pltpu.async_copy(table_hbm.at[idx_v.at[g]], buf, sem)

        def wait(g, buf, sem):
            del g
            pltpu.make_async_copy(table_hbm.at[pl.ds(0, idx_pitch)], buf, sem).wait()

        cols = [iota + c * LANES for c in range(n_col)]

        def process(g, buf):
            ones = jnp.ones((LANES,), jnp.int32)
            zeros_i = jnp.zeros((LANES,), jnp.int32)
            gvec = jnp.full((LANES,), g, jnp.int32)
            cnt = [zeros_i] * SPG
            for j in range(idx_pitch // LANES):
                v = plsc.load_gather(idx_v, [gvec, iota + j * LANES])
                eq = v == num_nodes
                pos = iota + j * LANES
                for s in range(SPG):
                    in_s = (pos >= s * L) & (pos < (s + 1) * L)
                    cnt[s] = cnt[s] + jnp.where(eq & in_s, ones, zeros_i)
            for s in range(SPG):
                cntf = jnp.sum(cnt[s]).astype(jnp.float32)
                zeros_f = jnp.zeros((LANES,), jnp.float32)

                def row_body(r, accs, s=s):
                    rvec = jnp.full((LANES,), s * L + r, jnp.int32)
                    return tuple(
                        accs[c] + plsc.load_gather(buf, [rvec, cols[c]])
                        for c in range(n_col)
                    )

                accs = lax.fori_loop(0, L, row_body, (zeros_f,) * n_col)
                svec = jnp.full((LANES,), g * SPG + s, jnp.int32)
                for c in range(n_col):
                    plsc.store_scatter(
                        acc_v, [svec, cols[c]], accs[c] - cntf * padrow[c]
                    )

        pl.delay(4096)
        start(0, rows0, sem0)

        def outer(i, carry):
            g = i * 2
            start(g + 1, rows1, sem1)
            wait(g, rows0, sem0)
            process(g, rows0)

            @pl.when(g + 2 < n_groups)
            def _():
                start(g + 2, rows0, sem0)

            wait(g + 1, rows1, sem1)
            process(g + 1, rows1)
            return carry

        lax.fori_loop(0, n_groups // 2, outer, 0)

        pltpu.sync_copy(
            acc_v, out_hbm.at[pl.ds(wid * samples_per_w, samples_per_w)]
        )

    return pool(samples3d, node_emb)


def _mlp_tc(sums, len_col, W1, b1r, W2, b2r):
    B, D = sums.shape

    def body(s_ref, l_ref, w1_ref, b1_ref, w2_ref, b2_ref, o_ref):
        x = s_ref[:] / l_ref[:]
        h = jnp.maximum(
            jnp.dot(x, w1_ref[:], preferred_element_type=jnp.float32) + b1_ref[:], 0.0
        )
        o_ref[:] = jnp.dot(h, w2_ref[:], preferred_element_type=jnp.float32) + b2_ref[:]

    return pl.pallas_call(
        body,
        out_shape=jax.ShapeDtypeStruct((B, 1), jnp.float32),
    )(sums, len_col, W1, b1r, W2, b2r)


def kernel(padded_samples, lengths, node_emb, W1, b1, W2, b2):
    B, L = padded_samples.shape
    NV, D = node_emb.shape
    num_nodes = NV - 1
    rows_per_g = SPG * L
    idx_pitch = 128
    assert B % (NW * SPG) == 0 and D % LANES == 0 and idx_pitch % 8 == 0
    flat = padded_samples.astype(jnp.int32).reshape(B // SPG, rows_per_g)
    n_pad = idx_pitch - rows_per_g
    filler = (jnp.arange(B // SPG * n_pad, dtype=jnp.int32).reshape(B // SPG, n_pad)
              * 7919) % num_nodes
    flat = jnp.concatenate([flat, filler], axis=1)
    samples3d = flat.reshape(NW, B // (NW * SPG), idx_pitch)
    sums = _pooled_sums_sc(samples3d, node_emb, B, L, D, num_nodes)
    len_col = lengths.astype(jnp.float32).reshape(B, 1)
    scores = _mlp_tc(sums, len_col, W1, b1.reshape(1, D), W2, b2.reshape(1, 1))
    return scores.reshape(B)

# --- scband reference (transcript-rebuilt; emitter-appended) ---
"""Pipeline reference for scband-hyperedge-predictor-33827162423657 (READ-ONLY COPY).

The authoritative reference and input builder live on the scoring server;
editing this copy changes nothing except your own understanding.
"""

import jax, jax.numpy as jnp
import numpy as np

NUM_NODES = 1292025
EMBED_DIM = 256
B, L = 4096, 50


def setup_inputs(seed: int = 0) -> dict:
    key = jax.random.key(seed)
    ks = jax.random.split(key, 7)
    # indices in [0, NUM_NODES]; value NUM_NODES acts as the padding index
    padded_samples = jax.random.randint(ks[0], (B, L), 0, NUM_NODES + 1, dtype=jnp.int64 if jax.config.jax_enable_x64 else jnp.int32)
    lengths = jax.random.randint(ks[1], (B,), 1, L + 1, dtype=jnp.int32)
    node_emb = jax.random.normal(ks[2], (NUM_NODES + 1, EMBED_DIM), dtype=jnp.float32) * 0.02
    W1 = jax.random.normal(ks[3], (EMBED_DIM, EMBED_DIM), dtype=jnp.float32) * 0.02
    b1 = jnp.zeros((EMBED_DIM,), dtype=jnp.float32)
    W2 = jax.random.normal(ks[4], (EMBED_DIM, 1), dtype=jnp.float32) * 0.02
    b2 = jnp.zeros((1,), dtype=jnp.float32)
    return {"padded_samples": padded_samples, "lengths": lengths, "node_emb": node_emb, "W1": W1, "b1": b1, "W2": W2, "b2": b2}


def reference(padded_samples, lengths, node_emb, W1, b1, W2, b2):
    # embedding lookup
    emb = jnp.take(node_emb, padded_samples, axis=0)  # [B, L, D]
    # mask out padding index (== NUM_NODES)
    mask = (padded_samples != NUM_NODES)[..., None].astype(jnp.float32)
    emb = emb * mask
    sum_emb = jnp.sum(emb, axis=1)  # [B, D]
    lengths_f = lengths.astype(jnp.float32)[:, None]
    mean_emb = sum_emb / lengths_f
    h = jnp.maximum(mean_emb @ W1 + b1, 0.0)
    scores = (h @ W2 + b2).squeeze(-1)
    return scores

if __name__ == "__main__":
    import jax
    _d = setup_inputs()
    print(jax.jit(kernel)(*tuple(_d.values())))

</pallas_src>

<mosaic_0001>
#map = affine_map<(d0, d1) -> (0, 0, 0)>
#map1 = affine_map<(d0, d1) -> (0, 0)>
module attributes {stable_mosaic.version = 14 : i64} {
  func.func @pool(%arg0: i32, %arg1: i32, %arg2: memref<32x64x128xi32, #tpu.memory_space<hbm>>, %arg3: memref<1292026x256xf32, #tpu.memory_space<hbm>>, %arg4: memref<4096x256xf32, #tpu.memory_space<hbm>>, %arg5: memref<64x128xi32, #tpu.memory_space<vmem>>, %arg6: memref<128x256xf32, #tpu.memory_space<vmem>>, %arg7: memref<128x256xf32, #tpu.memory_space<vmem>>, %arg8: memref<128x256xf32, #tpu.memory_space<vmem>>, %arg9: memref<16x256xf32, #tpu.memory_space<vmem>>, %arg10: memref<16xi32, #tpu.memory_space<vmem>>, %arg11: memref<!tpu.dma_semaphore, #tpu.memory_space<semaphore_mem>>, %arg12: memref<!tpu.dma_semaphore, #tpu.memory_space<semaphore_mem>>, %arg13: memref<!tpu.dma_semaphore, #tpu.memory_space<semaphore_mem>>) attributes {dimension_semantics = [#tpu.dimension_semantics<core_parallel>, #tpu.dimension_semantics<subcore_parallel>], iteration_bounds = array<i64: 2, 16>, scalar_prefetch = 0 : i64, scratch_operands = 9 : i64, tpu.core_type = #tpu.core_type<sc_vector_subcore>, window_params = [{transform_indices = #map}, {transform_indices = #map1}, {transform_indices = #map1}]} {
    %mul3A = arith.constant 2 : i32
    %mul3A_0 = arith.muli %arg1, %mul3A : i32
    %add3A = arith.addi %mul3A_0, %arg0 : i32
    %iota3A = tpu.iota {dimensions = array<i32: 0>} : vector<16xi32>
    "tpu.region"() ({
      %run_scoped3A = tpu.sem_alloc : memref<!tpu.dma_semaphore, #tpu.memory_space<semaphore_mem>>
      %dma_start3A_137 = arith.constant 0 : i32
      %dma_start3A_138 = arith.constant 0 : i32
      %dma_start3A_139 = tpu.memref_slice %arg2[%add3A, %dma_start3A_137, %dma_start3A_138] : memref<32x64x128xi32, #tpu.memory_space<hbm>> -> memref<1x64x128xi32, #tpu.memory_space<hbm>>
      %dma_start3A_140 = tpu.memref_squeeze %dma_start3A_139 : memref<1x64x128xi32, #tpu.memory_space<hbm>> -> memref<64x128xi32, #tpu.memory_space<hbm>>
      %dma_start3A_141 = arith.constant 0 : i32
      %dma_start3A_142 = arith.constant 0 : i32
      %dma_start3A_143 = tpu.memref_slice %arg2[%add3A, %dma_start3A_141, %dma_start3A_142] : memref<32x64x128xi32, #tpu.memory_space<hbm>> -> memref<1x64x128xi32, #tpu.memory_space<hbm>>
      %dma_start3A_144 = tpu.memref_squeeze %dma_start3A_143 : memref<1x64x128xi32, #tpu.memory_space<hbm>> -> memref<64x128xi32, #tpu.memory_space<hbm>>
      tpu.enqueue_dma source(%dma_start3A_144 : memref<64x128xi32, #tpu.memory_space<hbm>>) target(%arg5 : memref<64x128xi32, #tpu.memory_space<vmem>>) target_semaphore(%run_scoped3A : memref<!tpu.dma_semaphore, #tpu.memory_space<semaphore_mem>>)
      %dma_wait3A_145 = arith.constant 0 : i32
      %dma_wait3A_146 = arith.constant 0 : i32
      %dma_wait3A_147 = tpu.memref_slice %arg2[%add3A, %dma_wait3A_145, %dma_wait3A_146] : memref<32x64x128xi32, #tpu.memory_space<hbm>> -> memref<1x64x128xi32, #tpu.memory_space<hbm>>
      %dma_wait3A_148 = tpu.memref_squeeze %dma_wait3A_147 : memref<1x64x128xi32, #tpu.memory_space<hbm>> -> memref<64x128xi32, #tpu.memory_space<hbm>>
      %dma_wait3A_149 = arith.constant 0 : i32
      %dma_wait3A_150 = arith.constant 0 : i32
      %dma_wait3A_151 = tpu.memref_slice %arg2[%add3A, %dma_wait3A_149, %dma_wait3A_150] : memref<32x64x128xi32, #tpu.memory_space<hbm>> -> memref<1x64x128xi32, #tpu.memory_space<hbm>>
      %dma_wait3A_152 = tpu.memref_squeeze %dma_wait3A_151 : memref<1x64x128xi32, #tpu.memory_space<hbm>> -> memref<64x128xi32, #tpu.memory_space<hbm>>
      tpu.wait_dma2 semaphore(%run_scoped3A : memref<!tpu.dma_semaphore, #tpu.memory_space<semaphore_mem>>) src(%dma_wait3A_152 : memref<64x128xi32, #tpu.memory_space<hbm>>) dst(%arg5 : memref<64x128xi32, #tpu.memory_space<vmem>>)
      tpu.yield
    }) : () -> ()
    %broadcast_in_dim3A = arith.constant 1292025 : i32
    %broadcast_in_dim3A_1 = vector.broadcast %broadcast_in_dim3A : i32 to vector<16xi32>
    %swap3A = arith.constant 0 : index
    %swap3A_2 = tpu.vector_load %arg10[%swap3A] {strides = array<i32>} : memref<16xi32, #tpu.memory_space<vmem>>, vector<16xi32>,
    tpu.vector_store %arg10[%swap3A], %broadcast_in_dim3A_1 {strides = array<i32>} : memref<16xi32, #tpu.memory_space<vmem>>, vector<16xi32>,
    %dma_start3A = arith.constant 0 : i32
    %dma_start3A_3 = arith.constant 0 : i32
    %dma_start3A_4 = tpu.memref_slice %arg3[%dma_start3A, %dma_start3A_3] : memref<1292026x256xf32, #tpu.memory_space<hbm>> -> memref<1292026x256xf32, #tpu.memory_space<hbm>>
    tpu.enqueue_indirect_dma source(%dma_start3A_4 : memref<1292026x256xf32, #tpu.memory_space<hbm>>) target(%arg9 : memref<16x256xf32, #tpu.memory_space<vmem>>) offsets(%arg10 : memref<16xi32, #tpu.memory_space<vmem>>) semaphore(%arg13 : memref<!tpu.dma_semaphore, #tpu.memory_space<semaphore_mem>>)
    %dma_wait3A = arith.constant 0 : i32
    %dma_wait3A_5 = arith.constant 0 : i32
    %dma_wait3A_6 = tpu.memref_slice %arg3[%dma_wait3A, %dma_wait3A_5] : memref<1292026x256xf32, #tpu.memory_space<hbm>> -> memref<16x256xf32, #tpu.memory_space<hbm>>
    %dma_wait3A_7 = arith.constant 0 : i32
    %dma_wait3A_8 = arith.constant 0 : i32
    %dma_wait3A_9 = tpu.memref_slice %arg3[%dma_wait3A_7, %dma_wait3A_8] : memref<1292026x256xf32, #tpu.memory_space<hbm>> -> memref<16x256xf32, #tpu.memory_space<hbm>>
    tpu.wait_dma2 semaphore(%arg13 : memref<!tpu.dma_semaphore, #tpu.memory_space<semaphore_mem>>) src(%dma_wait3A_9 : memref<16x256xf32, #tpu.memory_space<hbm>>) dst(%arg9 : memref<16x256xf32, #tpu.memory_space<vmem>>)
    %broadcast_in_dim3A_10 = arith.constant 0 : i32
    %broadcast_in_dim3A_11 = vector.broadcast %broadcast_in_dim3A_10 : i32 to vector<16xi32>
    %add3A_12 = arith.constant 0 : i32
    %add3A_13 = vector.broadcast %add3A_12 : i32 to vector<16xi32>
    %add3A_14 = arith.addi %iota3A, %add3A_13 : vector<16xi32>
    %gather3A = tpu.vector_load_idx %arg9[%broadcast_in_dim3A_11, %add3A_14] : memref<16x256xf32, #tpu.memory_space<vmem>>[vector<16xi32>, vector<16xi32>], vector<16xf32>,
    %add3A_15 = arith.constant 16 : i32
    %add3A_16 = vector.broadcast %add3A_15 : i32 to vector<16xi32>
    %add3A_17 = arith.addi %iota3A, %add3A_16 : vector<16xi32>
    %gather3A_18 = tpu.vector_load_idx %arg9[%broadcast_in_dim3A_11, %add3A_17] : memref<16x256xf32, #tpu.memory_space<vmem>>[vector<16xi32>, vector<16xi32>], vector<16xf32>,
    %add3A_19 = arith.constant 32 : i32
    %add3A_20 = vector.broadcast %add3A_19 : i32 to vector<16xi32>
    %add3A_21 = arith.addi %iota3A, %add3A_20 : vector<16xi32>
    %gather3A_22 = tpu.vector_load_idx %arg9[%broadcast_in_dim3A_11, %add3A_21] : memref<16x256xf32, #tpu.memory_space<vmem>>[vector<16xi32>, vector<16xi32>], vector<16xf32>,
    %add3A_23 = arith.constant 48 : i32
    %add3A_24 = vector.broadcast %add3A_23 : i32 to vector<16xi32>
    %add3A_25 = arith.addi %iota3A, %add3A_24 : vector<16xi32>
    %gather3A_26 = tpu.vector_load_idx %arg9[%broadcast_in_dim3A_11, %add3A_25] : memref<16x256xf32, #tpu.memory_space<vmem>>[vector<16xi32>, vector<16xi32>], vector<16xf32>,
    %add3A_27 = arith.constant 64 : i32
    %add3A_28 = vector.broadcast %add3A_27 : i32 to vector<16xi32>
    %add3A_29 = arith.addi %iota3A, %add3A_28 : vector<16xi32>
    %gather3A_30 = tpu.vector_load_idx %arg9[%broadcast_in_dim3A_11, %add3A_29] : memref<16x256xf32, #tpu.memory_space<vmem>>[vector<16xi32>, vector<16xi32>], vector<16xf32>,
    %add3A_31 = arith.constant 80 : i32
    %add3A_32 = vector.broadcast %add3A_31 : i32 to vector<16xi32>
    %add3A_33 = arith.addi %iota3A, %add3A_32 : vector<16xi32>
    %gather3A_34 = tpu.vector_load_idx %arg9[%broadcast_in_dim3A_11, %add3A_33] : memref<16x256xf32, #tpu.memory_space<vmem>>[vector<16xi32>, vector<16xi32>], vector<16xf32>,
    %add3A_35 = arith.constant 96 : i32
    %add3A_36 = vector.broadcast %add3A_35 : i32 to vector<16xi32>
    %add3A_37 = arith.addi %iota3A, %add3A_36 : vector<16xi32>
    %gather3A_38 = tpu.vector_load_idx %arg9[%broadcast_in_dim3A_11, %add3A_37] : memref<16x256xf32, #tpu.memory_space<vmem>>[vector<16xi32>, vector<16xi32>], vector<16xf32>,
    %add3A_39 = arith.constant 112 : i32
    %add3A_40 = vector.broadcast %add3A_39 : i32 to vector<16xi32>
    %add3A_41 = arith.addi %iota3A, %add3A_40 : vector<16xi32>
    %gather3A_42 = tpu.vector_load_idx %arg9[%broadcast_in_dim3A_11, %add3A_41] : memref<16x256xf32, #tpu.memory_space<vmem>>[vector<16xi32>, vector<16xi32>], vector<16xf32>,
    %add3A_43 = arith.constant 128 : i32
    %add3A_44 = vector.broadcast %add3A_43 : i32 to vector<16xi32>
    %add3A_45 = arith.addi %iota3A, %add3A_44 : vector<16xi32>
    %gather3A_46 = tpu.vector_load_idx %arg9[%broadcast_in_dim3A_11, %add3A_45] : memref<16x256xf32, #tpu.memory_space<vmem>>[vector<16xi32>, vector<16xi32>], vector<16xf32>,
    %add3A_47 = arith.constant 144 : i32
    %add3A_48 = vector.broadcast %add3A_47 : i32 to vector<16xi32>
    %add3A_49 = arith.addi %iota3A, %add3A_48 : vector<16xi32>
    %gather3A_50 = tpu.vector_load_idx %arg9[%broadcast_in_dim3A_11, %add3A_49] : memref<16x256xf32, #tpu.memory_space<vmem>>[vector<16xi32>, vector<16xi32>], vector<16xf32>,
    %add3A_51 = arith.constant 160 : i32
    %add3A_52 = vector.broadcast %add3A_51 : i32 to vector<16xi32>
    %add3A_53 = arith.addi %iota3A, %add3A_52 : vector<16xi32>
    %gather3A_54 = tpu.vector_load_idx %arg9[%broadcast_in_dim3A_11, %add3A_53] : memref<16x256xf32, #tpu.memory_space<vmem>>[vector<16xi32>, vector<16xi32>], vector<16xf32>,
    %add3A_55 = arith.constant 176 : i32
    %add3A_56 = vector.broadcast %add3A_55 : i32 to vector<16xi32>
    %add3A_57 = arith.addi %iota3A, %add3A_56 : vector<16xi32>
    %gather3A_58 = tpu.vector_load_idx %arg9[%broadcast_in_dim3A_11, %add3A_57] : memref<16x256xf32, #tpu.memory_space<vmem>>[vector<16xi32>, vector<16xi32>], vector<16xf32>,
    %add3A_59 = arith.constant 192 : i32
    %add3A_60 = vector.broadcast %add3A_59 : i32 to vector<16xi32>
    %add3A_61 = arith.addi %iota3A, %add3A_60 : vector<16xi32>
    %gather3A_62 = tpu.vector_load_idx %arg9[%broadcast_in_dim3A_11, %add3A_61] : memref<16x256xf32, #tpu.memory_space<vmem>>[vector<16xi32>, vector<16xi32>], vector<16xf32>,
    %add3A_63 = arith.constant 208 : i32
    %add3A_64 = vector.broadcast %add3A_63 : i32 to vector<16xi32>
    %add3A_65 = arith.addi %iota3A, %add3A_64 : vector<16xi32>
    %gather3A_66 = tpu.vector_load_idx %arg9[%broadcast_in_dim3A_11, %add3A_65] : memref<16x256xf32, #tpu.memory_space<vmem>>[vector<16xi32>, vector<16xi32>], vector<16xf32>,
    %add3A_67 = arith.constant 224 : i32
    %add3A_68 = vector.broadcast %add3A_67 : i32 to vector<16xi32>
    %add3A_69 = arith.addi %iota3A, %add3A_68 : vector<16xi32>
    %gather3A_70 = tpu.vector_load_idx %arg9[%broadcast_in_dim3A_11, %add3A_69] : memref<16x256xf32, #tpu.memory_space<vmem>>[vector<16xi32>, vector<16xi32>], vector<16xf32>,
    %add3A_71 = arith.constant 240 : i32
    %add3A_72 = vector.broadcast %add3A_71 : i32 to vector<16xi32>
    %add3A_73 = arith.addi %iota3A, %add3A_72 : vector<16xi32>
    %gather3A_74 = tpu.vector_load_idx %arg9[%broadcast_in_dim3A_11, %add3A_73] : memref<16x256xf32, #tpu.memory_space<vmem>>[vector<16xi32>, vector<16xi32>], vector<16xf32>,
    %add3A_75 = arith.constant 0 : i32
    %add3A_76 = vector.broadcast %add3A_75 : i32 to vector<16xi32>
    %add3A_77 = arith.addi %iota3A, %add3A_76 : vector<16xi32>
    %add3A_78 = arith.constant 16 : i32
    %add3A_79 = vector.broadcast %add3A_78 : i32 to vector<16xi32>
    %add3A_80 = arith.addi %iota3A, %add3A_79 : vector<16xi32>
    %add3A_81 = arith.constant 32 : i32
    %add3A_82 = vector.broadcast %add3A_81 : i32 to vector<16xi32>
    %add3A_83 = arith.addi %iota3A, %add3A_82 : vector<16xi32>
    %add3A_84 = arith.constant 48 : i32
    %add3A_85 = vector.broadcast %add3A_84 : i32 to vector<16xi32>
    %add3A_86 = arith.addi %iota3A, %add3A_85 : vector<16xi32>
    %add3A_87 = arith.constant 64 : i32
    %add3A_88 = vector.broadcast %add3A_87 : i32 to vector<16xi32>
    %add3A_89 = arith.addi %iota3A, %add3A_88 : vector<16xi32>
    %add3A_90 = arith.constant 80 : i32
    %add3A_91 = vector.broadcast %add3A_90 : i32 to vector<16xi32>
    %add3A_92 = arith.addi %iota3A, %add3A_91 : vector<16xi32>
    %add3A_93 = arith.constant 96 : i32
    %add3A_94 = vector.broadcast %add3A_93 : i32 to vector<16xi32>
    %add3A_95 = arith.addi %iota3A, %add3A_94 : vector<16xi32>
    %add3A_96 = arith.constant 112 : i32
    %add3A_97 = vector.broadcast %add3A_96 : i32 to vector<16xi32>
    %add3A_98 = arith.addi %iota3A, %add3A_97 : vector<16xi32>
    %add3A_99 = arith.constant 128 : i32
    %add3A_100 = vector.broadcast %add3A_99 : i32 to vector<16xi32>
    %add3A_101 = arith.addi %iota3A, %add3A_100 : vector<16xi32>
    %add3A_102 = arith.constant 144 : i32
    %add3A_103 = vector.broadcast %add3A_102 : i32 to vector<16xi32>
    %add3A_104 = arith.addi %iota3A, %add3A_103 : vector<16xi32>
    %add3A_105 = arith.constant 160 : i32
    %add3A_106 = vector.broadcast %add3A_105 : i32 to vector<16xi32>
    %add3A_107 = arith.addi %iota3A, %add3A_106 : vector<16xi32>
    %add3A_108 = arith.constant 176 : i32
    %add3A_109 = vector.broadcast %add3A_108 : i32 to vector<16xi32>
    %add3A_110 = arith.addi %iota3A, %add3A_109 : vector<16xi32>
    %add3A_111 = arith.constant 192 : i32
    %add3A_112 = vector.broadcast %add3A_111 : i32 to vector<16xi32>
    %add3A_113 = arith.addi %iota3A, %add3A_112 : vector<16xi32>
    %add3A_114 = arith.constant 208 : i32
    %add3A_115 = vector.broadcast %add3A_114 : i32 to vector<16xi32>
    %add3A_116 = arith.addi %iota3A, %add3A_115 : vector<16xi32>
    %add3A_117 = arith.constant 224 : i32
    %add3A_118 = vector.broadcast %add3A_117 : i32 to vector<16xi32>
    %add3A_119 = arith.addi %iota3A, %add3A_118 : vector<16xi32>
    %add3A_120 = arith.constant 240 : i32
    %add3A_121 = vector.broadcast %add3A_120 : i32 to vector<16xi32>
    %add3A_122 = arith.addi %iota3A, %add3A_121 : vector<16xi32>
    %delay3A = arith.constant 4096 : i32
    tpu.delay %delay3A
    %dma_start3A_123 = arith.constant 0 : i32
    %dma_start3A_124 = arith.constant 0 : i32
    %dma_start3A_125 = tpu.memref_slice %arg5[%dma_start3A_123, %dma_start3A_124] : memref<64x128xi32, #tpu.memory_space<vmem>> -> memref<1x128xi32, #tpu.memory_space<vmem>>
    %dma_start3A_126 = tpu.memref_squeeze %dma_start3A_125 : memref<1x128xi32, #tpu.memory_space<vmem>> -> memref<128xi32, #tpu.memory_space<vmem>>
    %dma_start3A_127 = arith.constant 0 : i32
    %dma_start3A_128 = arith.constant 0 : i32
    %dma_start3A_129 = tpu.memref_slice %arg3[%dma_start3A_127, %dma_start3A_128] : memref<1292026x256xf32, #tpu.memory_space<hbm>> -> memref<1292026x256xf32, #tpu.memory_space<hbm>>
    tpu.enqueue_indirect_dma source(%dma_start3A_129 : memref<1292026x256xf32, #tpu.memory_space<hbm>>) target(%arg6 : memref<128x256xf32, #tpu.memory_space<vmem>>) offsets(%dma_start3A_126 : memref<128xi32, #tpu.memory_space<vmem>>) semaphore(%arg11 : memref<!tpu.dma_semaphore, #tpu.memory_space<semaphore_mem>>)
    %scan3A = arith.constant 0 : i32
    %scan3A_130 = arith.constant 0 : i32
    %scan3A_131 = arith.constant 32 : i32
    %scan3A_132 = arith.addi %scan3A_130, %scan3A_131 : i32
    %scan3A_133 = arith.constant 1 : i32
    scf.for %scan3A_137 = %scan3A_130 to %scan3A_132 step %scan3A_133  : i32 {
      %mul3A_138 = arith.constant 2 : i32
      %mul3A_139 = arith.muli %scan3A_137, %mul3A_138 : i32
      %add3A_140 = arith.constant 1 : i32
      %add3A_141 = arith.addi %mul3A_139, %add3A_140 : i32
      %dma_start3A_142 = arith.constant 0 : i32
      %dma_start3A_143 = tpu.memref_slice %arg5[%add3A_141, %dma_start3A_142] : memref<64x128xi32, #tpu.memory_space<vmem>> -> memref<1x128xi32, #tpu.memory_space<vmem>>
      %dma_start3A_144 = tpu.memref_squeeze %dma_start3A_143 : memref<1x128xi32, #tpu.memory_space<vmem>> -> memref<128xi32, #tpu.memory_space<vmem>>
      %dma_start3A_145 = arith.constant 0 : i32
      %dma_start3A_146 = arith.constant 0 : i32
      %dma_start3A_147 = tpu.memref_slice %arg3[%dma_start3A_145, %dma_start3A_146] : memref<1292026x256xf32, #tpu.memory_space<hbm>> -> memref<1292026x256xf32, #tpu.memory_space<hbm>>
      tpu.enqueue_indirect_dma source(%dma_start3A_147 : memref<1292026x256xf32, #tpu.memory_space<hbm>>) target(%arg7 : memref<128x256xf32, #tpu.memory_space<vmem>>) offsets(%dma_start3A_144 : memref<128xi32, #tpu.memory_space<vmem>>) semaphore(%arg12 : memref<!tpu.dma_semaphore, #tpu.memory_space<semaphore_mem>>)
      %dma_wait3A_148 = arith.constant 0 : i32
      %dma_wait3A_149 = arith.constant 0 : i32
      %dma_wait3A_150 = tpu.memref_slice %arg3[%dma_wait3A_148, %dma_wait3A_149] : memref<1292026x256xf32, #tpu.memory_space<hbm>> -> memref<128x256xf32, #tpu.memory_space<hbm>>
      %dma_wait3A_151 = arith.constant 0 : i32
      %dma_wait3A_152 = arith.constant 0 : i32
      %dma_wait3A_153 = tpu.memref_slice %arg3[%dma_wait3A_151, %dma_wait3A_152] : memref<1292026x256xf32, #tpu.memory_space<hbm>> -> memref<128x256xf32, #tpu.memory_space<hbm>>
      tpu.wait_dma2 semaphore(%arg11 : memref<!tpu.dma_semaphore, #tpu.memory_space<semaphore_mem>>) src(%dma_wait3A_153 : memref<128x256xf32, #tpu.memory_space<hbm>>) dst(%arg6 : memref<128x256xf32, #tpu.memory_space<vmem>>)
      %broadcast_in_dim3A_154 = arith.constant 1 : i32
      %broadcast_in_dim3A_155 = vector.broadcast %broadcast_in_dim3A_154 : i32 to vector<16xi32>
      %broadcast_in_dim3A_156 = arith.constant 0 : i32
      %broadcast_in_dim3A_157 = vector.broadcast %broadcast_in_dim3A_156 : i32 to vector<16xi32>
      %broadcast_in_dim3A_158 = vector.broadcast %mul3A_139 : i32 to vector<16xi32>
      %add3A_159 = arith.constant 0 : i32
      %add3A_160 = vector.broadcast %add3A_159 : i32 to vector<16xi32>
      %add3A_161 = arith.addi %iota3A, %add3A_160 : vector<16xi32>
      %gather3A_162 = tpu.vector_load_idx %arg5[%broadcast_in_dim3A_158, %add3A_161] : memref<64x128xi32, #tpu.memory_space<vmem>>[vector<16xi32>, vector<16xi32>], vector<16xi32>,
      %eq3A = arith.constant 1292025 : i32
      %eq3A_163 = vector.broadcast %eq3A : i32 to vector<16xi32>
      %eq3A_164 = arith.cmpi eq, %gather3A_162, %eq3A_163 : vector<16xi32>
      %add3A_165 = arith.constant 0 : i32
      %add3A_166 = vector.broadcast %add3A_165 : i32 to vector<16xi32>
      %add3A_167 = arith.addi %iota3A, %add3A_166 : vector<16xi32>
      %ge3A = arith.constant 0 : i32
      %ge3A_168 = vector.broadcast %ge3A : i32 to vector<16xi32>
      %ge3A_169 = arith.cmpi sge, %add3A_167, %ge3A_168 : vector<16xi32>
      %lt3A = arith.constant 50 : i32
      %lt3A_170 = vector.broadcast %lt3A : i32 to vector<16xi32>
      %lt3A_171 = arith.cmpi slt, %add3A_167, %lt3A_170 : vector<16xi32>
      %and3A = arith.andi %ge3A_169, %lt3A_171 : vector<16xi1>
      %and3A_172 = arith.andi %eq3A_164, %and3A : vector<16xi1>
      %select_n3A = arith.select %and3A_172, %broadcast_in_dim3A_155, %broadcast_in_dim3A_157 : vector<16xi1>, vector<16xi32>
      %add3A_173 = arith.addi %broadcast_in_dim3A_157, %select_n3A : vector<16xi32>
      %ge3A_174 = arith.constant 50 : i32
      %ge3A_175 = vector.broadcast %ge3A_174 : i32 to vector<16xi32>
      %ge3A_176 = arith.cmpi sge, %add3A_167, %ge3A_175 : vector<16xi32>
      %lt3A_177 = arith.constant 100 : i32
      %lt3A_178 = vector.broadcast %lt3A_177 : i32 to vector<16xi32>
      %lt3A_179 = arith.cmpi slt, %add3A_167, %lt3A_178 : vector<16xi32>
      %and3A_180 = arith.andi %ge3A_176, %lt3A_179 : vector<16xi1>
      %and3A_181 = arith.andi %eq3A_164, %and3A_180 : vector<16xi1>
      %select_n3A_182 = arith.select %and3A_181, %broadcast_in_dim3A_155, %broadcast_in_dim3A_157 : vector<16xi1>, vector<16xi32>
      %add3A_183 = arith.addi %broadcast_in_dim3A_157, %select_n3A_182 : vector<16xi32>
      %add3A_184 = arith.constant 16 : i32
      %add3A_185 = vector.broadcast %add3A_184 : i32 to vector<16xi32>
      %add3A_186 = arith.addi %iota3A, %add3A_185 : vector<16xi32>
      %gather3A_187 = tpu.vector_load_idx %arg5[%broadcast_in_dim3A_158, %add3A_186] : memref<64x128xi32, #tpu.memory_space<vmem>>[vector<16xi32>, vector<16xi32>], vector<16xi32>,
      %eq3A_188 = arith.constant 1292025 : i32
      %eq3A_189 = vector.broadcast %eq3A_188 : i32 to vector<16xi32>
      %eq3A_190 = arith.cmpi eq, %gather3A_187, %eq3A_189 : vector<16xi32>
      %add3A_191 = arith.constant 16 : i32
      %add3A_192 = vector.broadcast %add3A_191 : i32 to vector<16xi32>
      %add3A_193 = arith.addi %iota3A, %add3A_192 : vector<16xi32>
      %ge3A_194 = arith.constant 0 : i32
      %ge3A_195 = vector.broadcast %ge3A_194 : i32 to vector<16xi32>
      %ge3A_196 = arith.cmpi sge, %add3A_193, %ge3A_195 : vector<16xi32>
      %lt3A_197 = arith.constant 50 : i32
      %lt3A_198 = vector.broadcast %lt3A_197 : i32 to vector<16xi32>
      %lt3A_199 = arith.cmpi slt, %add3A_193, %lt3A_198 : vector<16xi32>
      %and3A_200 = arith.andi %ge3A_196, %lt3A_199 : vector<16xi1>
      %and3A_201 = arith.andi %eq3A_190, %and3A_200 : vector<16xi1>
      %select_n3A_202 = arith.select %and3A_201, %broadcast_in_dim3A_155, %broadcast_in_dim3A_157 : vector<16xi1>, vector<16xi32>
      %add3A_203 = arith.addi %add3A_173, %select_n3A_202 : vector<16xi32>
      %ge3A_204 = arith.constant 50 : i32
      %ge3A_205 = vector.broadcast %ge3A_204 : i32 to vector<16xi32>
      %ge3A_206 = arith.cmpi sge, %add3A_193, %ge3A_205 : vector<16xi32>
      %lt3A_207 = arith.constant 100 : i32
      %lt3A_208 = vector.broadcast %lt3A_207 : i32 to vector<16xi32>
      %lt3A_209 = arith.cmpi slt, %add3A_193, %lt3A_208 : vector<16xi32>
      %and3A_210 = arith.andi %ge3A_206, %lt3A_209 : vector<16xi1>
      %and3A_211 = arith.andi %eq3A_190, %and3A_210 : vector<16xi1>
      %select_n3A_212 = arith.select %and3A_211, %broadcast_in_dim3A_155, %broadcast_in_dim3A_157 : vector<16xi1>, vector<16xi32>
      %add3A_213 = arith.addi %add3A_183, %select_n3A_212 : vector<16xi32>
      %add3A_214 = arith.constant 32 : i32
      %add3A_215 = vector.broadcast %add3A_214 : i32 to vector<16xi32>
      %add3A_216 = arith.addi %iota3A, %add3A_215 : vector<16xi32>
      %gather3A_217 = tpu.vector_load_idx %arg5[%broadcast_in_dim3A_158, %add3A_216] : memref<64x128xi32, #tpu.memory_space<vmem>>[vector<16xi32>, vector<16xi32>], vector<16xi32>,
      %eq3A_218 = arith.constant 1292025 : i32
      %eq3A_219 = vector.broadcast %eq3A_218 : i32 to vector<16xi32>
      %eq3A_220 = arith.cmpi eq, %gather3A_217, %eq3A_219 : vector<16xi32>
      %add3A_221 = arith.constant 32 : i32
      %add3A_222 = vector.broadcast %add3A_221 : i32 to vector<16xi32>
      %add3A_223 = arith.addi %iota3A, %add3A_222 : vector<16xi32>
      %ge3A_224 = arith.constant 0 : i32
      %ge3A_225 = vector.broadcast %ge3A_224 : i32 to vector<16xi32>
      %ge3A_226 = arith.cmpi sge, %add3A_223, %ge3A_225 : vector<16xi32>
      %lt3A_227 = arith.constant 50 : i32
      %lt3A_228 = vector.broadcast %lt3A_227 : i32 to vector<16xi32>
      %lt3A_229 = arith.cmpi slt, %add3A_223, %lt3A_228 : vector<16xi32>
      %and3A_230 = arith.andi %ge3A_226, %lt3A_229 : vector<16xi1>
      %and3A_231 = arith.andi %eq3A_220, %and3A_230 : vector<16xi1>
      %select_n3A_232 = arith.select %and3A_231, %broadcast_in_dim3A_155, %broadcast_in_dim3A_157 : vector<16xi1>, vector<16xi32>
      %add3A_233 = arith.addi %add3A_203, %select_n3A_232 : vector<16xi32>
      %ge3A_234 = arith.constant 50 : i32
      %ge3A_235 = vector.broadcast %ge3A_234 : i32 to vector<16xi32>
      %ge3A_236 = arith.cmpi sge, %add3A_223, %ge3A_235 : vector<16xi32>
      %lt3A_237 = arith.constant 100 : i32
      %lt3A_238 = vector.broadcast %lt3A_237 : i32 to vector<16xi32>
      %lt3A_239 = arith.cmpi slt, %add3A_223, %lt3A_238 : vector<16xi32>
      %and3A_240 = arith.andi %ge3A_236, %lt3A_239 : vector<16xi1>
      %and3A_241 = arith.andi %eq3A_220, %and3A_240 : vector<16xi1>
      %select_n3A_242 = arith.select %and3A_241, %broadcast_in_dim3A_155, %broadcast_in_dim3A_157 : vector<16xi1>, vector<16xi32>
      %add3A_243 = arith.addi %add3A_213, %select_n3A_242 : vector<16xi32>
      %add3A_244 = arith.constant 48 : i32
      %add3A_245 = vector.broadcast %add3A_244 : i32 to vector<16xi32>
      %add3A_246 = arith.addi %iota3A, %add3A_245 : vector<16xi32>
      %gather3A_247 = tpu.vector_load_idx %arg5[%broadcast_in_dim3A_158, %add3A_246] : memref<64x128xi32, #tpu.memory_space<vmem>>[vector<16xi32>, vector<16xi32>], vector<16xi32>,
      %eq3A_248 = arith.constant 1292025 : i32
      %eq3A_249 = vector.broadcast %eq3A_248 : i32 to vector<16xi32>
      %eq3A_250 = arith.cmpi eq, %gather3A_247, %eq3A_249 : vector<16xi32>
      %add3A_251 = arith.constant 48 : i32
      %add3A_252 = vector.broadcast %add3A_251 : i32 to vector<16xi32>
      %add3A_253 = arith.addi %iota3A, %add3A_252 : vector<16xi32>
      %ge3A_254 = arith.constant 0 : i32
      %ge3A_255 = vector.broadcast %ge3A_254 : i32 to vector<16xi32>
      %ge3A_256 = arith.cmpi sge, %add3A_253, %ge3A_255 : vector<16xi32>
      %lt3A_257 = arith.constant 50 : i32
      %lt3A_258 = vector.broadcast %lt3A_257 : i32 to vector<16xi32>
      %lt3A_259 = arith.cmpi slt, %add3A_253, %lt3A_258 : vector<16xi32>
      %and3A_260 = arith.andi %ge3A_256, %lt3A_259 : vector<16xi1>
      %and3A_261 = arith.andi %eq3A_250, %and3A_260 : vector<16xi1>
      %select_n3A_262 = arith.select %and3A_261, %broadcast_in_dim3A_155, %broadcast_in_dim3A_157 : vector<16xi1>, vector<16xi32>
      %add3A_263 = arith.addi %add3A_233, %select_n3A_262 : vector<16xi32>
      %ge3A_264 = arith.constant 50 : i32
      %ge3A_265 = vector.broadcast %ge3A_264 : i32 to vector<16xi32>
      %ge3A_266 = arith.cmpi sge, %add3A_253, %ge3A_265 : vector<16xi32>
      %lt3A_267 = arith.constant 100 : i32
      %lt3A_268 = vector.broadcast %lt3A_267 : i32 to vector<16xi32>
      %lt3A_269 = arith.cmpi slt, %add3A_253, %lt3A_268 : vector<16xi32>
      %and3A_270 = arith.andi %ge3A_266, %lt3A_269 : vector<16xi1>
      %and3A_271 = arith.andi %eq3A_250, %and3A_270 : vector<16xi1>
      %select_n3A_272 = arith.select %and3A_271, %broadcast_in_dim3A_155, %broadcast_in_dim3A_157 : vector<16xi1>, vector<16xi32>
      %add3A_273 = arith.addi %add3A_243, %select_n3A_272 : vector<16xi32>
      %add3A_274 = arith.constant 64 : i32
      %add3A_275 = vector.broadcast %add3A_274 : i32 to vector<16xi32>
      %add3A_276 = arith.addi %iota3A, %add3A_275 : vector<16xi32>
      %gather3A_277 = tpu.vector_load_idx %arg5[%broadcast_in_dim3A_158, %add3A_276] : memref<64x128xi32, #tpu.memory_space<vmem>>[vector<16xi32>, vector<16xi32>], vector<16xi32>,
      %eq3A_278 = arith.constant 1292025 : i32
      %eq3A_279 = vector.broadcast %eq3A_278 : i32 to vector<16xi32>
      %eq3A_280 = arith.cmpi eq, %gather3A_277, %eq3A_279 : vector<16xi32>
      %add3A_281 = arith.constant 64 : i32
      %add3A_282 = vector.broadcast %add3A_281 : i32 to vector<16xi32>
      %add3A_283 = arith.addi %iota3A, %add3A_282 : vector<16xi32>
      %ge3A_284 = arith.constant 0 : i32
      %ge3A_285 = vector.broadcast %ge3A_284 : i32 to vector<16xi32>
      %ge3A_286 = arith.cmpi sge, %add3A_283, %ge3A_285 : vector<16xi32>
      %lt3A_287 = arith.constant 50 : i32
      %lt3A_288 = vector.broadcast %lt3A_287 : i32 to vector<16xi32>
      %lt3A_289 = arith.cmpi slt, %add3A_283, %lt3A_288 : vector<16xi32>
      %and3A_290 = arith.andi %ge3A_286, %lt3A_289 : vector<16xi1>
      %and3A_291 = arith.andi %eq3A_280, %and3A_290 : vector<16xi1>
      %select_n3A_292 = arith.select %and3A_291, %broadcast_in_dim3A_155, %broadcast_in_dim3A_157 : vector<16xi1>, vector<16xi32>
      %add3A_293 = arith.addi %add3A_263, %select_n3A_292 : vector<16xi32>
      %ge3A_294 = arith.constant 50 : i32
      %ge3A_295 = vector.broadcast %ge3A_294 : i32 to vector<16xi32>
      %ge3A_296 = arith.cmpi sge, %add3A_283, %ge3A_295 : vector<16xi32>
      %lt3A_297 = arith.constant 100 : i32
      %lt3A_298 = vector.broadcast %lt3A_297 : i32 to vector<16xi32>
      %lt3A_299 = arith.cmpi slt, %add3A_283, %lt3A_298 : vector<16xi32>
      %and3A_300 = arith.andi %ge3A_296, %lt3A_299 : vector<16xi1>
      %and3A_301 = arith.andi %eq3A_280, %and3A_300 : vector<16xi1>
      %select_n3A_302 = arith.select %and3A_301, %broadcast_in_dim3A_155, %broadcast_in_dim3A_157 : vector<16xi1>, vector<16xi32>
      %add3A_303 = arith.addi %add3A_273, %select_n3A_302 : vector<16xi32>
      %add3A_304 = arith.constant 80 : i32
      %add3A_305 = vector.broadcast %add3A_304 : i32 to vector<16xi32>
      %add3A_306 = arith.addi %iota3A, %add3A_305 : vector<16xi32>
      %gather3A_307 = tpu.vector_load_idx %arg5[%broadcast_in_dim3A_158, %add3A_306] : memref<64x128xi32, #tpu.memory_space<vmem>>[vector<16xi32>, vector<16xi32>], vector<16xi32>,
      %eq3A_308 = arith.constant 1292025 : i32
      %eq3A_309 = vector.broadcast %eq3A_308 : i32 to vector<16xi32>
      %eq3A_310 = arith.cmpi eq, %gather3A_307, %eq3A_309 : vector<16xi32>
      %add3A_311 = arith.constant 80 : i32
      %add3A_312 = vector.broadcast %add3A_311 : i32 to vector<16xi32>
      %add3A_313 = arith.addi %iota3A, %add3A_312 : vector<16xi32>
      %ge3A_314 = arith.constant 0 : i32
      %ge3A_315 = vector.broadcast %ge3A_314 : i32 to vector<16xi32>
      %ge3A_316 = arith.cmpi sge, %add3A_313, %ge3A_315 : vector<16xi32>
      %lt3A_317 = arith.constant 50 : i32
      %lt3A_318 = vector.broadcast %lt3A_317 : i32 to vector<16xi32>
      %lt3A_319 = arith.cmpi slt, %add3A_313, %lt3A_318 : vector<16xi32>
      %and3A_320 = arith.andi %ge3A_316, %lt3A_319 : vector<16xi1>
      %and3A_321 = arith.andi %eq3A_310, %and3A_320 : vector<16xi1>
      %select_n3A_322 = arith.select %and3A_321, %broadcast_in_dim3A_155, %broadcast_in_dim3A_157 : vector<16xi1>, vector<16xi32>
      %add3A_323 = arith.addi %add3A_293, %select_n3A_322 : vector<16xi32>
      %ge3A_324 = arith.constant 50 : i32
      %ge3A_325 = vector.broadcast %ge3A_324 : i32 to vector<16xi32>
      %ge3A_326 = arith.cmpi sge, %add3A_313, %ge3A_325 : vector<16xi32>
      %lt3A_327 = arith.constant 100 : i32
      %lt3A_328 = vector.broadcast %lt3A_327 : i32 to vector<16xi32>
      %lt3A_329 = arith.cmpi slt, %add3A_313, %lt3A_328 : vector<16xi32>
      %and3A_330 = arith.andi %ge3A_326, %lt3A_329 : vector<16xi1>
      %and3A_331 = arith.andi %eq3A_310, %and3A_330 : vector<16xi1>
      %select_n3A_332 = arith.select %and3A_331, %broadcast_in_dim3A_155, %broadcast_in_dim3A_157 : vector<16xi1>, vector<16xi32>
      %add3A_333 = arith.addi %add3A_303, %select_n3A_332 : vector<16xi32>
      %add3A_334 = arith.constant 96 : i32
      %add3A_335 = vector.broadcast %add3A_334 : i32 to vector<16xi32>
      %add3A_336 = arith.addi %iota3A, %add3A_335 : vector<16xi32>
      %gather3A_337 = tpu.vector_load_idx %arg5[%broadcast_in_dim3A_158, %add3A_336] : memref<64x128xi32, #tpu.memory_space<vmem>>[vector<16xi32>, vector<16xi32>], vector<16xi32>,
      %eq3A_338 = arith.constant 1292025 : i32
      %eq3A_339 = vector.broadcast %eq3A_338 : i32 to vector<16xi32>
      %eq3A_340 = arith.cmpi eq, %gather3A_337, %eq3A_339 : vector<16xi32>
      %add3A_341 = arith.constant 96 : i32
      %add3A_342 = vector.broadcast %add3A_341 : i32 to vector<16xi32>
      %add3A_343 = arith.addi %iota3A, %add3A_342 : vector<16xi32>
      %ge3A_344 = arith.constant 0 : i32
      %ge3A_345 = vector.broadcast %ge3A_344 : i32 to vector<16xi32>
      %ge3A_346 = arith.cmpi sge, %add3A_343, %ge3A_345 : vector<16xi32>
      %lt3A_347 = arith.constant 50 : i32
      %lt3A_348 = vector.broadcast %lt3A_347 : i32 to vector<16xi32>
      %lt3A_349 = arith.cmpi slt, %add3A_343, %lt3A_348 : vector<16xi32>
      %and3A_350 = arith.andi %ge3A_346, %lt3A_349 : vector<16xi1>
      %and3A_351 = arith.andi %eq3A_340, %and3A_350 : vector<16xi1>
      %select_n3A_352 = arith.select %and3A_351, %broadcast_in_dim3A_155, %broadcast_in_dim3A_157 : vector<16xi1>, vector<16xi32>
      %add3A_353 = arith.addi %add3A_323, %select_n3A_352 : vector<16xi32>
      %ge3A_354 = arith.constant 50 : i32
      %ge3A_355 = vector.broadcast %ge3A_354 : i32 to vector<16xi32>
      %ge3A_356 = arith.cmpi sge, %add3A_343, %ge3A_355 : vector<16xi32>
      %lt3A_357 = arith.constant 100 : i32
      %lt3A_358 = vector.broadcast %lt3A_357 : i32 to vector<16xi32>
      %lt3A_359 = arith.cmpi slt, %add3A_343, %lt3A_358 : vector<16xi32>
      %and3A_360 = arith.andi %ge3A_356, %lt3A_359 : vector<16xi1>
      %and3A_361 = arith.andi %eq3A_340, %and3A_360 : vector<16xi1>
      %select_n3A_362 = arith.select %and3A_361, %broadcast_in_dim3A_155, %broadcast_in_dim3A_157 : vector<16xi1>, vector<16xi32>
      %add3A_363 = arith.addi %add3A_333, %select_n3A_362 : vector<16xi32>
      %add3A_364 = arith.constant 112 : i32
      %add3A_365 = vector.broadcast %add3A_364 : i32 to vector<16xi32>
      %add3A_366 = arith.addi %iota3A, %add3A_365 : vector<16xi32>
      %gather3A_367 = tpu.vector_load_idx %arg5[%broadcast_in_dim3A_158, %add3A_366] : memref<64x128xi32, #tpu.memory_space<vmem>>[vector<16xi32>, vector<16xi32>], vector<16xi32>,
      %eq3A_368 = arith.constant 1292025 : i32
      %eq3A_369 = vector.broadcast %eq3A_368 : i32 to vector<16xi32>
      %eq3A_370 = arith.cmpi eq, %gather3A_367, %eq3A_369 : vector<16xi32>
      %add3A_371 = arith.constant 112 : i32
      %add3A_372 = vector.broadcast %add3A_371 : i32 to vector<16xi32>
      %add3A_373 = arith.addi %iota3A, %add3A_372 : vector<16xi32>
      %ge3A_374 = arith.constant 0 : i32
      %ge3A_375 = vector.broadcast %ge3A_374 : i32 to vector<16xi32>
      %ge3A_376 = arith.cmpi sge, %add3A_373, %ge3A_375 : vector<16xi32>
      %lt3A_377 = arith.constant 50 : i32
      %lt3A_378 = vector.broadcast %lt3A_377 : i32 to vector<16xi32>
      %lt3A_379 = arith.cmpi slt, %add3A_373, %lt3A_378 : vector<16xi32>
      %and3A_380 = arith.andi %ge3A_376, %lt3A_379 : vector<16xi1>
      %and3A_381 = arith.andi %eq3A_370, %and3A_380 : vector<16xi1>
      %select_n3A_382 = arith.select %and3A_381, %broadcast_in_dim3A_155, %broadcast_in_dim3A_157 : vector<16xi1>, vector<16xi32>
      %add3A_383 = arith.addi %add3A_353, %select_n3A_382 : vector<16xi32>
      %ge3A_384 = arith.constant 50 : i32
      %ge3A_385 = vector.broadcast %ge3A_384 : i32 to vector<16xi32>
      %ge3A_386 = arith.cmpi sge, %add3A_373, %ge3A_385 : vector<16xi32>
      %lt3A_387 = arith.constant 100 : i32
      %lt3A_388 = vector.broadcast %lt3A_387 : i32 to vector<16xi32>
      %lt3A_389 = arith.cmpi slt, %add3A_373, %lt3A_388 : vector<16xi32>
      %and3A_390 = arith.andi %ge3A_386, %lt3A_389 : vector<16xi1>
      %and3A_391 = arith.andi %eq3A_370, %and3A_390 : vector<16xi1>
      %select_n3A_392 = arith.select %and3A_391, %broadcast_in_dim3A_155, %broadcast_in_dim3A_157 : vector<16xi1>, vector<16xi32>
      %add3A_393 = arith.addi %add3A_363, %select_n3A_392 : vector<16xi32>
      %reduce_sum3A = arith.constant true
      %reduce_sum3A_394 = vector.broadcast %reduce_sum3A : i1 to vector<16xi1>
      %reduce_sum3A_395 = tpu.scan <sum>, %add3A_383 masked %reduce_sum3A_394 : vector<16xi32>, vector<16xi1> -> vector<16xi32>
      %reduce_sum3A_396 = vector.extract %reduce_sum3A_395[15] : i32 from vector<16xi32>
      %convert_element_type3A = arith.sitofp %reduce_sum3A_396 : i32 to f32
      %broadcast_in_dim3A_397 = arith.constant 0.000000e+00 : f32
      %broadcast_in_dim3A_398 = vector.broadcast %broadcast_in_dim3A_397 : f32 to vector<16xf32>
      %scan3A_399 = arith.constant 0 : i32
      %scan3A_400 = arith.constant 50 : i32
      %scan3A_401 = arith.addi %scan3A_399, %scan3A_400 : i32
      %scan3A_402 = arith.constant 1 : i32
      %scan3A_403:16 = scf.for %scan3A_916 = %scan3A_399 to %scan3A_401 step %scan3A_402 iter_args(%scan3A_917 = %broadcast_in_dim3A_398, %scan3A_918 = %broadcast_in_dim3A_398, %scan3A_919 = %broadcast_in_dim3A_398, %scan3A_920 = %broadcast_in_dim3A_398, %scan3A_921 = %broadcast_in_dim3A_398, %scan3A_922 = %broadcast_in_dim3A_398, %scan3A_923 = %broadcast_in_dim3A_398, %scan3A_924 = %broadcast_in_dim3A_398, %scan3A_925 = %broadcast_in_dim3A_398, %scan3A_926 = %broadcast_in_dim3A_398, %scan3A_927 = %broadcast_in_dim3A_398, %scan3A_928 = %broadcast_in_dim3A_398, %scan3A_929 = %broadcast_in_dim3A_398, %scan3A_930 = %broadcast_in_dim3A_398, %scan3A_931 = %broadcast_in_dim3A_398, %scan3A_932 = %broadcast_in_dim3A_398) -> (vector<16xf32>, vector<16xf32>, vector<16xf32>, vector<16xf32>, vector<16xf32>, vector<16xf32>, vector<16xf32>, vector<16xf32>, vector<16xf32>, vector<16xf32>, vector<16xf32>, vector<16xf32>, vector<16xf32>, vector<16xf32>, vector<16xf32>, vector<16xf32>)  : i32 {
        %add3A_933 = arith.constant 0 : i32
        %add3A_934 = arith.addi %add3A_933, %scan3A_916 : i32
        %broadcast_in_dim3A_935 = vector.broadcast %add3A_934 : i32 to vector<16xi32>
        %gather3A_936 = tpu.vector_load_idx %arg6[%broadcast_in_dim3A_935, %add3A_77] : memref<128x256xf32, #tpu.memory_space<vmem>>[vector<16xi32>, vector<16xi32>], vector<16xf32>,
        %add3A_937 = arith.addf %scan3A_917, %gather3A_936 : vector<16xf32>
        %gather3A_938 = tpu.vector_load_idx %arg6[%broadcast_in_dim3A_935, %add3A_80] : memref<128x256xf32, #tpu.memory_space<vmem>>[vector<16xi32>, vector<16xi32>], vector<16xf32>,
        %add3A_939 = arith.addf %scan3A_918, %gather3A_938 : vector<16xf32>
        %gather3A_940 = tpu.vector_load_idx %arg6[%broadcast_in_dim3A_935, %add3A_83] : memref<128x256xf32, #tpu.memory_space<vmem>>[vector<16xi32>, vector<16xi32>], vector<16xf32>,
        %add3A_941 = arith.addf %scan3A_919, %gather3A_940 : vector<16xf32>
        %gather3A_942 = tpu.vector_load_idx %arg6[%broadcast_in_dim3A_935, %add3A_86] : memref<128x256xf32, #tpu.memory_space<vmem>>[vector<16xi32>, vector<16xi32>], vector<16xf32>,
        %add3A_943 = arith.addf %scan3A_920, %gather3A_942 : vector<16xf32>
        %gather3A_944 = tpu.vector_load_idx %arg6[%broadcast_in_dim3A_935, %add3A_89] : memref<128x256xf32, #tpu.memory_space<vmem>>[vector<16xi32>, vector<16xi32>], vector<16xf32>,
        %add3A_945 = arith.addf %scan3A_921, %gather3A_944 : vector<16xf32>
        %gather3A_946 = tpu.vector_load_idx %arg6[%broadcast_in_dim3A_935, %add3A_92] : memref<128x256xf32, #tpu.memory_space<vmem>>[vector<16xi32>, vector<16xi32>], vector<16xf32>,
        %add3A_947 = arith.addf %scan3A_922, %gather3A_946 : vector<16xf32>
        %gather3A_948 = tpu.vector_load_idx %arg6[%broadcast_in_dim3A_935, %add3A_95] : memref<128x256xf32, #tpu.memory_space<vmem>>[vector<16xi32>, vector<16xi32>], vector<16xf32>,
        %add3A_949 = arith.addf %scan3A_923, %gather3A_948 : vector<16xf32>
        %gather3A_950 = tpu.vector_load_idx %arg6[%broadcast_in_dim3A_935, %add3A_98] : memref<128x256xf32, #tpu.memory_space<vmem>>[vector<16xi32>, vector<16xi32>], vector<16xf32>,
        %add3A_951 = arith.addf %scan3A_924, %gather3A_950 : vector<16xf32>
        %gather3A_952 = tpu.vector_load_idx %arg6[%broadcast_in_dim3A_935, %add3A_101] : memref<128x256xf32, #tpu.memory_space<vmem>>[vector<16xi32>, vector<16xi32>], vector<16xf32>,
        %add3A_953 = arith.addf %scan3A_925, %gather3A_952 : vector<16xf32>
        %gather3A_954 = tpu.vector_load_idx %arg6[%broadcast_in_dim3A_935, %add3A_104] : memref<128x256xf32, #tpu.memory_space<vmem>>[vector<16xi32>, vector<16xi32>], vector<16xf32>,
        %add3A_955 = arith.addf %scan3A_926, %gather3A_954 : vector<16xf32>
        %gather3A_956 = tpu.vector_load_idx %arg6[%broadcast_in_dim3A_935, %add3A_107] : memref<128x256xf32, #tpu.memory_space<vmem>>[vector<16xi32>, vector<16xi32>], vector<16xf32>,
        %add3A_957 = arith.addf %scan3A_927, %gather3A_956 : vector<16xf32>
        %gather3A_958 = tpu.vector_load_idx %arg6[%broadcast_in_dim3A_935, %add3A_110] : memref<128x256xf32, #tpu.memory_space<vmem>>[vector<16xi32>, vector<16xi32>], vector<16xf32>,
        %add3A_959 = arith.addf %scan3A_928, %gather3A_958 : vector<16xf32>
        %gather3A_960 = tpu.vector_load_idx %arg6[%broadcast_in_dim3A_935, %add3A_113] : memref<128x256xf32, #tpu.memory_space<vmem>>[vector<16xi32>, vector<16xi32>], vector<16xf32>,
        %add3A_961 = arith.addf %scan3A_929, %gather3A_960 : vector<16xf32>
        %gather3A_962 = tpu.vector_load_idx %arg6[%broadcast_in_dim3A_935, %add3A_116] : memref<128x256xf32, #tpu.memory_space<vmem>>[vector<16xi32>, vector<16xi32>], vector<16xf32>,
        %add3A_963 = arith.addf %scan3A_930, %gather3A_962 : vector<16xf32>
        %gather3A_964 = tpu.vector_load_idx %arg6[%broadcast_in_dim3A_935, %add3A_119] : memref<128x256xf32, #tpu.memory_space<vmem>>[vector<16xi32>, vector<16xi32>], vector<16xf32>,
        %add3A_965 = arith.addf %scan3A_931, %gather3A_964 : vector<16xf32>
        %gather3A_966 = tpu.vector_load_idx %arg6[%broadcast_in_dim3A_935, %add3A_122] : memref<128x256xf32, #tpu.memory_space<vmem>>[vector<16xi32>, vector<16xi32>], vector<16xf32>,
        %add3A_967 = arith.addf %scan3A_932, %gather3A_966 : vector<16xf32>
        scf.yield %add3A_937, %add3A_939, %add3A_941, %add3A_943, %add3A_945, %add3A_947, %add3A_949, %add3A_951, %add3A_953, %add3A_955, %add3A_957, %add3A_959, %add3A_961, %add3A_963, %add3A_965, %add3A_967 : vector<16xf32>, vector<16xf32>, vector<16xf32>, vector<16xf32>, vector<16xf32>, vector<16xf32>, vector<16xf32>, vector<16xf32>, vector<16xf32>, vector<16xf32>, vector<16xf32>, vector<16xf32>, vector<16xf32>, vector<16xf32>, vector<16xf32>, vector<16xf32>
      }
      %scan3A_404 = arith.constant 50 : i32
      %mul3A_405 = arith.constant 2 : i32
      %mul3A_406 = arith.muli %mul3A_139, %mul3A_405 : i32
      %add3A_407 = arith.constant 0 : i32
      %add3A_408 = arith.addi %mul3A_406, %add3A_407 : i32
      %broadcast_in_dim3A_409 = vector.broadcast %add3A_408 : i32 to vector<16xi32>
      %mul3A_410 = vector.broadcast %convert_element_type3A : f32 to vector<16xf32>
      %mul3A_411 = arith.mulf %mul3A_410, %gather3A : vector<16xf32>
      %sub3A = arith.subf %scan3A_403#0, %mul3A_411 : vector<16xf32>
      tpu.vector_store_idx %arg8[%broadcast_in_dim3A_409, %add3A_77], %sub3A : memref<128x256xf32, #tpu.memory_space<vmem>>[vector<16xi32>, vector<16xi32>], vector<16xf32>,
      %mul3A_412 = vector.broadcast %convert_element_type3A : f32 to vector<16xf32>
      %mul3A_413 = arith.mulf %mul3A_412, %gather3A_18 : vector<16xf32>
      %sub3A_414 = arith.subf %scan3A_403#1, %mul3A_413 : vector<16xf32>
      tpu.vector_store_idx %arg8[%broadcast_in_dim3A_409, %add3A_80], %sub3A_414 : memref<128x256xf32, #tpu.memory_space<vmem>>[vector<16xi32>, vector<16xi32>], vector<16xf32>,
      %mul3A_415 = vector.broadcast %convert_element_type3A : f32 to vector<16xf32>
      %mul3A_416 = arith.mulf %mul3A_415, %gather3A_22 : vector<16xf32>
      %sub3A_417 = arith.subf %scan3A_403#2, %mul3A_416 : vector<16xf32>
      tpu.vector_store_idx %arg8[%broadcast_in_dim3A_409, %add3A_83], %sub3A_417 : memref<128x256xf32, #tpu.memory_space<vmem>>[vector<16xi32>, vector<16xi32>], vector<16xf32>,
      %mul3A_418 = vector.broadcast %convert_element_type3A : f32 to vector<16xf32>
      %mul3A_419 = arith.mulf %mul3A_418, %gather3A_26 : vector<16xf32>
      %sub3A_420 = arith.subf %scan3A_403#3, %mul3A_419 : vector<16xf32>
      tpu.vector_store_idx %arg8[%broadcast_in_dim3A_409, %add3A_86], %sub3A_420 : memref<128x256xf32, #tpu.memory_space<vmem>>[vector<16xi32>, vector<16xi32>], vector<16xf32>,
      %mul3A_421 = vector.broadcast %convert_element_type3A : f32 to vector<16xf32>
      %mul3A_422 = arith.mulf %mul3A_421, %gather3A_30 : vector<16xf32>
      %sub3A_423 = arith.subf %scan3A_403#4, %mul3A_422 : vector<16xf32>
      tpu.vector_store_idx %arg8[%broadcast_in_dim3A_409, %add3A_89], %sub3A_423 : memref<128x256xf32, #tpu.memory_space<vmem>>[vector<16xi32>, vector<16xi32>], vector<16xf32>,
      %mul3A_424 = vector.broadcast %convert_element_type3A : f32 to vector<16xf32>
      %mul3A_425 = arith.mulf %mul3A_424, %gather3A_34 : vector<16xf32>
      %sub3A_426 = arith.subf %scan3A_403#5, %mul3A_425 : vector<16xf32>
      tpu.vector_store_idx %arg8[%broadcast_in_dim3A_409, %add3A_92], %sub3A_426 : memref<128x256xf32, #tpu.memory_space<vmem>>[vector<16xi32>, vector<16xi32>], vector<16xf32>,
      %mul3A_427 = vector.broadcast %convert_element_type3A : f32 to vector<16xf32>
      %mul3A_428 = arith.mulf %mul3A_427, %gather3A_38 : vector<16xf32>
      %sub3A_429 = arith.subf %scan3A_403#6, %mul3A_428 : vector<16xf32>
      tpu.vector_store_idx %arg8[%broadcast_in_dim3A_409, %add3A_95], %sub3A_429 : memref<128x256xf32, #tpu.memory_space<vmem>>[vector<16xi32>, vector<16xi32>], vector<16xf32>,
      %mul3A_430 = vector.broadcast %convert_element_type3A : f32 to vector<16xf32>
      %mul3A_431 = arith.mulf %mul3A_430, %gather3A_42 : vector<16xf32>
      %sub3A_432 = arith.subf %scan3A_403#7, %mul3A_431 : vector<16xf32>
      tpu.vector_store_idx %arg8[%broadcast_in_dim3A_409, %add3A_98], %sub3A_432 : memref<128x256xf32, #tpu.memory_space<vmem>>[vector<16xi32>, vector<16xi32>], vector<16xf32>,
      %mul3A_433 = vector.broadcast %convert_element_type3A : f32 to vector<16xf32>
      %mul3A_434 = arith.mulf %mul3A_433, %gather3A_46 : vector<16xf32>
      %sub3A_435 = arith.subf %scan3A_403#8, %mul3A_434 : vector<16xf32>
      tpu.vector_store_idx %arg8[%broadcast_in_dim3A_409, %add3A_101], %sub3A_435 : memref<128x256xf32, #tpu.memory_space<vmem>>[vector<16xi32>, vector<16xi32>], vector<16xf32>,
      %mul3A_436 = vector.broadcast %convert_element_type3A : f32 to vector<16xf32>
      %mul3A_437 = arith.mulf %mul3A_436, %gather3A_50 : vector<16xf32>
      %sub3A_438 = arith.subf %scan3A_403#9, %mul3A_437 : vector<16xf32>
      tpu.vector_store_idx %arg8[%broadcast_in_dim3A_409, %add3A_104], %sub3A_438 : memref<128x256xf32, #tpu.memory_space<vmem>>[vector<16xi32>, vector<16xi32>], vector<16xf32>,
      %mul3A_439 = vector.broadcast %convert_element_type3A : f32 to vector<16xf32>
      %mul3A_440 = arith.mulf %mul3A_439, %gather3A_54 : vector<16xf32>
      %sub3A_441 = arith.subf %scan3A_403#10, %mul3A_440 : vector<16xf32>
      tpu.vector_store_idx %arg8[%broadcast_in_dim3A_409, %add3A_107], %sub3A_441 : memref<128x256xf32, #tpu.memory_space<vmem>>[vector<16xi32>, vector<16xi32>], vector<16xf32>,
      %mul3A_442 = vector.broadcast %convert_element_type3A : f32 to vector<16xf32>
      %mul3A_443 = arith.mulf %mul3A_442, %gather3A_58 : vector<16xf32>
      %sub3A_444 = arith.subf %scan3A_403#11, %mul3A_443 : vector<16xf32>
      tpu.vector_store_idx %arg8[%broadcast_in_dim3A_409, %add3A_110], %sub3A_444 : memref<128x256xf32, #tpu.memory_space<vmem>>[vector<16xi32>, vector<16xi32>], vector<16xf32>,
      %mul3A_445 = vector.broadcast %convert_element_type3A : f32 to vector<16xf32>
      %mul3A_446 = arith.mulf %mul3A_445, %gather3A_62 : vector<16xf32>
      %sub3A_447 = arith.subf %scan3A_403#12, %mul3A_446 : vector<16xf32>
      tpu.vector_store_idx %arg8[%broadcast_in_dim3A_409, %add3A_113], %sub3A_447 : memref<128x256xf32, #tpu.memory_space<vmem>>[vector<16xi32>, vector<16xi32>], vector<16xf32>,
      %mul3A_448 = vector.broadcast %convert_element_type3A : f32 to vector<16xf32>
      %mul3A_449 = arith.mulf %mul3A_448, %gather3A_66 : vector<16xf32>
      %sub3A_450 = arith.subf %scan3A_403#13, %mul3A_449 : vector<16xf32>
      tpu.vector_store_idx %arg8[%broadcast_in_dim3A_409, %add3A_116], %sub3A_450 : memref<128x256xf32, #tpu.memory_space<vmem>>[vector<16xi32>, vector<16xi32>], vector<16xf32>,
      %mul3A_451 = vector.broadcast %convert_element_type3A : f32 to vector<16xf32>
      %mul3A_452 = arith.mulf %mul3A_451, %gather3A_70 : vector<16xf32>
      %sub3A_453 = arith.subf %scan3A_403#14, %mul3A_452 : vector<16xf32>
      tpu.vector_store_idx %arg8[%broadcast_in_dim3A_409, %add3A_119], %sub3A_453 : memref<128x256xf32, #tpu.memory_space<vmem>>[vector<16xi32>, vector<16xi32>], vector<16xf32>,
      %mul3A_454 = vector.broadcast %convert_element_type3A : f32 to vector<16xf32>
      %mul3A_455 = arith.mulf %mul3A_454, %gather3A_74 : vector<16xf32>
      %sub3A_456 = arith.subf %scan3A_403#15, %mul3A_455 : vector<16xf32>
      tpu.vector_store_idx %arg8[%broadcast_in_dim3A_409, %add3A_122], %sub3A_456 : memref<128x256xf32, #tpu.memory_space<vmem>>[vector<16xi32>, vector<16xi32>], vector<16xf32>,
      %reduce_sum3A_457 = arith.constant true
      %reduce_sum3A_458 = vector.broadcast %reduce_sum3A_457 : i1 to vector<16xi1>
      %reduce_sum3A_459 = tpu.scan <sum>, %add3A_393 masked %reduce_sum3A_458 : vector<16xi32>, vector<16xi1> -> vector<16xi32>
      %reduce_sum3A_460 = vector.extract %reduce_sum3A_459[15] : i32 from vector<16xi32>
      %convert_element_type3A_461 = arith.sitofp %reduce_sum3A_460 : i32 to f32
      %broadcast_in_dim3A_462 = arith.constant 0.000000e+00 : f32
      %broadcast_in_dim3A_463 = vector.broadcast %broadcast_in_dim3A_462 : f32 to vector<16xf32>
      %scan3A_464 = arith.constant 0 : i32
      %scan3A_465 = arith.constant 50 : i32
      %scan3A_466 = arith.addi %scan3A_464, %scan3A_465 : i32
      %scan3A_467 = arith.constant 1 : i32
      %scan3A_468:16 = scf.for %scan3A_916 = %scan3A_464 to %scan3A_466 step %scan3A_467 iter_args(%scan3A_917 = %broadcast_in_dim3A_463, %scan3A_918 = %broadcast_in_dim3A_463, %scan3A_919 = %broadcast_in_dim3A_463, %scan3A_920 = %broadcast_in_dim3A_463, %scan3A_921 = %broadcast_in_dim3A_463, %scan3A_922 = %broadcast_in_dim3A_463, %scan3A_923 = %broadcast_in_dim3A_463, %scan3A_924 = %broadcast_in_dim3A_463, %scan3A_925 = %broadcast_in_dim3A_463, %scan3A_926 = %broadcast_in_dim3A_463, %scan3A_927 = %broadcast_in_dim3A_463, %scan3A_928 = %broadcast_in_dim3A_463, %scan3A_929 = %broadcast_in_dim3A_463, %scan3A_930 = %broadcast_in_dim3A_463, %scan3A_931 = %broadcast_in_dim3A_463, %scan3A_932 = %broadcast_in_dim3A_463) -> (vector<16xf32>, vector<16xf32>, vector<16xf32>, vector<16xf32>, vector<16xf32>, vector<16xf32>, vector<16xf32>, vector<16xf32>, vector<16xf32>, vector<16xf32>, vector<16xf32>, vector<16xf32>, vector<16xf32>, vector<16xf32>, vector<16xf32>, vector<16xf32>)  : i32 {
        %add3A_933 = arith.constant 50 : i32
        %add3A_934 = arith.addi %add3A_933, %scan3A_916 : i32
        %broadcast_in_dim3A_935 = vector.broadcast %add3A_934 : i32 to vector<16xi32>
        %gather3A_936 = tpu.vector_load_idx %arg6[%broadcast_in_dim3A_935, %add3A_77] : memref<128x256xf32, #tpu.memory_space<vmem>>[vector<16xi32>, vector<16xi32>], vector<16xf32>,
        %add3A_937 = arith.addf %scan3A_917, %gather3A_936 : vector<16xf32>
        %gather3A_938 = tpu.vector_load_idx %arg6[%broadcast_in_dim3A_935, %add3A_80] : memref<128x256xf32, #tpu.memory_space<vmem>>[vector<16xi32>, vector<16xi32>], vector<16xf32>,
        %add3A_939 = arith.addf %scan3A_918, %gather3A_938 : vector<16xf32>
        %gather3A_940 = tpu.vector_load_idx %arg6[%broadcast_in_dim3A_935, %add3A_83] : memref<128x256xf32, #tpu.memory_space<vmem>>[vector<16xi32>, vector<16xi32>], vector<16xf32>,
        %add3A_941 = arith.addf %scan3A_919, %gather3A_940 : vector<16xf32>
        %gather3A_942 = tpu.vector_load_idx %arg6[%broadcast_in_dim3A_935, %add3A_86] : memref<128x256xf32, #tpu.memory_space<vmem>>[vector<16xi32>, vector<16xi32>], vector<16xf32>,
        %add3A_943 = arith.addf %scan3A_920, %gather3A_942 : vector<16xf32>
        %gather3A_944 = tpu.vector_load_idx %arg6[%broadcast_in_dim3A_935, %add3A_89] : memref<128x256xf32, #tpu.memory_space<vmem>>[vector<16xi32>, vector<16xi32>], vector<16xf32>,
        %add3A_945 = arith.addf %scan3A_921, %gather3A_944 : vector<16xf32>
        %gather3A_946 = tpu.vector_load_idx %arg6[%broadcast_in_dim3A_935, %add3A_92] : memref<128x256xf32, #tpu.memory_space<vmem>>[vector<16xi32>, vector<16xi32>], vector<16xf32>,
        %add3A_947 = arith.addf %scan3A_922, %gather3A_946 : vector<16xf32>
        %gather3A_948 = tpu.vector_load_idx %arg6[%broadcast_in_dim3A_935, %add3A_95] : memref<128x256xf32, #tpu.memory_space<vmem>>[vector<16xi32>, vector<16xi32>], vector<16xf32>,
        %add3A_949 = arith.addf %scan3A_923, %gather3A_948 : vector<16xf32>
        %gather3A_950 = tpu.vector_load_idx %arg6[%broadcast_in_dim3A_935, %add3A_98] : memref<128x256xf32, #tpu.memory_space<vmem>>[vector<16xi32>, vector<16xi32>], vector<16xf32>,
        %add3A_951 = arith.addf %scan3A_924, %gather3A_950 : vector<16xf32>
        %gather3A_952 = tpu.vector_load_idx %arg6[%broadcast_in_dim3A_935, %add3A_101] : memref<128x256xf32, #tpu.memory_space<vmem>>[vector<16xi32>, vector<16xi32>], vector<16xf32>,
        %add3A_953 = arith.addf %scan3A_925, %gather3A_952 : vector<16xf32>
        %gather3A_954 = tpu.vector_load_idx %arg6[%broadcast_in_dim3A_935, %add3A_104] : memref<128x256xf32, #tpu.memory_space<vmem>>[vector<16xi32>, vector<16xi32>], vector<16xf32>,
        %add3A_955 = arith.addf %scan3A_926, %gather3A_954 : vector<16xf32>
        %gather3A_956 = tpu.vector_load_idx %arg6[%broadcast_in_dim3A_935, %add3A_107] : memref<128x256xf32, #tpu.memory_space<vmem>>[vector<16xi32>, vector<16xi32>], vector<16xf32>,
        %add3A_957 = arith.addf %scan3A_927, %gather3A_956 : vector<16xf32>
        %gather3A_958 = tpu.vector_load_idx %arg6[%broadcast_in_dim3A_935, %add3A_110] : memref<128x256xf32, #tpu.memory_space<vmem>>[vector<16xi32>, vector<16xi32>], vector<16xf32>,
        %add3A_959 = arith.addf %scan3A_928, %gather3A_958 : vector<16xf32>
        %gather3A_960 = tpu.vector_load_idx %arg6[%broadcast_in_dim3A_935, %add3A_113] : memref<128x256xf32, #tpu.memory_space<vmem>>[vector<16xi32>, vector<16xi32>], vector<16xf32>,
        %add3A_961 = arith.addf %scan3A_929, %gather3A_960 : vector<16xf32>
        %gather3A_962 = tpu.vector_load_idx %arg6[%broadcast_in_dim3A_935, %add3A_116] : memref<128x256xf32, #tpu.memory_space<vmem>>[vector<16xi32>, vector<16xi32>], vector<16xf32>,
        %add3A_963 = arith.addf %scan3A_930, %gather3A_962 : vector<16xf32>
        %gather3A_964 = tpu.vector_load_idx %arg6[%broadcast_in_dim3A_935, %add3A_119] : memref<128x256xf32, #tpu.memory_space<vmem>>[vector<16xi32>, vector<16xi32>], vector<16xf32>,
        %add3A_965 = arith.addf %scan3A_931, %gather3A_964 : vector<16xf32>
        %gather3A_966 = tpu.vector_load_idx %arg6[%broadcast_in_dim3A_935, %add3A_122] : memref<128x256xf32, #tpu.memory_space<vmem>>[vector<16xi32>, vector<16xi32>], vector<16xf32>,
        %add3A_967 = arith.addf %scan3A_932, %gather3A_966 : vector<16xf32>
        scf.yield %add3A_937, %add3A_939, %add3A_941, %add3A_943, %add3A_945, %add3A_947, %add3A_949, %add3A_951, %add3A_953, %add3A_955, %add3A_957, %add3A_959, %add3A_961, %add3A_963, %add3A_965, %add3A_967 : vector<16xf32>, vector<16xf32>, vector<16xf32>, vector<16xf32>, vector<16xf32>, vector<16xf32>, vector<16xf32>, vector<16xf32>, vector<16xf32>, vector<16xf32>, vector<16xf32>, vector<16xf32>, vector<16xf32>, vector<16xf32>, vector<16xf32>, vector<16xf32>
      }
      %scan3A_469 = arith.constant 50 : i32
      %mul3A_470 = arith.constant 2 : i32
      %mul3A_471 = arith.muli %mul3A_139, %mul3A_470 : i32
      %add3A_472 = arith.constant 1 : i32
      %add3A_473 = arith.addi %mul3A_471, %add3A_472 : i32
      %broadcast_in_dim3A_474 = vector.broadcast %add3A_473 : i32 to vector<16xi32>
      %mul3A_475 = vector.broadcast %convert_element_type3A_461 : f32 to vector<16xf32>
      %mul3A_476 = arith.mulf %mul3A_475, %gather3A : vector<16xf32>
      %sub3A_477 = arith.subf %scan3A_468#0, %mul3A_476 : vector<16xf32>
      tpu.vector_store_idx %arg8[%broadcast_in_dim3A_474, %add3A_77], %sub3A_477 : memref<128x256xf32, #tpu.memory_space<vmem>>[vector<16xi32>, vector<16xi32>], vector<16xf32>,
      %mul3A_478 = vector.broadcast %convert_element_type3A_461 : f32 to vector<16xf32>
      %mul3A_479 = arith.mulf %mul3A_478, %gather3A_18 : vector<16xf32>
      %sub3A_480 = arith.subf %scan3A_468#1, %mul3A_479 : vector<16xf32>
      tpu.vector_store_idx %arg8[%broadcast_in_dim3A_474, %add3A_80], %sub3A_480 : memref<128x256xf32, #tpu.memory_space<vmem>>[vector<16xi32>, vector<16xi32>], vector<16xf32>,
      %mul3A_481 = vector.broadcast %convert_element_type3A_461 : f32 to vector<16xf32>
      %mul3A_482 = arith.mulf %mul3A_481, %gather3A_22 : vector<16xf32>
      %sub3A_483 = arith.subf %scan3A_468#2, %mul3A_482 : vector<16xf32>
      tpu.vector_store_idx %arg8[%broadcast_in_dim3A_474, %add3A_83], %sub3A_483 : memref<128x256xf32, #tpu.memory_space<vmem>>[vector<16xi32>, vector<16xi32>], vector<16xf32>,
      %mul3A_484 = vector.broadcast %convert_element_type3A_461 : f32 to vector<16xf32>
      %mul3A_485 = arith.mulf %mul3A_484, %gather3A_26 : vector<16xf32>
      %sub3A_486 = arith.subf %scan3A_468#3, %mul3A_485 : vector<16xf32>
      tpu.vector_store_idx %arg8[%broadcast_in_dim3A_474, %add3A_86], %sub3A_486 : memref<128x256xf32, #tpu.memory_space<vmem>>[vector<16xi32>, vector<16xi32>], vector<16xf32>,
      %mul3A_487 = vector.broadcast %convert_element_type3A_461 : f32 to vector<16xf32>
      %mul3A_488 = arith.mulf %mul3A_487, %gather3A_30 : vector<16xf32>
      %sub3A_489 = arith.subf %scan3A_468#4, %mul3A_488 : vector<16xf32>
      tpu.vector_store_idx %arg8[%broadcast_in_dim3A_474, %add3A_89], %sub3A_489 : memref<128x256xf32, #tpu.memory_space<vmem>>[vector<16xi32>, vector<16xi32>], vector<16xf32>,
      %mul3A_490 = vector.broadcast %convert_element_type3A_461 : f32 to vector<16xf32>
      %mul3A_491 = arith.mulf %mul3A_490, %gather3A_34 : vector<16xf32>
      %sub3A_492 = arith.subf %scan3A_468#5, %mul3A_491 : vector<16xf32>
      tpu.vector_store_idx %arg8[%broadcast_in_dim3A_474, %add3A_92], %sub3A_492 : memref<128x256xf32, #tpu.memory_space<vmem>>[vector<16xi32>, vector<16xi32>], vector<16xf32>,
      %mul3A_493 = vector.broadcast %convert_element_type3A_461 : f32 to vector<16xf32>
      %mul3A_494 = arith.mulf %mul3A_493, %gather3A_38 : vector<16xf32>
      %sub3A_495 = arith.subf %scan3A_468#6, %mul3A_494 : vector<16xf32>
      tpu.vector_store_idx %arg8[%broadcast_in_dim3A_474, %add3A_95], %sub3A_495 : memref<128x256xf32, #tpu.memory_space<vmem>>[vector<16xi32>, vector<16xi32>], vector<16xf32>,
      %mul3A_496 = vector.broadcast %convert_element_type3A_461 : f32 to vector<16xf32>
      %mul3A_497 = arith.mulf %mul3A_496, %gather3A_42 : vector<16xf32>
      %sub3A_498 = arith.subf %scan3A_468#7, %mul3A_497 : vector<16xf32>
      tpu.vector_store_idx %arg8[%broadcast_in_dim3A_474, %add3A_98], %sub3A_498 : memref<128x256xf32, #tpu.memory_space<vmem>>[vector<16xi32>, vector<16xi32>], vector<16xf32>,
      %mul3A_499 = vector.broadcast %convert_element_type3A_461 : f32 to vector<16xf32>
      %mul3A_500 = arith.mulf %mul3A_499, %gather3A_46 : vector<16xf32>
      %sub3A_501 = arith.subf %scan3A_468#8, %mul3A_500 : vector<16xf32>
      tpu.vector_store_idx %arg8[%broadcast_in_dim3A_474, %add3A_101], %sub3A_501 : memref<128x256xf32, #tpu.memory_space<vmem>>[vector<16xi32>, vector<16xi32>], vector<16xf32>,
      %mul3A_502 = vector.broadcast %convert_element_type3A_461 : f32 to vector<16xf32>
      %mul3A_503 = arith.mulf %mul3A_502, %gather3A_50 : vector<16xf32>
      %sub3A_504 = arith.subf %scan3A_468#9, %mul3A_503 : vector<16xf32>
      tpu.vector_store_idx %arg8[%broadcast_in_dim3A_474, %add3A_104], %sub3A_504 : memref<128x256xf32, #tpu.memory_space<vmem>>[vector<16xi32>, vector<16xi32>], vector<16xf32>,
      %mul3A_505 = vector.broadcast %convert_element_type3A_461 : f32 to vector<16xf32>
      %mul3A_506 = arith.mulf %mul3A_505, %gather3A_54 : vector<16xf32>
      %sub3A_507 = arith.subf %scan3A_468#10, %mul3A_506 : vector<16xf32>
      tpu.vector_store_idx %arg8[%broadcast_in_dim3A_474, %add3A_107], %sub3A_507 : memref<128x256xf32, #tpu.memory_space<vmem>>[vector<16xi32>, vector<16xi32>], vector<16xf32>,
      %mul3A_508 = vector.broadcast %convert_element_type3A_461 : f32 to vector<16xf32>
      %mul3A_509 = arith.mulf %mul3A_508, %gather3A_58 : vector<16xf32>
      %sub3A_510 = arith.subf %scan3A_468#11, %mul3A_509 : vector<16xf32>
      tpu.vector_store_idx %arg8[%broadcast_in_dim3A_474, %add3A_110], %sub3A_510 : memref<128x256xf32, #tpu.memory_space<vmem>>[vector<16xi32>, vector<16xi32>], vector<16xf32>,
      %mul3A_511 = vector.broadcast %convert_element_type3A_461 : f32 to vector<16xf32>
      %mul3A_512 = arith.mulf %mul3A_511, %gather3A_62 : vector<16xf32>
      %sub3A_513 = arith.subf %scan3A_468#12, %mul3A_512 : vector<16xf32>
      tpu.vector_store_idx %arg8[%broadcast_in_dim3A_474, %add3A_113], %sub3A_513 : memref<128x256xf32, #tpu.memory_space<vmem>>[vector<16xi32>, vector<16xi32>], vector<16xf32>,
      %mul3A_514 = vector.broadcast %convert_element_type3A_461 : f32 to vector<16xf32>
      %mul3A_515 = arith.mulf %mul3A_514, %gather3A_66 : vector<16xf32>
      %sub3A_516 = arith.subf %scan3A_468#13, %mul3A_515 : vector<16xf32>
      tpu.vector_store_idx %arg8[%broadcast_in_dim3A_474, %add3A_116], %sub3A_516 : memref<128x256xf32, #tpu.memory_space<vmem>>[vector<16xi32>, vector<16xi32>], vector<16xf32>,
      %mul3A_517 = vector.broadcast %convert_element_type3A_461 : f32 to vector<16xf32>
      %mul3A_518 = arith.mulf %mul3A_517, %gather3A_70 : vector<16xf32>
      %sub3A_519 = arith.subf %scan3A_468#14, %mul3A_518 : vector<16xf32>
      tpu.vector_store_idx %arg8[%broadcast_in_dim3A_474, %add3A_119], %sub3A_519 : memref<128x256xf32, #tpu.memory_space<vmem>>[vector<16xi32>, vector<16xi32>], vector<16xf32>,
      %mul3A_520 = vector.broadcast %convert_element_type3A_461 : f32 to vector<16xf32>
      %mul3A_521 = arith.mulf %mul3A_520, %gather3A_74 : vector<16xf32>
      %sub3A_522 = arith.subf %scan3A_468#15, %mul3A_521 : vector<16xf32>
      tpu.vector_store_idx %arg8[%broadcast_in_dim3A_474, %add3A_122], %sub3A_522 : memref<128x256xf32, #tpu.memory_space<vmem>>[vector<16xi32>, vector<16xi32>], vector<16xf32>,
      %add3A_523 = arith.constant 2 : i32
      %add3A_524 = arith.addi %mul3A_139, %add3A_523 : i32
      %lt3A_525 = arith.constant 64 : i32
      %lt3A_526 = arith.cmpi slt, %add3A_524, %lt3A_525 : i32
      %convert_element_type3A_527 = arith.extui %lt3A_526 : i1 to i32
      %cond3A = arith.constant 0 : i32
      %cond3A_528 = arith.cmpi ne, %convert_element_type3A_527, %cond3A : i32
      scf.if %cond3A_528 {
        %add3A_916 = arith.constant 2 : i32
        %add3A_917 = arith.addi %mul3A_139, %add3A_916 : i32
        %dma_start3A_918 = arith.constant 0 : i32
        %dma_start3A_919 = tpu.memref_slice %arg5[%add3A_917, %dma_start3A_918] : memref<64x128xi32, #tpu.memory_space<vmem>> -> memref<1x128xi32, #tpu.memory_space<vmem>>
        %dma_start3A_920 = tpu.memref_squeeze %dma_start3A_919 : memref<1x128xi32, #tpu.memory_space<vmem>> -> memref<128xi32, #tpu.memory_space<vmem>>
        %dma_start3A_921 = arith.constant 0 : i32
        %dma_start3A_922 = arith.constant 0 : i32
        %dma_start3A_923 = tpu.memref_slice %arg3[%dma_start3A_921, %dma_start3A_922] : memref<1292026x256xf32, #tpu.memory_space<hbm>> -> memref<1292026x256xf32, #tpu.memory_space<hbm>>
        tpu.enqueue_indirect_dma source(%dma_start3A_923 : memref<1292026x256xf32, #tpu.memory_space<hbm>>) target(%arg6 : memref<128x256xf32, #tpu.memory_space<vmem>>) offsets(%dma_start3A_920 : memref<128xi32, #tpu.memory_space<vmem>>) semaphore(%arg11 : memref<!tpu.dma_semaphore, #tpu.memory_space<semaphore_mem>>)
      } else {
      }
      %add3A_529 = arith.constant 1 : i32
      %add3A_530 = arith.addi %mul3A_139, %add3A_529 : i32
      %dma_wait3A_531 = arith.constant 0 : i32
      %dma_wait3A_532 = arith.constant 0 : i32
      %dma_wait3A_533 = tpu.memref_slice %arg3[%dma_wait3A_531, %dma_wait3A_532] : memref<1292026x256xf32, #tpu.memory_space<hbm>> -> memref<128x256xf32, #tpu.memory_space<hbm>>
      %dma_wait3A_534 = arith.constant 0 : i32
      %dma_wait3A_535 = arith.constant 0 : i32
      %dma_wait3A_536 = tpu.memref_slice %arg3[%dma_wait3A_534, %dma_wait3A_535] : memref<1292026x256xf32, #tpu.memory_space<hbm>> -> memref<128x256xf32, #tpu.memory_space<hbm>>
      tpu.wait_dma2 semaphore(%arg12 : memref<!tpu.dma_semaphore, #tpu.memory_space<semaphore_mem>>) src(%dma_wait3A_536 : memref<128x256xf32, #tpu.memory_space<hbm>>) dst(%arg7 : memref<128x256xf32, #tpu.memory_space<vmem>>)
      %add3A_537 = arith.constant 1 : i32
      %add3A_538 = arith.addi %mul3A_139, %add3A_537 : i32
      %broadcast_in_dim3A_539 = arith.constant 1 : i32
      %broadcast_in_dim3A_540 = vector.broadcast %broadcast_in_dim3A_539 : i32 to vector<16xi32>
      %broadcast_in_dim3A_541 = arith.constant 0 : i32
      %broadcast_in_dim3A_542 = vector.broadcast %broadcast_in_dim3A_541 : i32 to vector<16xi32>
      %broadcast_in_dim3A_543 = vector.broadcast %add3A_538 : i32 to vector<16xi32>
      %add3A_544 = arith.constant 0 : i32
      %add3A_545 = vector.broadcast %add3A_544 : i32 to vector<16xi32>
      %add3A_546 = arith.addi %iota3A, %add3A_545 : vector<16xi32>
      %gather3A_547 = tpu.vector_load_idx %arg5[%broadcast_in_dim3A_543, %add3A_546] : memref<64x128xi32, #tpu.memory_space<vmem>>[vector<16xi32>, vector<16xi32>], vector<16xi32>,
      %eq3A_548 = arith.constant 1292025 : i32
      %eq3A_549 = vector.broadcast %eq3A_548 : i32 to vector<16xi32>
      %eq3A_550 = arith.cmpi eq, %gather3A_547, %eq3A_549 : vector<16xi32>
      %add3A_551 = arith.constant 0 : i32
      %add3A_552 = vector.broadcast %add3A_551 : i32 to vector<16xi32>
      %add3A_553 = arith.addi %iota3A, %add3A_552 : vector<16xi32>
      %ge3A_554 = arith.constant 0 : i32
      %ge3A_555 = vector.broadcast %ge3A_554 : i32 to vector<16xi32>
      %ge3A_556 = arith.cmpi sge, %add3A_553, %ge3A_555 : vector<16xi32>
      %lt3A_557 = arith.constant 50 : i32
      %lt3A_558 = vector.broadcast %lt3A_557 : i32 to vector<16xi32>
      %lt3A_559 = arith.cmpi slt, %add3A_553, %lt3A_558 : vector<16xi32>
      %and3A_560 = arith.andi %ge3A_556, %lt3A_559 : vector<16xi1>
      %and3A_561 = arith.andi %eq3A_550, %and3A_560 : vector<16xi1>
      %select_n3A_562 = arith.select %and3A_561, %broadcast_in_dim3A_540, %broadcast_in_dim3A_542 : vector<16xi1>, vector<16xi32>
      %add3A_563 = arith.addi %broadcast_in_dim3A_542, %select_n3A_562 : vector<16xi32>
      %ge3A_564 = arith.constant 50 : i32
      %ge3A_565 = vector.broadcast %ge3A_564 : i32 to vector<16xi32>
      %ge3A_566 = arith.cmpi sge, %add3A_553, %ge3A_565 : vector<16xi32>
      %lt3A_567 = arith.constant 100 : i32
      %lt3A_568 = vector.broadcast %lt3A_567 : i32 to vector<16xi32>
      %lt3A_569 = arith.cmpi slt, %add3A_553, %lt3A_568 : vector<16xi32>
      %and3A_570 = arith.andi %ge3A_566, %lt3A_569 : vector<16xi1>
      %and3A_571 = arith.andi %eq3A_550, %and3A_570 : vector<16xi1>
      %select_n3A_572 = arith.select %and3A_571, %broadcast_in_dim3A_540, %broadcast_in_dim3A_542 : vector<16xi1>, vector<16xi32>
      %add3A_573 = arith.addi %broadcast_in_dim3A_542, %select_n3A_572 : vector<16xi32>
      %add3A_574 = arith.constant 16 : i32
      %add3A_575 = vector.broadcast %add3A_574 : i32 to vector<16xi32>
      %add3A_576 = arith.addi %iota3A, %add3A_575 : vector<16xi32>
      %gather3A_577 = tpu.vector_load_idx %arg5[%broadcast_in_dim3A_543, %add3A_576] : memref<64x128xi32, #tpu.memory_space<vmem>>[vector<16xi32>, vector<16xi32>], vector<16xi32>,
      %eq3A_578 = arith.constant 1292025 : i32
      %eq3A_579 = vector.broadcast %eq3A_578 : i32 to vector<16xi32>
      %eq3A_580 = arith.cmpi eq, %gather3A_577, %eq3A_579 : vector<16xi32>
      %add3A_581 = arith.constant 16 : i32
      %add3A_582 = vector.broadcast %add3A_581 : i32 to vector<16xi32>
      %add3A_583 = arith.addi %iota3A, %add3A_582 : vector<16xi32>
      %ge3A_584 = arith.constant 0 : i32
      %ge3A_585 = vector.broadcast %ge3A_584 : i32 to vector<16xi32>
      %ge3A_586 = arith.cmpi sge, %add3A_583, %ge3A_585 : vector<16xi32>
      %lt3A_587 = arith.constant 50 : i32
      %lt3A_588 = vector.broadcast %lt3A_587 : i32 to vector<16xi32>
      %lt3A_589 = arith.cmpi slt, %add3A_583, %lt3A_588 : vector<16xi32>
      %and3A_590 = arith.andi %ge3A_586, %lt3A_589 : vector<16xi1>
      %and3A_591 = arith.andi %eq3A_580, %and3A_590 : vector<16xi1>
      %select_n3A_592 = arith.select %and3A_591, %broadcast_in_dim3A_540, %broadcast_in_dim3A_542 : vector<16xi1>, vector<16xi32>
      %add3A_593 = arith.addi %add3A_563, %select_n3A_592 : vector<16xi32>
      %ge3A_594 = arith.constant 50 : i32
      %ge3A_595 = vector.broadcast %ge3A_594 : i32 to vector<16xi32>
      %ge3A_596 = arith.cmpi sge, %add3A_583, %ge3A_595 : vector<16xi32>
      %lt3A_597 = arith.constant 100 : i32
      %lt3A_598 = vector.broadcast %lt3A_597 : i32 to vector<16xi32>
      %lt3A_599 = arith.cmpi slt, %add3A_583, %lt3A_598 : vector<16xi32>
      %and3A_600 = arith.andi %ge3A_596, %lt3A_599 : vector<16xi1>
      %and3A_601 = arith.andi %eq3A_580, %and3A_600 : vector<16xi1>
      %select_n3A_602 = arith.select %and3A_601, %broadcast_in_dim3A_540, %broadcast_in_dim3A_542 : vector<16xi1>, vector<16xi32>
      %add3A_603 = arith.addi %add3A_573, %select_n3A_602 : vector<16xi32>
      %add3A_604 = arith.constant 32 : i32
      %add3A_605 = vector.broadcast %add3A_604 : i32 to vector<16xi32>
      %add3A_606 = arith.addi %iota3A, %add3A_605 : vector<16xi32>
      %gather3A_607 = tpu.vector_load_idx %arg5[%broadcast_in_dim3A_543, %add3A_606] : memref<64x128xi32, #tpu.memory_space<vmem>>[vector<16xi32>, vector<16xi32>], vector<16xi32>,
      %eq3A_608 = arith.constant 1292025 : i32
      %eq3A_609 = vector.broadcast %eq3A_608 : i32 to vector<16xi32>
      %eq3A_610 = arith.cmpi eq, %gather3A_607, %eq3A_609 : vector<16xi32>
      %add3A_611 = arith.constant 32 : i32
      %add3A_612 = vector.broadcast %add3A_611 : i32 to vector<16xi32>
      %add3A_613 = arith.addi %iota3A, %add3A_612 : vector<16xi32>
      %ge3A_614 = arith.constant 0 : i32
      %ge3A_615 = vector.broadcast %ge3A_614 : i32 to vector<16xi32>
      %ge3A_616 = arith.cmpi sge, %add3A_613, %ge3A_615 : vector<16xi32>
      %lt3A_617 = arith.constant 50 : i32
      %lt3A_618 = vector.broadcast %lt3A_617 : i32 to vector<16xi32>
      %lt3A_619 = arith.cmpi slt, %add3A_613, %lt3A_618 : vector<16xi32>
      %and3A_620 = arith.andi %ge3A_616, %lt3A_619 : vector<16xi1>
      %and3A_621 = arith.andi %eq3A_610, %and3A_620 : vector<16xi1>
      %select_n3A_622 = arith.select %and3A_621, %broadcast_in_dim3A_540, %broadcast_in_dim3A_542 : vector<16xi1>, vector<16xi32>
      %add3A_623 = arith.addi %add3A_593, %select_n3A_622 : vector<16xi32>
      %ge3A_624 = arith.constant 50 : i32
      %ge3A_625 = vector.broadcast %ge3A_624 : i32 to vector<16xi32>
      %ge3A_626 = arith.cmpi sge, %add3A_613, %ge3A_625 : vector<16xi32>
      %lt3A_627 = arith.constant 100 : i32
      %lt3A_628 = vector.broadcast %lt3A_627 : i32 to vector<16xi32>
      %lt3A_629 = arith.cmpi slt, %add3A_613, %lt3A_628 : vector<16xi32>
      %and3A_630 = arith.andi %ge3A_626, %lt3A_629 : vector<16xi1>
      %and3A_631 = arith.andi %eq3A_610, %and3A_630 : vector<16xi1>
      %select_n3A_632 = arith.select %and3A_631, %broadcast_in_dim3A_540, %broadcast_in_dim3A_542 : vector<16xi1>, vector<16xi32>
      %add3A_633 = arith.addi %add3A_603, %select_n3A_632 : vector<16xi32>
      %add3A_634 = arith.constant 48 : i32
      %add3A_635 = vector.broadcast %add3A_634 : i32 to vector<16xi32>
      %add3A_636 = arith.addi %iota3A, %add3A_635 : vector<16xi32>
      %gather3A_637 = tpu.vector_load_idx %arg5[%broadcast_in_dim3A_543, %add3A_636] : memref<64x128xi32, #tpu.memory_space<vmem>>[vector<16xi32>, vector<16xi32>], vector<16xi32>,
      %eq3A_638 = arith.constant 1292025 : i32
      %eq3A_639 = vector.broadcast %eq3A_638 : i32 to vector<16xi32>
      %eq3A_640 = arith.cmpi eq, %gather3A_637, %eq3A_639 : vector<16xi32>
      %add3A_641 = arith.constant 48 : i32
      %add3A_642 = vector.broadcast %add3A_641 : i32 to vector<16xi32>
      %add3A_643 = arith.addi %iota3A, %add3A_642 : vector<16xi32>
      %ge3A_644 = arith.constant 0 : i32
      %ge3A_645 = vector.broadcast %ge3A_644 : i32 to vector<16xi32>
      %ge3A_646 = arith.cmpi sge, %add3A_643, %ge3A_645 : vector<16xi32>
      %lt3A_647 = arith.constant 50 : i32
      %lt3A_648 = vector.broadcast %lt3A_647 : i32 to vector<16xi32>
      %lt3A_649 = arith.cmpi slt, %add3A_643, %lt3A_648 : vector<16xi32>
      %and3A_650 = arith.andi %ge3A_646, %lt3A_649 : vector<16xi1>
      %and3A_651 = arith.andi %eq3A_640, %and3A_650 : vector<16xi1>
      %select_n3A_652 = arith.select %and3A_651, %broadcast_in_dim3A_540, %broadcast_in_dim3A_542 : vector<16xi1>, vector<16xi32>
      %add3A_653 = arith.addi %add3A_623, %select_n3A_652 : vector<16xi32>
      %ge3A_654 = arith.constant 50 : i32
      %ge3A_655 = vector.broadcast %ge3A_654 : i32 to vector<16xi32>
      %ge3A_656 = arith.cmpi sge, %add3A_643, %ge3A_655 : vector<16xi32>
      %lt3A_657 = arith.constant 100 : i32
      %lt3A_658 = vector.broadcast %lt3A_657 : i32 to vector<16xi32>
      %lt3A_659 = arith.cmpi slt, %add3A_643, %lt3A_658 : vector<16xi32>
      %and3A_660 = arith.andi %ge3A_656, %lt3A_659 : vector<16xi1>
      %and3A_661 = arith.andi %eq3A_640, %and3A_660 : vector<16xi1>
      %select_n3A_662 = arith.select %and3A_661, %broadcast_in_dim3A_540, %broadcast_in_dim3A_542 : vector<16xi1>, vector<16xi32>
      %add3A_663 = arith.addi %add3A_633, %select_n3A_662 : vector<16xi32>
      %add3A_664 = arith.constant 64 : i32
      %add3A_665 = vector.broadcast %add3A_664 : i32 to vector<16xi32>
      %add3A_666 = arith.addi %iota3A, %add3A_665 : vector<16xi32>
      %gather3A_667 = tpu.vector_load_idx %arg5[%broadcast_in_dim3A_543, %add3A_666] : memref<64x128xi32, #tpu.memory_space<vmem>>[vector<16xi32>, vector<16xi32>], vector<16xi32>,
      %eq3A_668 = arith.constant 1292025 : i32
      %eq3A_669 = vector.broadcast %eq3A_668 : i32 to vector<16xi32>
      %eq3A_670 = arith.cmpi eq, %gather3A_667, %eq3A_669 : vector<16xi32>
      %add3A_671 = arith.constant 64 : i32
      %add3A_672 = vector.broadcast %add3A_671 : i32 to vector<16xi32>
      %add3A_673 = arith.addi %iota3A, %add3A_672 : vector<16xi32>
      %ge3A_674 = arith.constant 0 : i32
      %ge3A_675 = vector.broadcast %ge3A_674 : i32 to vector<16xi32>
      %ge3A_676 = arith.cmpi sge, %add3A_673, %ge3A_675 : vector<16xi32>
      %lt3A_677 = arith.constant 50 : i32
      %lt3A_678 = vector.broadcast %lt3A_677 : i32 to vector<16xi32>
      %lt3A_679 = arith.cmpi slt, %add3A_673, %lt3A_678 : vector<16xi32>
      %and3A_680 = arith.andi %ge3A_676, %lt3A_679 : vector<16xi1>
      %and3A_681 = arith.andi %eq3A_670, %and3A_680 : vector<16xi1>
      %select_n3A_682 = arith.select %and3A_681, %broadcast_in_dim3A_540, %broadcast_in_dim3A_542 : vector<16xi1>, vector<16xi32>
      %add3A_683 = arith.addi %add3A_653, %select_n3A_682 : vector<16xi32>
      %ge3A_684 = arith.constant 50 : i32
      %ge3A_685 = vector.broadcast %ge3A_684 : i32 to vector<16xi32>
      %ge3A_686 = arith.cmpi sge, %add3A_673, %ge3A_685 : vector<16xi32>
      %lt3A_687 = arith.constant 100 : i32
      %lt3A_688 = vector.broadcast %lt3A_687 : i32 to vector<16xi32>
      %lt3A_689 = arith.cmpi slt, %add3A_673, %lt3A_688 : vector<16xi32>
      %and3A_690 = arith.andi %ge3A_686, %lt3A_689 : vector<16xi1>
      %and3A_691 = arith.andi %eq3A_670, %and3A_690 : vector<16xi1>
      %select_n3A_692 = arith.select %and3A_691, %broadcast_in_dim3A_540, %broadcast_in_dim3A_542 : vector<16xi1>, vector<16xi32>
      %add3A_693 = arith.addi %add3A_663, %select_n3A_692 : vector<16xi32>
      %add3A_694 = arith.constant 80 : i32
      %add3A_695 = vector.broadcast %add3A_694 : i32 to vector<16xi32>
      %add3A_696 = arith.addi %iota3A, %add3A_695 : vector<16xi32>
      %gather3A_697 = tpu.vector_load_idx %arg5[%broadcast_in_dim3A_543, %add3A_696] : memref<64x128xi32, #tpu.memory_space<vmem>>[vector<16xi32>, vector<16xi32>], vector<16xi32>,
      %eq3A_698 = arith.constant 1292025 : i32
      %eq3A_699 = vector.broadcast %eq3A_698 : i32 to vector<16xi32>
      %eq3A_700 = arith.cmpi eq, %gather3A_697, %eq3A_699 : vector<16xi32>
      %add3A_701 = arith.constant 80 : i32
      %add3A_702 = vector.broadcast %add3A_701 : i32 to vector<16xi32>
      %add3A_703 = arith.addi %iota3A, %add3A_702 : vector<16xi32>
      %ge3A_704 = arith.constant 0 : i32
      %ge3A_705 = vector.broadcast %ge3A_704 : i32 to vector<16xi32>
      %ge3A_706 = arith.cmpi sge, %add3A_703, %ge3A_705 : vector<16xi32>
      %lt3A_707 = arith.constant 50 : i32
      %lt3A_708 = vector.broadcast %lt3A_707 : i32 to vector<16xi32>
      %lt3A_709 = arith.cmpi slt, %add3A_703, %lt3A_708 : vector<16xi32>
      %and3A_710 = arith.andi %ge3A_706, %lt3A_709 : vector<16xi1>
      %and3A_711 = arith.andi %eq3A_700, %and3A_710 : vector<16xi1>
      %select_n3A_712 = arith.select %and3A_711, %broadcast_in_dim3A_540, %broadcast_in_dim3A_542 : vector<16xi1>, vector<16xi32>
      %add3A_713 = arith.addi %add3A_683, %select_n3A_712 : vector<16xi32>
      %ge3A_714 = arith.constant 50 : i32
      %ge3A_715 = vector.broadcast %ge3A_714 : i32 to vector<16xi32>
      %ge3A_716 = arith.cmpi sge, %add3A_703, %ge3A_715 : vector<16xi32>
      %lt3A_717 = arith.constant 100 : i32
      %lt3A_718 = vector.broadcast %lt3A_717 : i32 to vector<16xi32>
      %lt3A_719 = arith.cmpi slt, %add3A_703, %lt3A_718 : vector<16xi32>
      %and3A_720 = arith.andi %ge3A_716, %lt3A_719 : vector<16xi1>
      %and3A_721 = arith.andi %eq3A_700, %and3A_720 : vector<16xi1>
      %select_n3A_722 = arith.select %and3A_721, %broadcast_in_dim3A_540, %broadcast_in_dim3A_542 : vector<16xi1>, vector<16xi32>
      %add3A_723 = arith.addi %add3A_693, %select_n3A_722 : vector<16xi32>
      %add3A_724 = arith.constant 96 : i32
      %add3A_725 = vector.broadcast %add3A_724 : i32 to vector<16xi32>
      %add3A_726 = arith.addi %iota3A, %add3A_725 : vector<16xi32>
      %gather3A_727 = tpu.vector_load_idx %arg5[%broadcast_in_dim3A_543, %add3A_726] : memref<64x128xi32, #tpu.memory_space<vmem>>[vector<16xi32>, vector<16xi32>], vector<16xi32>,
      %eq3A_728 = arith.constant 1292025 : i32
      %eq3A_729 = vector.broadcast %eq3A_728 : i32 to vector<16xi32>
      %eq3A_730 = arith.cmpi eq, %gather3A_727, %eq3A_729 : vector<16xi32>
      %add3A_731 = arith.constant 96 : i32
      %add3A_732 = vector.broadcast %add3A_731 : i32 to vector<16xi32>
      %add3A_733 = arith.addi %iota3A, %add3A_732 : vector<16xi32>
      %ge3A_734 = arith.constant 0 : i32
      %ge3A_735 = vector.broadcast %ge3A_734 : i32 to vector<16xi32>
      %ge3A_736 = arith.cmpi sge, %add3A_733, %ge3A_735 : vector<16xi32>
      %lt3A_737 = arith.constant 50 : i32
      %lt3A_738 = vector.broadcast %lt3A_737 : i32 to vector<16xi32>
      %lt3A_739 = arith.cmpi slt, %add3A_733, %lt3A_738 : vector<16xi32>
      %and3A_740 = arith.andi %ge3A_736, %lt3A_739 : vector<16xi1>
      %and3A_741 = arith.andi %eq3A_730, %and3A_740 : vector<16xi1>
      %select_n3A_742 = arith.select %and3A_741, %broadcast_in_dim3A_540, %broadcast_in_dim3A_542 : vector<16xi1>, vector<16xi32>
      %add3A_743 = arith.addi %add3A_713, %select_n3A_742 : vector<16xi32>
      %ge3A_744 = arith.constant 50 : i32
      %ge3A_745 = vector.broadcast %ge3A_744 : i32 to vector<16xi32>
      %ge3A_746 = arith.cmpi sge, %add3A_733, %ge3A_745 : vector<16xi32>
      %lt3A_747 = arith.constant 100 : i32
      %lt3A_748 = vector.broadcast %lt3A_747 : i32 to vector<16xi32>
      %lt3A_749 = arith.cmpi slt, %add3A_733, %lt3A_748 : vector<16xi32>
      %and3A_750 = arith.andi %ge3A_746, %lt3A_749 : vector<16xi1>
      %and3A_751 = arith.andi %eq3A_730, %and3A_750 : vector<16xi1>
      %select_n3A_752 = arith.select %and3A_751, %broadcast_in_dim3A_540, %broadcast_in_dim3A_542 : vector<16xi1>, vector<16xi32>
      %add3A_753 = arith.addi %add3A_723, %select_n3A_752 : vector<16xi32>
      %add3A_754 = arith.constant 112 : i32
      %add3A_755 = vector.broadcast %add3A_754 : i32 to vector<16xi32>
      %add3A_756 = arith.addi %iota3A, %add3A_755 : vector<16xi32>
      %gather3A_757 = tpu.vector_load_idx %arg5[%broadcast_in_dim3A_543, %add3A_756] : memref<64x128xi32, #tpu.memory_space<vmem>>[vector<16xi32>, vector<16xi32>], vector<16xi32>,
      %eq3A_758 = arith.constant 1292025 : i32
      %eq3A_759 = vector.broadcast %eq3A_758 : i32 to vector<16xi32>
      %eq3A_760 = arith.cmpi eq, %gather3A_757, %eq3A_759 : vector<16xi32>
      %add3A_761 = arith.constant 112 : i32
      %add3A_762 = vector.broadcast %add3A_761 : i32 to vector<16xi32>
      %add3A_763 = arith.addi %iota3A, %add3A_762 : vector<16xi32>
      %ge3A_764 = arith.constant 0 : i32
      %ge3A_765 = vector.broadcast %ge3A_764 : i32 to vector<16xi32>
      %ge3A_766 = arith.cmpi sge, %add3A_763, %ge3A_765 : vector<16xi32>
      %lt3A_767 = arith.constant 50 : i32
      %lt3A_768 = vector.broadcast %lt3A_767 : i32 to vector<16xi32>
      %lt3A_769 = arith.cmpi slt, %add3A_763, %lt3A_768 : vector<16xi32>
      %and3A_770 = arith.andi %ge3A_766, %lt3A_769 : vector<16xi1>
      %and3A_771 = arith.andi %eq3A_760, %and3A_770 : vector<16xi1>
      %select_n3A_772 = arith.select %and3A_771, %broadcast_in_dim3A_540, %broadcast_in_dim3A_542 : vector<16xi1>, vector<16xi32>
      %add3A_773 = arith.addi %add3A_743, %select_n3A_772 : vector<16xi32>
      %ge3A_774 = arith.constant 50 : i32
      %ge3A_775 = vector.broadcast %ge3A_774 : i32 to vector<16xi32>
      %ge3A_776 = arith.cmpi sge, %add3A_763, %ge3A_775 : vector<16xi32>
      %lt3A_777 = arith.constant 100 : i32
      %lt3A_778 = vector.broadcast %lt3A_777 : i32 to vector<16xi32>
      %lt3A_779 = arith.cmpi slt, %add3A_763, %lt3A_778 : vector<16xi32>
      %and3A_780 = arith.andi %ge3A_776, %lt3A_779 : vector<16xi1>
      %and3A_781 = arith.andi %eq3A_760, %and3A_780 : vector<16xi1>
      %select_n3A_782 = arith.select %and3A_781, %broadcast_in_dim3A_540, %broadcast_in_dim3A_542 : vector<16xi1>, vector<16xi32>
      %add3A_783 = arith.addi %add3A_753, %select_n3A_782 : vector<16xi32>
      %reduce_sum3A_784 = arith.constant true
      %reduce_sum3A_785 = vector.broadcast %reduce_sum3A_784 : i1 to vector<16xi1>
      %reduce_sum3A_786 = tpu.scan <sum>, %add3A_773 masked %reduce_sum3A_785 : vector<16xi32>, vector<16xi1> -> vector<16xi32>
      %reduce_sum3A_787 = vector.extract %reduce_sum3A_786[15] : i32 from vector<16xi32>
      %convert_element_type3A_788 = arith.sitofp %reduce_sum3A_787 : i32 to f32
      %broadcast_in_dim3A_789 = arith.constant 0.000000e+00 : f32
      %broadcast_in_dim3A_790 = vector.broadcast %broadcast_in_dim3A_789 : f32 to vector<16xf32>
      %scan3A_791 = arith.constant 0 : i32
      %scan3A_792 = arith.constant 50 : i32
      %scan3A_793 = arith.addi %scan3A_791, %scan3A_792 : i32
      %scan3A_794 = arith.constant 1 : i32
      %scan3A_795:16 = scf.for %scan3A_916 = %scan3A_791 to %scan3A_793 step %scan3A_794 iter_args(%scan3A_917 = %broadcast_in_dim3A_790, %scan3A_918 = %broadcast_in_dim3A_790, %scan3A_919 = %broadcast_in_dim3A_790, %scan3A_920 = %broadcast_in_dim3A_790, %scan3A_921 = %broadcast_in_dim3A_790, %scan3A_922 = %broadcast_in_dim3A_790, %scan3A_923 = %broadcast_in_dim3A_790, %scan3A_924 = %broadcast_in_dim3A_790, %scan3A_925 = %broadcast_in_dim3A_790, %scan3A_926 = %broadcast_in_dim3A_790, %scan3A_927 = %broadcast_in_dim3A_790, %scan3A_928 = %broadcast_in_dim3A_790, %scan3A_929 = %broadcast_in_dim3A_790, %scan3A_930 = %broadcast_in_dim3A_790, %scan3A_931 = %broadcast_in_dim3A_790, %scan3A_932 = %broadcast_in_dim3A_790) -> (vector<16xf32>, vector<16xf32>, vector<16xf32>, vector<16xf32>, vector<16xf32>, vector<16xf32>, vector<16xf32>, vector<16xf32>, vector<16xf32>, vector<16xf32>, vector<16xf32>, vector<16xf32>, vector<16xf32>, vector<16xf32>, vector<16xf32>, vector<16xf32>)  : i32 {
        %add3A_933 = arith.constant 0 : i32
        %add3A_934 = arith.addi %add3A_933, %scan3A_916 : i32
        %broadcast_in_dim3A_935 = vector.broadcast %add3A_934 : i32 to vector<16xi32>
        %gather3A_936 = tpu.vector_load_idx %arg7[%broadcast_in_dim3A_935, %add3A_77] : memref<128x256xf32, #tpu.memory_space<vmem>>[vector<16xi32>, vector<16xi32>], vector<16xf32>,
        %add3A_937 = arith.addf %scan3A_917, %gather3A_936 : vector<16xf32>
        %gather3A_938 = tpu.vector_load_idx %arg7[%broadcast_in_dim3A_935, %add3A_80] : memref<128x256xf32, #tpu.memory_space<vmem>>[vector<16xi32>, vector<16xi32>], vector<16xf32>,
        %add3A_939 = arith.addf %scan3A_918, %gather3A_938 : vector<16xf32>
        %gather3A_940 = tpu.vector_load_idx %arg7[%broadcast_in_dim3A_935, %add3A_83] : memref<128x256xf32, #tpu.memory_space<vmem>>[vector<16xi32>, vector<16xi32>], vector<16xf32>,
        %add3A_941 = arith.addf %scan3A_919, %gather3A_940 : vector<16xf32>
        %gather3A_942 = tpu.vector_load_idx %arg7[%broadcast_in_dim3A_935, %add3A_86] : memref<128x256xf32, #tpu.memory_space<vmem>>[vector<16xi32>, vector<16xi32>], vector<16xf32>,
        %add3A_943 = arith.addf %scan3A_920, %gather3A_942 : vector<16xf32>
        %gather3A_944 = tpu.vector_load_idx %arg7[%broadcast_in_dim3A_935, %add3A_89] : memref<128x256xf32, #tpu.memory_space<vmem>>[vector<16xi32>, vector<16xi32>], vector<16xf32>,
        %add3A_945 = arith.addf %scan3A_921, %gather3A_944 : vector<16xf32>
        %gather3A_946 = tpu.vector_load_idx %arg7[%broadcast_in_dim3A_935, %add3A_92] : memref<128x256xf32, #tpu.memory_space<vmem>>[vector<16xi32>, vector<16xi32>], vector<16xf32>,
        %add3A_947 = arith.addf %scan3A_922, %gather3A_946 : vector<16xf32>
        %gather3A_948 = tpu.vector_load_idx %arg7[%broadcast_in_dim3A_935, %add3A_95] : memref<128x256xf32, #tpu.memory_space<vmem>>[vector<16xi32>, vector<16xi32>], vector<16xf32>,
        %add3A_949 = arith.addf %scan3A_923, %gather3A_948 : vector<16xf32>
        %gather3A_950 = tpu.vector_load_idx %arg7[%broadcast_in_dim3A_935, %add3A_98] : memref<128x256xf32, #tpu.memory_space<vmem>>[vector<16xi32>, vector<16xi32>], vector<16xf32>,
        %add3A_951 = arith.addf %scan3A_924, %gather3A_950 : vector<16xf32>
        %gather3A_952 = tpu.vector_load_idx %arg7[%broadcast_in_dim3A_935, %add3A_101] : memref<128x256xf32, #tpu.memory_space<vmem>>[vector<16xi32>, vector<16xi32>], vector<16xf32>,
        %add3A_953 = arith.addf %scan3A_925, %gather3A_952 : vector<16xf32>
        %gather3A_954 = tpu.vector_load_idx %arg7[%broadcast_in_dim3A_935, %add3A_104] : memref<128x256xf32, #tpu.memory_space<vmem>>[vector<16xi32>, vector<16xi32>], vector<16xf32>,
        %add3A_955 = arith.addf %scan3A_926, %gather3A_954 : vector<16xf32>
        %gather3A_956 = tpu.vector_load_idx %arg7[%broadcast_in_dim3A_935, %add3A_107] : memref<128x256xf32, #tpu.memory_space<vmem>>[vector<16xi32>, vector<16xi32>], vector<16xf32>,
        %add3A_957 = arith.addf %scan3A_927, %gather3A_956 : vector<16xf32>
        %gather3A_958 = tpu.vector_load_idx %arg7[%broadcast_in_dim3A_935, %add3A_110] : memref<128x256xf32, #tpu.memory_space<vmem>>[vector<16xi32>, vector<16xi32>], vector<16xf32>,
        %add3A_959 = arith.addf %scan3A_928, %gather3A_958 : vector<16xf32>
        %gather3A_960 = tpu.vector_load_idx %arg7[%broadcast_in_dim3A_935, %add3A_113] : memref<128x256xf32, #tpu.memory_space<vmem>>[vector<16xi32>, vector<16xi32>], vector<16xf32>,
        %add3A_961 = arith.addf %scan3A_929, %gather3A_960 : vector<16xf32>
        %gather3A_962 = tpu.vector_load_idx %arg7[%broadcast_in_dim3A_935, %add3A_116] : memref<128x256xf32, #tpu.memory_space<vmem>>[vector<16xi32>, vector<16xi32>], vector<16xf32>,
        %add3A_963 = arith.addf %scan3A_930, %gather3A_962 : vector<16xf32>
        %gather3A_964 = tpu.vector_load_idx %arg7[%broadcast_in_dim3A_935, %add3A_119] : memref<128x256xf32, #tpu.memory_space<vmem>>[vector<16xi32>, vector<16xi32>], vector<16xf32>,
        %add3A_965 = arith.addf %scan3A_931, %gather3A_964 : vector<16xf32>
        %gather3A_966 = tpu.vector_load_idx %arg7[%broadcast_in_dim3A_935, %add3A_122] : memref<128x256xf32, #tpu.memory_space<vmem>>[vector<16xi32>, vector<16xi32>], vector<16xf32>,
        %add3A_967 = arith.addf %scan3A_932, %gather3A_966 : vector<16xf32>
        scf.yield %add3A_937, %add3A_939, %add3A_941, %add3A_943, %add3A_945, %add3A_947, %add3A_949, %add3A_951, %add3A_953, %add3A_955, %add3A_957, %add3A_959, %add3A_961, %add3A_963, %add3A_965, %add3A_967 : vector<16xf32>, vector<16xf32>, vector<16xf32>, vector<16xf32>, vector<16xf32>, vector<16xf32>, vector<16xf32>, vector<16xf32>, vector<16xf32>, vector<16xf32>, vector<16xf32>, vector<16xf32>, vector<16xf32>, vector<16xf32>, vector<16xf32>, vector<16xf32>
      }
      %scan3A_796 = arith.constant 50 : i32
      %mul3A_797 = arith.constant 2 : i32
      %mul3A_798 = arith.muli %add3A_538, %mul3A_797 : i32
      %add3A_799 = arith.constant 0 : i32
      %add3A_800 = arith.addi %mul3A_798, %add3A_799 : i32
      %broadcast_in_dim3A_801 = vector.broadcast %add3A_800 : i32 to vector<16xi32>
      %mul3A_802 = vector.broadcast %convert_element_type3A_788 : f32 to vector<16xf32>
      %mul3A_803 = arith.mulf %mul3A_802, %gather3A : vector<16xf32>
      %sub3A_804 = arith.subf %scan3A_795#0, %mul3A_803 : vector<16xf32>
      tpu.vector_store_idx %arg8[%broadcast_in_dim3A_801, %add3A_77], %sub3A_804 : memref<128x256xf32, #tpu.memory_space<vmem>>[vector<16xi32>, vector<16xi32>], vector<16xf32>,
      %mul3A_805 = vector.broadcast %convert_element_type3A_788 : f32 to vector<16xf32>
      %mul3A_806 = arith.mulf %mul3A_805, %gather3A_18 : vector<16xf32>
      %sub3A_807 = arith.subf %scan3A_795#1, %mul3A_806 : vector<16xf32>
      tpu.vector_store_idx %arg8[%broadcast_in_dim3A_801, %add3A_80], %sub3A_807 : memref<128x256xf32, #tpu.memory_space<vmem>>[vector<16xi32>, vector<16xi32>], vector<16xf32>,
      %mul3A_808 = vector.broadcast %convert_element_type3A_788 : f32 to vector<16xf32>
      %mul3A_809 = arith.mulf %mul3A_808, %gather3A_22 : vector<16xf32>
      %sub3A_810 = arith.subf %scan3A_795#2, %mul3A_809 : vector<16xf32>
      tpu.vector_store_idx %arg8[%broadcast_in_dim3A_801, %add3A_83], %sub3A_810 : memref<128x256xf32, #tpu.memory_space<vmem>>[vector<16xi32>, vector<16xi32>], vector<16xf32>,
      %mul3A_811 = vector.broadcast %convert_element_type3A_788 : f32 to vector<16xf32>
      %mul3A_812 = arith.mulf %mul3A_811, %gather3A_26 : vector<16xf32>
      %sub3A_813 = arith.subf %scan3A_795#3, %mul3A_812 : vector<16xf32>
      tpu.vector_store_idx %arg8[%broadcast_in_dim3A_801, %add3A_86], %sub3A_813 : memref<128x256xf32, #tpu.memory_space<vmem>>[vector<16xi32>, vector<16xi32>], vector<16xf32>,
      %mul3A_814 = vector.broadcast %convert_element_type3A_788 : f32 to vector<16xf32>
      %mul3A_815 = arith.mulf %mul3A_814, %gather3A_30 : vector<16xf32>
      %sub3A_816 = arith.subf %scan3A_795#4, %mul3A_815 : vector<16xf32>
      tpu.vector_store_idx %arg8[%broadcast_in_dim3A_801, %add3A_89], %sub3A_816 : memref<128x256xf32, #tpu.memory_space<vmem>>[vector<16xi32>, vector<16xi32>], vector<16xf32>,
      %mul3A_817 = vector.broadcast %convert_element_type3A_788 : f32 to vector<16xf32>
      %mul3A_818 = arith.mulf %mul3A_817, %gather3A_34 : vector<16xf32>
      %sub3A_819 = arith.subf %scan3A_795#5, %mul3A_818 : vector<16xf32>
      tpu.vector_store_idx %arg8[%broadcast_in_dim3A_801, %add3A_92], %sub3A_819 : memref<128x256xf32, #tpu.memory_space<vmem>>[vector<16xi32>, vector<16xi32>], vector<16xf32>,
      %mul3A_820 = vector.broadcast %convert_element_type3A_788 : f32 to vector<16xf32>
      %mul3A_821 = arith.mulf %mul3A_820, %gather3A_38 : vector<16xf32>
      %sub3A_822 = arith.subf %scan3A_795#6, %mul3A_821 : vector<16xf32>
      tpu.vector_store_idx %arg8[%broadcast_in_dim3A_801, %add3A_95], %sub3A_822 : memref<128x256xf32, #tpu.memory_space<vmem>>[vector<16xi32>, vector<16xi32>], vector<16xf32>,
      %mul3A_823 = vector.broadcast %convert_element_type3A_788 : f32 to vector<16xf32>
      %mul3A_824 = arith.mulf %mul3A_823, %gather3A_42 : vector<16xf32>
      %sub3A_825 = arith.subf %scan3A_795#7, %mul3A_824 : vector<16xf32>
      tpu.vector_store_idx %arg8[%broadcast_in_dim3A_801, %add3A_98], %sub3A_825 : memref<128x256xf32, #tpu.memory_space<vmem>>[vector<16xi32>, vector<16xi32>], vector<16xf32>,
      %mul3A_826 = vector.broadcast %convert_element_type3A_788 : f32 to vector<16xf32>
      %mul3A_827 = arith.mulf %mul3A_826, %gather3A_46 : vector<16xf32>
      %sub3A_828 = arith.subf %scan3A_795#8, %mul3A_827 : vector<16xf32>
      tpu.vector_store_idx %arg8[%broadcast_in_dim3A_801, %add3A_101], %sub3A_828 : memref<128x256xf32, #tpu.memory_space<vmem>>[vector<16xi32>, vector<16xi32>], vector<16xf32>,
      %mul3A_829 = vector.broadcast %convert_element_type3A_788 : f32 to vector<16xf32>
      %mul3A_830 = arith.mulf %mul3A_829, %gather3A_50 : vector<16xf32>
      %sub3A_831 = arith.subf %scan3A_795#9, %mul3A_830 : vector<16xf32>
      tpu.vector_store_idx %arg8[%broadcast_in_dim3A_801, %add3A_104], %sub3A_831 : memref<128x256xf32, #tpu.memory_space<vmem>>[vector<16xi32>, vector<16xi32>], vector<16xf32>,
      %mul3A_832 = vector.broadcast %convert_element_type3A_788 : f32 to vector<16xf32>
      %mul3A_833 = arith.mulf %mul3A_832, %gather3A_54 : vector<16xf32>
      %sub3A_834 = arith.subf %scan3A_795#10, %mul3A_833 : vector<16xf32>
      tpu.vector_store_idx %arg8[%broadcast_in_dim3A_801, %add3A_107], %sub3A_834 : memref<128x256xf32, #tpu.memory_space<vmem>>[vector<16xi32>, vector<16xi32>], vector<16xf32>,
      %mul3A_835 = vector.broadcast %convert_element_type3A_788 : f32 to vector<16xf32>
      %mul3A_836 = arith.mulf %mul3A_835, %gather3A_58 : vector<16xf32>
      %sub3A_837 = arith.subf %scan3A_795#11, %mul3A_836 : vector<16xf32>
      tpu.vector_store_idx %arg8[%broadcast_in_dim3A_801, %add3A_110], %sub3A_837 : memref<128x256xf32, #tpu.memory_space<vmem>>[vector<16xi32>, vector<16xi32>], vector<16xf32>,
      %mul3A_838 = vector.broadcast %convert_element_type3A_788 : f32 to vector<16xf32>
      %mul3A_839 = arith.mulf %mul3A_838, %gather3A_62 : vector<16xf32>
      %sub3A_840 = arith.subf %scan3A_795#12, %mul3A_839 : vector<16xf32>
      tpu.vector_store_idx %arg8[%broadcast_in_dim3A_801, %add3A_113], %sub3A_840 : memref<128x256xf32, #tpu.memory_space<vmem>>[vector<16xi32>, vector<16xi32>], vector<16xf32>,
      %mul3A_841 = vector.broadcast %convert_element_type3A_788 : f32 to vector<16xf32>
      %mul3A_842 = arith.mulf %mul3A_841, %gather3A_66 : vector<16xf32>
      %sub3A_843 = arith.subf %scan3A_795#13, %mul3A_842 : vector<16xf32>
      tpu.vector_store_idx %arg8[%broadcast_in_dim3A_801, %add3A_116], %sub3A_843 : memref<128x256xf32, #tpu.memory_space<vmem>>[vector<16xi32>, vector<16xi32>], vector<16xf32>,
      %mul3A_844 = vector.broadcast %convert_element_type3A_788 : f32 to vector<16xf32>
      %mul3A_845 = arith.mulf %mul3A_844, %gather3A_70 : vector<16xf32>
      %sub3A_846 = arith.subf %scan3A_795#14, %mul3A_845 : vector<16xf32>
      tpu.vector_store_idx %arg8[%broadcast_in_dim3A_801, %add3A_119], %sub3A_846 : memref<128x256xf32, #tpu.memory_space<vmem>>[vector<16xi32>, vector<16xi32>], vector<16xf32>,
      %mul3A_847 = vector.broadcast %convert_element_type3A_788 : f32 to vector<16xf32>
      %mul3A_848 = arith.mulf %mul3A_847, %gather3A_74 : vector<16xf32>
      %sub3A_849 = arith.subf %scan3A_795#15, %mul3A_848 : vector<16xf32>
      tpu.vector_store_idx %arg8[%broadcast_in_dim3A_801, %add3A_122], %sub3A_849 : memref<128x256xf32, #tpu.memory_space<vmem>>[vector<16xi32>, vector<16xi32>], vector<16xf32>,
      %reduce_sum3A_850 = arith.constant true
      %reduce_sum3A_851 = vector.broadcast %reduce_sum3A_850 : i1 to vector<16xi1>
      %reduce_sum3A_852 = tpu.scan <sum>, %add3A_783 masked %reduce_sum3A_851 : vector<16xi32>, vector<16xi1> -> vector<16xi32>
      %reduce_sum3A_853 = vector.extract %reduce_sum3A_852[15] : i32 from vector<16xi32>
      %convert_element_type3A_854 = arith.sitofp %reduce_sum3A_853 : i32 to f32
      %broadcast_in_dim3A_855 = arith.constant 0.000000e+00 : f32
      %broadcast_in_dim3A_856 = vector.broadcast %broadcast_in_dim3A_855 : f32 to vector<16xf32>
      %scan3A_857 = arith.constant 0 : i32
      %scan3A_858 = arith.constant 50 : i32
      %scan3A_859 = arith.addi %scan3A_857, %scan3A_858 : i32
      %scan3A_860 = arith.constant 1 : i32
      %scan3A_861:16 = scf.for %scan3A_916 = %scan3A_857 to %scan3A_859 step %scan3A_860 iter_args(%scan3A_917 = %broadcast_in_dim3A_856, %scan3A_918 = %broadcast_in_dim3A_856, %scan3A_919 = %broadcast_in_dim3A_856, %scan3A_920 = %broadcast_in_dim3A_856, %scan3A_921 = %broadcast_in_dim3A_856, %scan3A_922 = %broadcast_in_dim3A_856, %scan3A_923 = %broadcast_in_dim3A_856, %scan3A_924 = %broadcast_in_dim3A_856, %scan3A_925 = %broadcast_in_dim3A_856, %scan3A_926 = %broadcast_in_dim3A_856, %scan3A_927 = %broadcast_in_dim3A_856, %scan3A_928 = %broadcast_in_dim3A_856, %scan3A_929 = %broadcast_in_dim3A_856, %scan3A_930 = %broadcast_in_dim3A_856, %scan3A_931 = %broadcast_in_dim3A_856, %scan3A_932 = %broadcast_in_dim3A_856) -> (vector<16xf32>, vector<16xf32>, vector<16xf32>, vector<16xf32>, vector<16xf32>, vector<16xf32>, vector<16xf32>, vector<16xf32>, vector<16xf32>, vector<16xf32>, vector<16xf32>, vector<16xf32>, vector<16xf32>, vector<16xf32>, vector<16xf32>, vector<16xf32>)  : i32 {
        %add3A_933 = arith.constant 50 : i32
        %add3A_934 = arith.addi %add3A_933, %scan3A_916 : i32
        %broadcast_in_dim3A_935 = vector.broadcast %add3A_934 : i32 to vector<16xi32>
        %gather3A_936 = tpu.vector_load_idx %arg7[%broadcast_in_dim3A_935, %add3A_77] : memref<128x256xf32, #tpu.memory_space<vmem>>[vector<16xi32>, vector<16xi32>], vector<16xf32>,
        %add3A_937 = arith.addf %scan3A_917, %gather3A_936 : vector<16xf32>
        %gather3A_938 = tpu.vector_load_idx %arg7[%broadcast_in_dim3A_935, %add3A_80] : memref<128x256xf32, #tpu.memory_space<vmem>>[vector<16xi32>, vector<16xi32>], vector<16xf32>,
        %add3A_939 = arith.addf %scan3A_918, %gather3A_938 : vector<16xf32>
        %gather3A_940 = tpu.vector_load_idx %arg7[%broadcast_in_dim3A_935, %add3A_83] : memref<128x256xf32, #tpu.memory_space<vmem>>[vector<16xi32>, vector<16xi32>], vector<16xf32>,
        %add3A_941 = arith.addf %scan3A_919, %gather3A_940 : vector<16xf32>
        %gather3A_942 = tpu.vector_load_idx %arg7[%broadcast_in_dim3A_935, %add3A_86] : memref<128x256xf32, #tpu.memory_space<vmem>>[vector<16xi32>, vector<16xi32>], vector<16xf32>,
        %add3A_943 = arith.addf %scan3A_920, %gather3A_942 : vector<16xf32>
        %gather3A_944 = tpu.vector_load_idx %arg7[%broadcast_in_dim3A_935, %add3A_89] : memref<128x256xf32, #tpu.memory_space<vmem>>[vector<16xi32>, vector<16xi32>], vector<16xf32>,
        %add3A_945 = arith.addf %scan3A_921, %gather3A_944 : vector<16xf32>
        %gather3A_946 = tpu.vector_load_idx %arg7[%broadcast_in_dim3A_935, %add3A_92] : memref<128x256xf32, #tpu.memory_space<vmem>>[vector<16xi32>, vector<16xi32>], vector<16xf32>,
        %add3A_947 = arith.addf %scan3A_922, %gather3A_946 : vector<16xf32>
        %gather3A_948 = tpu.vector_load_idx %arg7[%broadcast_in_dim3A_935, %add3A_95] : memref<128x256xf32, #tpu.memory_space<vmem>>[vector<16xi32>, vector<16xi32>], vector<16xf32>,
        %add3A_949 = arith.addf %scan3A_923, %gather3A_948 : vector<16xf32>
        %gather3A_950 = tpu.vector_load_idx %arg7[%broadcast_in_dim3A_935, %add3A_98] : memref<128x256xf32, #tpu.memory_space<vmem>>[vector<16xi32>, vector<16xi32>], vector<16xf32>,
        %add3A_951 = arith.addf %scan3A_924, %gather3A_950 : vector<16xf32>
        %gather3A_952 = tpu.vector_load_idx %arg7[%broadcast_in_dim3A_935, %add3A_101] : memref<128x256xf32, #tpu.memory_space<vmem>>[vector<16xi32>, vector<16xi32>], vector<16xf32>,
        %add3A_953 = arith.addf %scan3A_925, %gather3A_952 : vector<16xf32>
        %gather3A_954 = tpu.vector_load_idx %arg7[%broadcast_in_dim3A_935, %add3A_104] : memref<128x256xf32, #tpu.memory_space<vmem>>[vector<16xi32>, vector<16xi32>], vector<16xf32>,
        %add3A_955 = arith.addf %scan3A_926, %gather3A_954 : vector<16xf32>
        %gather3A_956 = tpu.vector_load_idx %arg7[%broadcast_in_dim3A_935, %add3A_107] : memref<128x256xf32, #tpu.memory_space<vmem>>[vector<16xi32>, vector<16xi32>], vector<16xf32>,
        %add3A_957 = arith.addf %scan3A_927, %gather3A_956 : vector<16xf32>
        %gather3A_958 = tpu.vector_load_idx %arg7[%broadcast_in_dim3A_935, %add3A_110] : memref<128x256xf32, #tpu.memory_space<vmem>>[vector<16xi32>, vector<16xi32>], vector<16xf32>,
        %add3A_959 = arith.addf %scan3A_928, %gather3A_958 : vector<16xf32>
        %gather3A_960 = tpu.vector_load_idx %arg7[%broadcast_in_dim3A_935, %add3A_113] : memref<128x256xf32, #tpu.memory_space<vmem>>[vector<16xi32>, vector<16xi32>], vector<16xf32>,
        %add3A_961 = arith.addf %scan3A_929, %gather3A_960 : vector<16xf32>
        %gather3A_962 = tpu.vector_load_idx %arg7[%broadcast_in_dim3A_935, %add3A_116] : memref<128x256xf32, #tpu.memory_space<vmem>>[vector<16xi32>, vector<16xi32>], vector<16xf32>,
        %add3A_963 = arith.addf %scan3A_930, %gather3A_962 : vector<16xf32>
        %gather3A_964 = tpu.vector_load_idx %arg7[%broadcast_in_dim3A_935, %add3A_119] : memref<128x256xf32, #tpu.memory_space<vmem>>[vector<16xi32>, vector<16xi32>], vector<16xf32>,
        %add3A_965 = arith.addf %scan3A_931, %gather3A_964 : vector<16xf32>
        %gather3A_966 = tpu.vector_load_idx %arg7[%broadcast_in_dim3A_935, %add3A_122] : memref<128x256xf32, #tpu.memory_space<vmem>>[vector<16xi32>, vector<16xi32>], vector<16xf32>,
        %add3A_967 = arith.addf %scan3A_932, %gather3A_966 : vector<16xf32>
        scf.yield %add3A_937, %add3A_939, %add3A_941, %add3A_943, %add3A_945, %add3A_947, %add3A_949, %add3A_951, %add3A_953, %add3A_955, %add3A_957, %add3A_959, %add3A_961, %add3A_963, %add3A_965, %add3A_967 : vector<16xf32>, vector<16xf32>, vector<16xf32>, vector<16xf32>, vector<16xf32>, vector<16xf32>, vector<16xf32>, vector<16xf32>, vector<16xf32>, vector<16xf32>, vector<16xf32>, vector<16xf32>, vector<16xf32>, vector<16xf32>, vector<16xf32>, vector<16xf32>
      }
      %scan3A_862 = arith.constant 50 : i32
      %mul3A_863 = arith.constant 2 : i32
      %mul3A_864 = arith.muli %add3A_538, %mul3A_863 : i32
      %add3A_865 = arith.constant 1 : i32
      %add3A_866 = arith.addi %mul3A_864, %add3A_865 : i32
      %broadcast_in_dim3A_867 = vector.broadcast %add3A_866 : i32 to vector<16xi32>
      %mul3A_868 = vector.broadcast %convert_element_type3A_854 : f32 to vector<16xf32>
      %mul3A_869 = arith.mulf %mul3A_868, %gather3A : vector<16xf32>
      %sub3A_870 = arith.subf %scan3A_861#0, %mul3A_869 : vector<16xf32>
      tpu.vector_store_idx %arg8[%broadcast_in_dim3A_867, %add3A_77], %sub3A_870 : memref<128x256xf32, #tpu.memory_space<vmem>>[vector<16xi32>, vector<16xi32>], vector<16xf32>,
      %mul3A_871 = vector.broadcast %convert_element_type3A_854 : f32 to vector<16xf32>
      %mul3A_872 = arith.mulf %mul3A_871, %gather3A_18 : vector<16xf32>
      %sub3A_873 = arith.subf %scan3A_861#1, %mul3A_872 : vector<16xf32>
      tpu.vector_store_idx %arg8[%broadcast_in_dim3A_867, %add3A_80], %sub3A_873 : memref<128x256xf32, #tpu.memory_space<vmem>>[vector<16xi32>, vector<16xi32>], vector<16xf32>,
      %mul3A_874 = vector.broadcast %convert_element_type3A_854 : f32 to vector<16xf32>
      %mul3A_875 = arith.mulf %mul3A_874, %gather3A_22 : vector<16xf32>
      %sub3A_876 = arith.subf %scan3A_861#2, %mul3A_875 : vector<16xf32>
      tpu.vector_store_idx %arg8[%broadcast_in_dim3A_867, %add3A_83], %sub3A_876 : memref<128x256xf32, #tpu.memory_space<vmem>>[vector<16xi32>, vector<16xi32>], vector<16xf32>,
      %mul3A_877 = vector.broadcast %convert_element_type3A_854 : f32 to vector<16xf32>
      %mul3A_878 = arith.mulf %mul3A_877, %gather3A_26 : vector<16xf32>
      %sub3A_879 = arith.subf %scan3A_861#3, %mul3A_878 : vector<16xf32>
      tpu.vector_store_idx %arg8[%broadcast_in_dim3A_867, %add3A_86], %sub3A_879 : memref<128x256xf32, #tpu.memory_space<vmem>>[vector<16xi32>, vector<16xi32>], vector<16xf32>,
      %mul3A_880 = vector.broadcast %convert_element_type3A_854 : f32 to vector<16xf32>
      %mul3A_881 = arith.mulf %mul3A_880, %gather3A_30 : vector<16xf32>
      %sub3A_882 = arith.subf %scan3A_861#4, %mul3A_881 : vector<16xf32>
      tpu.vector_store_idx %arg8[%broadcast_in_dim3A_867, %add3A_89], %sub3A_882 : memref<128x256xf32, #tpu.memory_space<vmem>>[vector<16xi32>, vector<16xi32>], vector<16xf32>,
      %mul3A_883 = vector.broadcast %convert_element_type3A_854 : f32 to vector<16xf32>
      %mul3A_884 = arith.mulf %mul3A_883, %gather3A_34 : vector<16xf32>
      %sub3A_885 = arith.subf %scan3A_861#5, %mul3A_884 : vector<16xf32>
      tpu.vector_store_idx %arg8[%broadcast_in_dim3A_867, %add3A_92], %sub3A_885 : memref<128x256xf32, #tpu.memory_space<vmem>>[vector<16xi32>, vector<16xi32>], vector<16xf32>,
      %mul3A_886 = vector.broadcast %convert_element_type3A_854 : f32 to vector<16xf32>
      %mul3A_887 = arith.mulf %mul3A_886, %gather3A_38 : vector<16xf32>
      %sub3A_888 = arith.subf %scan3A_861#6, %mul3A_887 : vector<16xf32>
      tpu.vector_store_idx %arg8[%broadcast_in_dim3A_867, %add3A_95], %sub3A_888 : memref<128x256xf32, #tpu.memory_space<vmem>>[vector<16xi32>, vector<16xi32>], vector<16xf32>,
      %mul3A_889 = vector.broadcast %convert_element_type3A_854 : f32 to vector<16xf32>
      %mul3A_890 = arith.mulf %mul3A_889, %gather3A_42 : vector<16xf32>
      %sub3A_891 = arith.subf %scan3A_861#7, %mul3A_890 : vector<16xf32>
      tpu.vector_store_idx %arg8[%broadcast_in_dim3A_867, %add3A_98], %sub3A_891 : memref<128x256xf32, #tpu.memory_space<vmem>>[vector<16xi32>, vector<16xi32>], vector<16xf32>,
      %mul3A_892 = vector.broadcast %convert_element_type3A_854 : f32 to vector<16xf32>
      %mul3A_893 = arith.mulf %mul3A_892, %gather3A_46 : vector<16xf32>
      %sub3A_894 = arith.subf %scan3A_861#8, %mul3A_893 : vector<16xf32>
      tpu.vector_store_idx %arg8[%broadcast_in_dim3A_867, %add3A_101], %sub3A_894 : memref<128x256xf32, #tpu.memory_space<vmem>>[vector<16xi32>, vector<16xi32>], vector<16xf32>,
      %mul3A_895 = vector.broadcast %convert_element_type3A_854 : f32 to vector<16xf32>
      %mul3A_896 = arith.mulf %mul3A_895, %gather3A_50 : vector<16xf32>
      %sub3A_897 = arith.subf %scan3A_861#9, %mul3A_896 : vector<16xf32>
      tpu.vector_store_idx %arg8[%broadcast_in_dim3A_867, %add3A_104], %sub3A_897 : memref<128x256xf32, #tpu.memory_space<vmem>>[vector<16xi32>, vector<16xi32>], vector<16xf32>,
      %mul3A_898 = vector.broadcast %convert_element_type3A_854 : f32 to vector<16xf32>
      %mul3A_899 = arith.mulf %mul3A_898, %gather3A_54 : vector<16xf32>
      %sub3A_900 = arith.subf %scan3A_861#10, %mul3A_899 : vector<16xf32>
      tpu.vector_store_idx %arg8[%broadcast_in_dim3A_867, %add3A_107], %sub3A_900 : memref<128x256xf32, #tpu.memory_space<vmem>>[vector<16xi32>, vector<16xi32>], vector<16xf32>,
      %mul3A_901 = vector.broadcast %convert_element_type3A_854 : f32 to vector<16xf32>
      %mul3A_902 = arith.mulf %mul3A_901, %gather3A_58 : vector<16xf32>
      %sub3A_903 = arith.subf %scan3A_861#11, %mul3A_902 : vector<16xf32>
      tpu.vector_store_idx %arg8[%broadcast_in_dim3A_867, %add3A_110], %sub3A_903 : memref<128x256xf32, #tpu.memory_space<vmem>>[vector<16xi32>, vector<16xi32>], vector<16xf32>,
      %mul3A_904 = vector.broadcast %convert_element_type3A_854 : f32 to vector<16xf32>
      %mul3A_905 = arith.mulf %mul3A_904, %gather3A_62 : vector<16xf32>
      %sub3A_906 = arith.subf %scan3A_861#12, %mul3A_905 : vector<16xf32>
      tpu.vector_store_idx %arg8[%broadcast_in_dim3A_867, %add3A_113], %sub3A_906 : memref<128x256xf32, #tpu.memory_space<vmem>>[vector<16xi32>, vector<16xi32>], vector<16xf32>,
      %mul3A_907 = vector.broadcast %convert_element_type3A_854 : f32 to vector<16xf32>
      %mul3A_908 = arith.mulf %mul3A_907, %gather3A_66 : vector<16xf32>
      %sub3A_909 = arith.subf %scan3A_861#13, %mul3A_908 : vector<16xf32>
      tpu.vector_store_idx %arg8[%broadcast_in_dim3A_867, %add3A_116], %sub3A_909 : memref<128x256xf32, #tpu.memory_space<vmem>>[vector<16xi32>, vector<16xi32>], vector<16xf32>,
      %mul3A_910 = vector.broadcast %convert_element_type3A_854 : f32 to vector<16xf32>
      %mul3A_911 = arith.mulf %mul3A_910, %gather3A_70 : vector<16xf32>
      %sub3A_912 = arith.subf %scan3A_861#14, %mul3A_911 : vector<16xf32>
      tpu.vector_store_idx %arg8[%broadcast_in_dim3A_867, %add3A_119], %sub3A_912 : memref<128x256xf32, #tpu.memory_space<vmem>>[vector<16xi32>, vector<16xi32>], vector<16xf32>,
      %mul3A_913 = vector.broadcast %convert_element_type3A_854 : f32 to vector<16xf32>
      %mul3A_914 = arith.mulf %mul3A_913, %gather3A_74 : vector<16xf32>
      %sub3A_915 = arith.subf %scan3A_861#15, %mul3A_914 : vector<16xf32>
      tpu.vector_store_idx %arg8[%broadcast_in_dim3A_867, %add3A_122], %sub3A_915 : memref<128x256xf32, #tpu.memory_space<vmem>>[vector<16xi32>, vector<16xi32>], vector<16xf32>,
    }
    %scan3A_134 = arith.constant 32 : i32
    %mul3A_135 = arith.constant 128 : i32
    %mul3A_136 = arith.muli %add3A, %mul3A_135 : i32
    "tpu.region"() ({
      %run_scoped3A = tpu.sem_alloc : memref<!tpu.dma_semaphore, #tpu.memory_space<semaphore_mem>>
      %dma_start3A_137 = arith.constant 0 : i32
      %dma_start3A_138 = tpu.memref_slice %arg4[%mul3A_136, %dma_start3A_137] : memref<4096x256xf32, #tpu.memory_space<hbm>> -> memref<128x256xf32, #tpu.memory_space<hbm>>
      %dma_start3A_139 = arith.constant 0 : i32
      %dma_start3A_140 = tpu.memref_slice %arg4[%mul3A_136, %dma_start3A_139] : memref<4096x256xf32, #tpu.memory_space<hbm>> -> memref<128x256xf32, #tpu.memory_space<hbm>>
      tpu.enqueue_dma source(%arg8 : memref<128x256xf32, #tpu.memory_space<vmem>>) target(%dma_start3A_140 : memref<128x256xf32, #tpu.memory_space<hbm>>) target_semaphore(%run_scoped3A : memref<!tpu.dma_semaphore, #tpu.memory_space<semaphore_mem>>)
      %dma_wait3A_141 = arith.constant 0 : i32
      %dma_wait3A_142 = tpu.memref_slice %arg4[%mul3A_136, %dma_wait3A_141] : memref<4096x256xf32, #tpu.memory_space<hbm>> -> memref<128x256xf32, #tpu.memory_space<hbm>>
      %dma_wait3A_143 = arith.constant 0 : i32
      %dma_wait3A_144 = tpu.memref_slice %arg4[%mul3A_136, %dma_wait3A_143] : memref<4096x256xf32, #tpu.memory_space<hbm>> -> memref<128x256xf32, #tpu.memory_space<hbm>>
      tpu.wait_dma2 semaphore(%run_scoped3A : memref<!tpu.dma_semaphore, #tpu.memory_space<semaphore_mem>>) src(%arg8 : memref<128x256xf32, #tpu.memory_space<vmem>>) dst(%dma_wait3A_144 : memref<128x256xf32, #tpu.memory_space<hbm>>)
      tpu.yield
    }) : () -> ()
    return
  }
}

module attributes {stable_mosaic.version = 14 : i64} {
  func.func @body(%arg0: memref<4096x256xf32, #tpu.memory_space<vmem>>, %arg1: memref<4096x1xf32, #tpu.memory_space<vmem>>, %arg2: memref<256x256xf32, #tpu.memory_space<vmem>>, %arg3: memref<1x256xf32, #tpu.memory_space<vmem>>, %arg4: memref<256x1xf32, #tpu.memory_space<vmem>>, %arg5: memref<1x1xf32, #tpu.memory_space<vmem>>, %arg6: memref<4096x1xf32, #tpu.memory_space<vmem>>) attributes {dimension_semantics = [], scalar_prefetch = 0 : i64, scratch_operands = 0 : i64, tpu.core_type = #tpu.core_type<tc>} {
    %get3A = arith.constant 0 : index
    %get3A_0 = arith.constant 0 : index
    %get3A_1 = vector.load %arg0[%get3A, %get3A_0] : memref<4096x256xf32, #tpu.memory_space<vmem>>, vector<4096x256xf32>
    %get3A_2 = arith.constant 0 : index
    %get3A_3 = arith.constant 0 : index
    %get3A_4 = vector.load %arg1[%get3A_2, %get3A_3] : memref<4096x1xf32, #tpu.memory_space<vmem>>, vector<4096x1xf32>
    %div3A = vector.broadcast %get3A_4 : vector<4096x1xf32> to vector<4096x256xf32>
    %div3A_5 = arith.divf %get3A_1, %div3A : vector<4096x256xf32>
    %get3A_6 = arith.constant 0 : index
    %get3A_7 = arith.constant 0 : index
    %get3A_8 = vector.load %arg2[%get3A_6, %get3A_7] : memref<256x256xf32, #tpu.memory_space<vmem>>, vector<256x256xf32>
    %dot_general3A = arith.constant dense<0.000000e+00> : vector<4096x256xf32>
    %dot_general3A_9 = tpu.matmul %div3A_5, %get3A_8, %dot_general3A {dimension_numbers = #tpu.dot_dimension_numbers<[1], [0], [0], [1], [0, 0, 1, 1], [], []>, transpose_lhs_hint = false} : vector<4096x256xf32>, vector<256x256xf32>, vector<4096x256xf32> -> vector<4096x256xf32>
    %get3A_10 = arith.constant 0 : index
    %get3A_11 = arith.constant 0 : index
    %get3A_12 = vector.load %arg3[%get3A_10, %get3A_11] : memref<1x256xf32, #tpu.memory_space<vmem>>, vector<1x256xf32>
    %add3A = vector.broadcast %get3A_12 : vector<1x256xf32> to vector<4096x256xf32>
    %add3A_13 = arith.addf %dot_general3A_9, %add3A : vector<4096x256xf32>
    %max3A = arith.constant 0.000000e+00 : f32
    %max3A_14 = vector.broadcast %max3A : f32 to vector<4096x256xf32>
    %max3A_15 = arith.maximumf %add3A_13, %max3A_14 : vector<4096x256xf32>
    %get3A_16 = arith.constant 0 : index
    %get3A_17 = arith.constant 0 : index
    %get3A_18 = vector.load %arg4[%get3A_16, %get3A_17] : memref<256x1xf32, #tpu.memory_space<vmem>>, vector<256x1xf32>
    %dot_general3A_19 = arith.constant dense<0.000000e+00> : vector<4096x1xf32>
    %dot_general3A_20 = tpu.matmul %max3A_15, %get3A_18, %dot_general3A_19 {dimension_numbers = #tpu.dot_dimension_numbers<[1], [0], [0], [1], [0, 0, 1, 1], [], []>, transpose_lhs_hint = false} : vector<4096x256xf32>, vector<256x1xf32>, vector<4096x1xf32> -> vector<4096x1xf32>
    %get3A_21 = arith.constant 0 : index
    %get3A_22 = arith.constant 0 : index
    %get3A_23 = vector.load %arg5[%get3A_21, %get3A_22] : memref<1x1xf32, #tpu.memory_space<vmem>>, vector<1x1xf32>
    %add3A_24 = vector.broadcast %get3A_23 : vector<1x1xf32> to vector<4096x1xf32>
    %add3A_25 = arith.addf %dot_general3A_20, %add3A_24 : vector<4096x1xf32>
    %swap3A = arith.constant 0 : index
    %swap3A_26 = arith.constant 0 : index
    %swap3A_27 = vector.load %arg6[%swap3A, %swap3A_26] : memref<4096x1xf32, #tpu.memory_space<vmem>>, vector<4096x1xf32>
    tpu.vector_store %arg6[%swap3A, %swap3A_26], %add3A_25 {strides = array<i32>} : memref<4096x1xf32, #tpu.memory_space<vmem>>, vector<4096x1xf32>,
    return
  }
}

</mosaic_0001>

<sc_bundles>
// kernel: kernel.4.cloned.1.call-start
scs
__scs_entry_jumppad:
0x0: {  	(pc) =	sbr.rel $0x88, $3  }
0x1: {  	(tag) =	ssettag $0x0;
	lr =	simm.s32 $0x1  }
0x2: {  	[smem:$0x3F9A] =	sst lr;
	_ =	strace $0xD0000000  }
0x3: {  	_ = 	snop  }
0x4: {  	_ = 	snop  }
0x5: {  	_ = 	snop  }
0x6: {  	_ = 	snop  }
0x7: {  	_ = 	snop  }
__scs_overlays_trampoline_lowered:
0x8: {  	[smem:$0x3FA9] =	sst s0  }
0x9: {  	[smem:$0x3FAA] =	sst s1  }
0xa: {  	[smem:$0x3FAB] =	sst s2  }
0xb: {  	[smem:$0x3FAC] =	sst s3  }
0xc: {  	[smem:$0x3FAD] =	sst s4  }
0xd: {  	[smem:$0x3FAE] =	sst s5  }
0xe: {  	[smem:$0x3FAF] =	sst s6  }
0xf: {  	[smem:$0x3FB0] =	sst s7  }
0x10: {  	[smem:$0x3FB1] =	sst s8  }
0x11: {  	[smem:$0x3FB2] =	sst s9;
	s0 =	simm.s32 @!p0 $0x0  }
0x12: {  	s1 =	sld [smem:$0x3F98];
	s0 =	simm.s32 @p0 $0x1  }
0x13: {  	[smem:$0x3FB3] =	sst s0;
	s0 =	simm.s32 @!p1 $0x0  }
0x14: {  	s2 =	sld [smem:$0x3F97];
	s0 =	simm.s32 @p1 $0x1  }
0x15: {  	[smem:$0x3FB4] =	sst s0;
	s0 =	simm.s32 @!p2 $0x0  }
0x16: {  	s3 =	sld [smem:$0x3FDB];
	s0 =	simm.s32 @p2 $0x1  }
0x17: {  	s4 =	simm.s32 $0x1BF5;
	[smem:$0x3FB6] =	sst s0  }
0x18: {  	s0 =	sld [smem:$0x3F99];
	_ =	swait.ge [sflag:s4], $0x0  }
0x19: {  	s7 =	sld [smem:$0x3F9A]  }
0x1a: {  	s8 =	sadd.s32 $0xFFFFE003, lr  }
0x1b: {  	s9 =	sadd.s32 $0xFFFFFEF7, lr;
	s5 =	simm.s32 $0xFFFFFFFF;
	p2 =	slt.u32 s8, $0xFFFFF086  }
0x1c: {  	p1 =	slt.u32 s9, $0xF7A;
	s5 =	simm.s32 @!p2 $0x0  }
0x1d: {  	s5 =	simm.s32 @p1 $0x1;
	p0 =	seq.s32 s7, s2  }
0x1e: {  	s7 =	smul.u32 @!p0 $0xF7A, s2;
	p2 =	seq.s32 @!p0 s5, $0x0  }
0x1f: {  	s9 =	smul.u32 $0xF7A, s1;
	s8 =	simm.s32 @!p0 $0x1BF5;
	p2 =	por !p2, p0  }
0x20: {  	[sflag:s8] =	ssyncset.s32 @!p0 $0xFFFFF086;
	s6 =	sadd.s32 @!p0 s3, s7;
	s7 =	simm.s32 @!p0 $0x108  }
0x21: {  	s3 =	sadd.s32 s3, s9;
	s6 =	sadd.s32 @!p0 $0x88, s6;
	s7 =	simm.s32 @p2 $0x1082  }
0x22: {  	[simem:s7], [sflag:s8] =	dma.local @!p0 [hbm:s6], $0xF7A  }
0x23: {  	s9 =	sor.u32 $0xD0000000, s2;
	s6 =	simm.s32 $0x108;
	_ =	swait.ge @!p0 [sflag:s8], $0x0  }
0x24: {  	s3 =	sadd.s32 $0x88, s3;
	s6 =	simm.s32 @!p1 $0x1082;
	[sflag:s4] =	ssyncset.s32 $0xFFFFF086  }
0x25: {  	[simem:s6], [sflag:s4] =	dma.local [hbm:s3], $0xF7A  }
0x26: {  	[smem:$0x3F9A] =	sst s1;
	(tag) =	ssettag s2;
	_ =	strace s9  }
0x27: {  	s1 =	sld [smem:$0x3FAA]  }
0x28: {  	s2 =	sld [smem:$0x3FAB]  }
0x29: {  	s4 =	sld [smem:$0x3FAD]  }
0x2a: {  	p0 =	seq.s32 s5, $0x0;
	s5 =	sld [smem:$0x3FAE]  }
0x2b: {  	s6 =	sld [smem:$0x3FAF]  }
0x2c: {  	s7 =	sld [smem:$0x3FB0]  }
0x2d: {  	s3 =	simm.s32 $0x108;
	s8 =	sld [smem:$0x3FB1]  }
0x2e: {  	s3 =	simm.s32 @!p0 $0x1082;
	s9 =	sld [smem:$0x3FB2]  }
0x2f: {  	lr =	sadd.s32 s0, s3;
	s0 =	sld [smem:$0x3FA9]  }
0x30: {  	s3 =	sld [smem:$0x3FAC]  }
0x31: {  	[smem:$0x3FB5] =	sst s10  }
0x32: {  	s10 =	sld [smem:$0x3FB3];
	_ =	sdelay $0x3  }
0x33: {  	p0 =	seq.s32 s10, $0x1;
	s10 =	sld [smem:$0x3FB5];
	_ =	sdelay $0x3  }
0x34: {  	[smem:$0x3FB5] =	sst s10  }
0x35: {  	s10 =	sld [smem:$0x3FB4];
	_ =	sdelay $0x3  }
0x36: {  	p1 =	seq.s32 s10, $0x1;
	s10 =	sld [smem:$0x3FB5];
	_ =	sdelay $0x3  }
0x37: {  	[smem:$0x3FB5] =	sst s10  }
0x38: {  	s10 =	sld [smem:$0x3FB6]  }
0x39: {  	_ = 	snop;
	(pc) =	sbr.ind lr, $3  }
0x3a: {  	_ = 	snop  }
0x3b: {  	_ = 	snop  }
0x3c: {  	p2 =	seq.s32 s10, $0x1;
	s10 =	sld [smem:$0x3FB5]  }
0x3d: {  	_ =	shalt  }
0x3e: {  	_ =	shalt  }
0x3f: {  	_ =	shalt  }
0x40: {  	_ =	shalt  }
0x41: {  	_ =	shalt  }
0x42: {  	_ =	shalt  }
0x43: {  	_ =	shalt  }
0x44: {  	_ =	shalt  }
0x45: {  	_ =	shalt  }
0x46: {  	_ =	shalt  }
0x47: {  	_ =	shalt  }
0x48: {  	_ =	shalt  }
0x49: {  	_ =	shalt  }
0x4a: {  	_ =	shalt  }
0x4b: {  	_ =	shalt  }
0x4c: {  	_ =	shalt  }
0x4d: {  	_ =	shalt  }
0x4e: {  	_ =	shalt  }
0x4f: {  	_ =	shalt  }
0x50: {  	_ =	shalt  }
0x51: {  	_ =	shalt  }
0x52: {  	_ =	shalt  }
0x53: {  	_ =	shalt  }
0x54: {  	_ =	shalt  }
0x55: {  	_ =	shalt  }
0x56: {  	_ =	shalt  }
0x57: {  	_ =	shalt  }
0x58: {  	_ =	shalt  }
0x59: {  	_ =	shalt  }
0x5a: {  	_ =	shalt  }
0x5b: {  	_ =	shalt  }
0x5c: {  	_ =	shalt  }
0x5d: {  	_ =	shalt  }
0x5e: {  	_ =	shalt  }
0x5f: {  	_ =	shalt  }
0x60: {  	_ =	shalt  }
0x61: {  	_ =	shalt  }
0x62: {  	_ =	shalt  }
0x63: {  	_ =	shalt  }
0x64: {  	_ =	shalt  }
0x65: {  	_ =	shalt  }
0x66: {  	_ =	shalt  }
0x67: {  	_ =	shalt  }
0x68: {  	_ =	shalt  }
0x69: {  	_ =	shalt  }
0x6a: {  	_ =	shalt  }
0x6b: {  	_ =	shalt  }
0x6c: {  	_ =	shalt  }
0x6d: {  	_ =	shalt  }
0x6e: {  	_ =	shalt  }
0x6f: {  	_ =	shalt  }
0x70: {  	_ =	shalt  }
0x71: {  	_ =	shalt  }
0x72: {  	_ =	shalt  }
0x73: {  	_ =	shalt  }
0x74: {  	_ =	shalt  }
0x75: {  	_ =	shalt  }
0x76: {  	_ =	shalt  }
0x77: {  	_ =	shalt  }
0x78: {  	_ =	shalt  }
0x79: {  	_ =	shalt  }
0x7a: {  	_ =	shalt  }
0x7b: {  	_ =	shalt  }
0x7c: {  	_ =	shalt  }
0x7d: {  	_ =	shalt  }
0x7e: {  	_ =	shalt  }
0x7f: {  	_ =	shalt  }
0x80: {  	_ =	shalt  }
0x81: {  	_ =	shalt  }
0x82: {  	_ =	shalt  }
0x83: {  	_ =	shalt  }
0x84: {  	_ =	shalt  }
0x85: {  	_ =	shalt  }
0x86: {  	_ =	shalt  }
0x87: {  	_ =	shalt  }
.Lfunc_end0:
.L_simem_size_0:
called_computation_lowered:
.L_overlay_start_0:
0x88: {  	s2 =	sld [smem:$0x3FD9]  }
0x89: {  	s3 =	sld [smem:$0x3FFE];
	_ =	sdelay $0x1  }
0x8a: {  	s1 =	srdreg.scid  }
0x8b: {  	s0 =	sand.u32 $0x1, s1  }
0x8c: {  	s17 =	sshll.u32 s0, $0xA;
	s2 =	sadd.s32 s3, s2  }
0x8d: {  	s2 =	sadd.s32 s2, s17  }
0x8e: {  	[smem:$0x3FC1] =	sst s2  }
0x8f: {  	_ = 	snop  }
0x90: {  	s2 =	sld [smem:$0x3FC7];
	(tm) =	ssettm $0x1  }
0x91: {  	s18 =	sld [smem:$0x3FFB];
	_ =	sdelay $0x3  }
0x92: {  	_ =	strace s18  }
0x93: {  	s3 =	sld [smem:$0x3FFC];
	_ =	sdelay $0x3  }
0x94: {  	_ =	strace s3  }
0x95: {  	s3 =	sld [smem:$0x3FFD];
	_ =	sdelay $0x3  }
0x96: {  	_ =	strace s3  }
0x97: {  	_ =	strace $0x8FFFFFFF  }
0x98: {  	s19 =	sld [smem:$0x3FDB];
	_ =	sdelay $0x1  }
0x99: {  	s4 =	simm.s32 $_scs_section_size  }
0x9a: {  	s5 =	simm.s32 $_size__tile_overlayer_lowered;
	s6 =	simm.s32 $_tile_overlayer_lowered  }
0x9b: {  	s22 =	simm.s32 $0x1BFF;
	s21 =	sshll.u32 s6, $0x1;
	s3 =	sadd.s32 s4, s19  }
0x9c: {  	s7 =	simm.s32 $0x0;
	s20 =	sshll.u32 s5, $0x1;
	s5 =	sadd.s32 s21, s3  }
0x9d: {  	[timem:s7], [sflag:s22] =	dma.local [hbm:s5], s20  }
0x9e: {  	_ =	swait.ge [sflag:s22], s20  }
0x9f: {  	s4 =	ssub.s32 $0x0, s20;
	[sflag:s22] =	ssyncset.done $0x0  }
0xa0: {  	[sflag:s22] =	ssyncadd.s32 s4;
	_ =	sdelay $0x1  }
0xa1: {  	s23 =	simm.s32 $0x1B8B  }
0xa2: {  	_ =	swait.ge [sflag:s23], $0x1  }
0xa3: {  	[sflag:s23] =	ssyncset.done $0x0  }
0xa4: {  	s25 =	simm.s32 $0x1B8E;
	s24 =	sld [smem:$0x3FFE];
	[sflag:s23] =	ssyncadd.s32 $0xFFFFFFFF  }
0xa5: {  	s26 =	simm.s32 $execute0_lowered;
	[smem:$0x3FD2] =	sst s25  }
0xa6: {  	s5 =	sshll.u32 s26, $0x1;
	_ =	strace $0x80000046;
	[dreg:$0x1] =	wrdreg $0xFFFFFFFF  }
0xa7: {  	s28 =	simm.s32 $_size_execute0_lowered;
	s3 =	sadd.s32 s3, s5;
	[dreg:$0x0] =	wrdreg $0x0  }
0xa8: {  	s5 =	sshll.u32 s28, $0x1;
	[dreg:$0x2] =	wrdreg s3  }
0xa9: {  	[dreg:$0x3] =	wrdreg s5  }
0xaa: {  	[dreg:$0x4] =	wrdreg $0xC0  }
0xab: {  	_ =	task [dreg:s7], $0x5FFFF  }
0xac: {  	[dreg:$0x1] =	wrdreg $0xFFFFFFFF  }
0xad: {  	[dreg:$0x0] =	wrdreg $0x60  }
0xae: {  	[dreg:$0x2] =	wrdreg s24  }
0xaf: {  	[dreg:$0x3] =	wrdreg s2  }
0xb0: {  	[dreg:$0x4] =	wrdreg $0x9  }
0xb1: {  	_ =	task.clear_ibuf [dreg:s7], $0x5FFFF;
	_ =	strace $0x90000046  }
0xb2: {  	s29 =	simm.s32 $0x9;
	_ =	strace $0x80000048  }
0xb3: {  	_ =	swait.ge [sflag:s29], $0x1  }
0xb4: {  	[sflag:s29] =	ssyncadd.s32 $0xFFFFFFFF  }
0xb5: {  	_ =	strace $0x90000048  }
0xb6: {  	_ =	sfence  }
0xb7: {  	s30 =	sld [smem:$0x0];
	_ =	sdelay $0x2  }
0xb8: {  	s31 =	sshll.u32 s1, $0xD;
	s1 =	sshrl.u32 s1, $0x2  }
0xb9: {  	s3 =	sand.u32 $0x4000, s31;
	s1 =	sadd.s32 s1, s30  }
0xba: {  	s0 =	sor.u32 s3, s0;
	s1 =	sshll.u32 s1, $0x11  }
0xbb: {  	s0 =	sor.u32 s1, s0  }
0xbc: {  	s0 =	sadd.s32 $0x8F2B, s0  }
0xbd: {  	[sflag:s0] =	ssyncadd.remote.s32 $0x1  }
0xbe: {  	_ =	sfence.sel $0xFFFF  }
0xbf: {  	[dreg:$0x0] =	wrdreg $0xFFFFFFFF;
	(pc) =	sbr.abs _section_cstart, $3  }
0xc0: {  	[dreg:$0x1] =	wrdreg $0xFFFFFFFF  }
0xc1: {  	_ =	task.clear_ibuf [dreg:s7], $0x2FFFF;
	_ =	strace $0x9FFFFFFF  }
0xc2: {  	(tm) =	ssettm $0x7FFFFFFF  }
0xc3: {  	_ =	shalt  }
tec
execute0_lowered:
.L_overlay_start_1:
0x0: {  	(tag) =	ssettag $0x1  }
0x1: {  	s0 =	rddreg [dreg:$0x0]  }
0x2: {  	s2 =	rddreg [dreg:$0x1];
	s1 =	srdreg.scid  }
0x3: {  	s4 =	stileid.u32;
	s3 =	simm.s32 $0x0;
	s19 =	simm.s32 $0x4  }
0x4: {  	s11 =	simm.s32 $0x2000;
	s28 =	simm.s32 $0xA000;
	s29 =	simm.s32 $0xA800  }
0x5: {  	s30 =	simm.s32 $0xB000;
	s31 =	simm.s32 $0xB800;
	s9 =	simm.s32 $0xD000  }
0x6: {  	s10 =	simm.s32 $0xF000;
	s7 =	simm.s32 $0xF800;
	s8 =	simm.s32 $0x10000  }
0x7: {  	s12 =	simm.s32 $0x10800;
	s13 =	simm.s32 $0x11000;
	s14 =	simm.s32 $0x11800  }
0x8: {  	v0 =	vlaneseq.u32;
	s15 =	simm.s32 $0x1;
	s16 =	simm.s32 $0x12000;
	s17 =	simm.s32 $0x2  }
0x9: {  	v4 =	vimm.s32 $0x276DF1;
	vm0 =	vmmov $0xffff;
	vm2 =	vcmask $0x3F08;
	s20 =	simm.s32 $0x0;
	s1 =	sand.u32 $0x1, s1;
	s4 =	sshll.u32 s4, $0x1  }
0xa: {  	s24 =	simm.s32 $0x32;
	[smem:$0x7FF] =	sst s3;
	v1 =	vand.u32 $0x7, v0;
	v3 =	vshrl.u32 v0, $0x3;
	v2 =	vor.u32 $0x8, v0;
	s4 =	sor.u32 s1, s4  }
0xb: {  	v7 =	vor.u32 $0x10, v0;
	v8 =	vor.u32 $0x20, v0;
	v9 =	vor.u32 $0x30, v0;
	_ =	strace $0x80000047;
	s1 =	ssub.s32 $0x2, s1;
	s5 =	sshll.u32 s4, $0xA  }
0xc: {  	v10 =	vor.u32 $0x40, v0;
	v11 =	vor.u32 $0x50, v0;
	v12 =	vor.u32 $0x60, v0;
	s4 =	sshll.u32 s4, $0xC;
	s6 =	sshrl.u32 s1, $0x1;
	s5 =	sadd.s32 s5, s0  }
0xd: {  	v13 =	vor.u32 $0x70, v0;
	v5 =	vperm.xlane v4, v1;
	v3 =	vmul.u32 $0x8, v3;
	s0 =	sadd.s32 s4, s0;
	s1 =	ssub.s32 s1, s6;
	s25 =	sadd.s32 $0xA00, s5  }
0xe: {  	v14 =	vor.u32 $0x400, v0;
	v15 =	vor.u32 $0x410, v0;
	[tilespmem:$0x1FFC0] =	vst v1;
	v4 =	vperm.xlane v4, v2;
	s4 =	simm.s32 $0xD800;
	s0 =	sadd.s32 $0x8A00, s0;
	[dreg:$0x3] =	wrdreg s25  }
0xf: {  	v16 =	vor.u32 $0x420, v0;
	v17 =	vor.u32 $0x430, v0;
	[tilespmem:$0x1FFD0] =	vst v2;
	v1 =	vadd.s32 v3, v5;
	s6 =	simm.s32 $0xE800;
	s26 =	smax.u32 s1, $0x1;
	[dreg:$0x4] =	wrdreg s0  }
0x10: {  	v18 =	vor.u32 $0x440, v0;
	v19 =	vor.u32 $0x450, v0;
	[tilespmem:$0x1FFE0] =	vst v1;
	v1 =	vadd.s32 v3, v4;
	s1 =	simm.s32 $0xC800;
	s5 =	simm.s32 $0xE000;
	[dreg:$0x5] =	wrdreg s26  }
0x11: {  	vm1 =	vmmov $0x3;
	v20 =	vor.u32 $0x460, v0;
	v21 =	vor.u32 $0x470, v0;
	s25 =	simm.s32 $0x9000;
	[tilespmem:$0x1FFF0] =	vst v1;
	s26 =	simm.s32 $0x9800;
	s0 =	simm.s32 $0xC000  }
.LBB2_1:
0x12: {  	[dreg:$0x6] =	wrdreg s20  }
0x13: {  	s18 =	rddreg [dreg:$0x3]  }
0x14: {  	[tilespmem:s3], [sflag:$0x4] =	stream.linear.gather [hbm4b:s18+s3], $0x2000, $0x38;
	[tilespmem:$0x1B080] =	vst v63  }
0x15: {  	_ =	swait.ge [sflag:s19], $0x2000  }
0x16: {  	[sflag:s19] =	ssyncset.done $0x0  }
0x17: {  	v1 =	vimm.s32 $0x13B6F9;
	[sflag:s19] =	ssyncadd.s32 $0xFFFFE000  }
0x18: {  	[tilespmem:$0x1B000] =	vst v1;
	v1 =	vld [tilespmem:$0x1FFE0];
	_ =	sdelay $0x6  }
0x19: {  	s22 =	simm.s32 $0x1A000  }
0x1a: {  	[tilespmem:s22], [sflag:$0x3] =	stream.indirect_vreg.gather [hbm4b:s2+s3], $0x80, v1, vm0, $0xb8;
	v1 =	vld [tilespmem:$0x1FFF0]  }
0x1b: {  	_ =	sdelay $0x5  }
0x1c: {  	s23 =	simm.s32 $0x1A800;
	s20 =	simm.s32 $0x3  }
0x1d: {  	[tilespmem:s23], [sflag:$0x3] =	stream.indirect_vreg.gather [hbm4b:s2+s3], $0x80, v1, vm0, $0xb8;
	[tilespmem:$0x1B080] =	vst v63  }
0x1e: {  	_ =	swait.ge [sflag:s20], $0x1000  }
0x1f: {  	[sflag:s20] =	ssyncset.done $0x0  }
0x20: {  	[sflag:s20] =	ssyncadd.s32 $0xFFFFF000  }
0x21: {  	v1 =	vld.idx.msk [tilespmem:v8+s22+$0x0], $0xffff;
	_ =	sdelay $0x4  }
0x22: {  	[tilespmem:$0x1FEC0] =	vst v1;
	v1 =	vld.idx.msk [tilespmem:v9+s22+$0x0], $0xffff;
	_ =	sdelay $0x4  }
0x23: {  	[tilespmem:$0x1FED0] =	vst v1;
	v1 =	vld.idx.msk [tilespmem:v10+s22+$0x0], $0xffff;
	_ =	sdelay $0x4  }
0x24: {  	[tilespmem:$0x1FEE0] =	vst v1;
	v1 =	vld.idx.msk [tilespmem:v11+s22+$0x0], $0xffff;
	_ =	sdelay $0x4  }
0x25: {  	[tilespmem:$0x1FEF0] =	vst v1;
	v1 =	vld.idx.msk [tilespmem:v12+s22+$0x0], $0xffff;
	_ =	sdelay $0x4  }
0x26: {  	[tilespmem:$0x1FF00] =	vst v1;
	v1 =	vld.idx.msk [tilespmem:v13+s22+$0x0], $0xffff;
	_ =	sdelay $0x4  }
0x27: {  	[tilespmem:$0x1FF10] =	vst v1;
	v1 =	vld.idx.msk [tilespmem:v14+s22+$0x0], $0xffff;
	_ =	sdelay $0x4  }
0x28: {  	[tilespmem:$0x1FF20] =	vst v1;
	v1 =	vld.idx.msk [tilespmem:v15+s22+$0x0], $0xffff;
	_ =	sdelay $0x4  }
0x29: {  	[tilespmem:$0x1FF30] =	vst v1;
	v1 =	vld.idx.msk [tilespmem:v16+s22+$0x0], $0xffff;
	_ =	sdelay $0x4  }
0x2a: {  	[tilespmem:$0x1FF40] =	vst v1;
	v1 =	vld.idx.msk [tilespmem:v17+s22+$0x0], $0xffff;
	_ =	sdelay $0x4  }
0x2b: {  	[tilespmem:$0x1FF50] =	vst v1;
	v1 =	vld.idx.msk [tilespmem:v18+s22+$0x0], $0xffff;
	_ =	sdelay $0x4  }
0x2c: {  	[tilespmem:$0x1FF60] =	vst v1;
	v1 =	vld.idx.msk [tilespmem:v19+s22+$0x0], $0xffff;
	_ =	sdelay $0x4  }
0x2d: {  	[tilespmem:$0x1FF70] =	vst v1;
	v1 =	vld.idx.msk [tilespmem:v20+s22+$0x0], $0xffff;
	_ =	sdelay $0x4  }
0x2e: {  	[tilespmem:$0x1FF80] =	vst v1;
	v1 =	vld.idx.msk [tilespmem:v21+s22+$0x0], $0xffff;
	_ =	sdelay $0x4  }
0x2f: {  	v62 =	vld.idx.msk [tilespmem:v0+s22+$0x0], $0xffff;
	[tilespmem:$0x1FF90] =	vst v1  }
0x30: {  	v63 =	vld.idx.msk [tilespmem:v7+s22+$0x0], $0xffff;
	_ =	sdelay $0x7ff  }
0x31: {  	_ =	sdelay $0x7ff  }
0x32: {  	_ =	sdelay $0x7ff  }
0x33: {  	_ =	sdelay $0x7ff  }
0x34: {  	_ =	sdelay $0x403  }
0x35: {  	v4 =	vld [tilespmem:$0x0];
	_ =	sdelay $0x2  }
0x36: {  	v1 =	vld [tilespmem:$0x1FFC0];
	_ =	sdelay $0x1  }
0x37: {  	v2 =	vld [tilespmem:$0x1FFD0];
	v5 =	vshll.u32 v4, $0x1  }
0x38: {  	v4 =	vand.u32 $0x7, v4;
	v5 =	vand.u32 $0xFFFFFFF0, v5  }
0x39: {  	v4 =	vor.u32 v4, v5  }
0x3a: {  	v5 =	vperm.xlane v4, v1;
	_ =	sdelay $0x1  }
0x3b: {  	v4 =	vperm.xlane v4, v2;
	v5 =	vadd.s32 v3, v5;
	_ =	sdelay $0x1  }
0x3c: {  	v4 =	vadd.s32 v3, v4;
	_ =	sdelay $0x2  }
0x3d: {  	[tilespmem:s11], [sflag:$0x1] =	stream.indirect_vreg.gather [hbm4b:s2+s3], $0x80, v5, vm0, $0xb8;
	[tilespmem:$0x1B080] =	vst v63  }
0x3e: {  	s21 =	simm.s32 $0x2800  }
0x3f: {  	[tilespmem:s21], [sflag:$0x1] =	stream.indirect_vreg.gather [hbm4b:s2+s3], $0x80, v4, vm0, $0xb8;
	[tilespmem:$0x1B080] =	vst v63  }
0x40: {  	v4 =	vld [tilespmem:$0x10];
	_ =	sdelay $0x4  }
0x41: {  	v5 =	vshll.u32 v4, $0x1  }
0x42: {  	v4 =	vand.u32 $0x7, v4;
	v5 =	vand.u32 $0xFFFFFFF0, v5  }
0x43: {  	v4 =	vor.u32 v4, v5  }
0x44: {  	v5 =	vperm.xlane v4, v1;
	_ =	sdelay $0x1  }
0x45: {  	v4 =	vperm.xlane v4, v2;
	v5 =	vadd.s32 v3, v5;
	_ =	sdelay $0x1  }
0x46: {  	v4 =	vadd.s32 v3, v4;
	_ =	sdelay $0x1  }
0x47: {  	s22 =	simm.s32 $0x3000  }
0x48: {  	[tilespmem:s22], [sflag:$0x1] =	stream.indirect_vreg.gather [hbm4b:s2+s3], $0x80, v5, vm0, $0xb8;
	[tilespmem:$0x1B080] =	vst v63  }
0x49: {  	s23 =	simm.s32 $0x3800  }
0x4a: {  	[tilespmem:s23], [sflag:$0x1] =	stream.indirect_vreg.gather [hbm4b:s2+s3], $0x80, v4, vm0, $0xb8;
	[tilespmem:$0x1B080] =	vst v63  }
0x4b: {  	v4 =	vld [tilespmem:$0x20];
	_ =	sdelay $0x4  }
0x4c: {  	v5 =	vshll.u32 v4, $0x1  }
0x4d: {  	v4 =	vand.u32 $0x7, v4;
	v5 =	vand.u32 $0xFFFFFFF0, v5  }
0x4e: {  	v4 =	vor.u32 v4, v5  }
0x4f: {  	v5 =	vperm.xlane v4, v1;
	_ =	sdelay $0x1  }
0x50: {  	v4 =	vperm.xlane v4, v2;
	v5 =	vadd.s32 v3, v5;
	_ =	sdelay $0x1  }
0x51: {  	v4 =	vadd.s32 v3, v4;
	_ =	sdelay $0x1  }
0x52: {  	s19 =	simm.s32 $0x4000  }
0x53: {  	[tilespmem:s19], [sflag:$0x1] =	stream.indirect_vreg.gather [hbm4b:s2+s3], $0x80, v5, vm0, $0xb8;
	[tilespmem:$0x1B080] =	vst v63  }
0x54: {  	s20 =	simm.s32 $0x4800  }
0x55: {  	[tilespmem:s20], [sflag:$0x1] =	stream.indirect_vreg.gather [hbm4b:s2+s3], $0x80, v4, vm0, $0xb8;
	[tilespmem:$0x1B080] =	vst v63  }
0x56: {  	v4 =	vld [tilespmem:$0x30];
	_ =	sdelay $0x4  }
0x57: {  	v5 =	vshll.u32 v4, $0x1  }
0x58: {  	v4 =	vand.u32 $0x7, v4;
	v5 =	vand.u32 $0xFFFFFFF0, v5  }
0x59: {  	v4 =	vor.u32 v4, v5  }
0x5a: {  	v5 =	vperm.xlane v4, v1;
	_ =	sdelay $0x1  }
0x5b: {  	v4 =	vperm.xlane v4, v2;
	v5 =	vadd.s32 v3, v5;
	_ =	sdelay $0x1  }
0x5c: {  	v4 =	vadd.s32 v3, v4;
	_ =	sdelay $0x1  }
0x5d: {  	s21 =	simm.s32 $0x5000  }
0x5e: {  	[tilespmem:s21], [sflag:$0x1] =	stream.indirect_vreg.gather [hbm4b:s2+s3], $0x80, v5, vm0, $0xb8;
	[tilespmem:$0x1B080] =	vst v63  }
0x5f: {  	s22 =	simm.s32 $0x5800  }
0x60: {  	[tilespmem:s22], [sflag:$0x1] =	stream.indirect_vreg.gather [hbm4b:s2+s3], $0x80, v4, vm0, $0xb8;
	[tilespmem:$0x1B080] =	vst v63  }
0x61: {  	v4 =	vld [tilespmem:$0x40];
	_ =	sdelay $0x4  }
0x62: {  	v5 =	vshll.u32 v4, $0x1  }
0x63: {  	v4 =	vand.u32 $0x7, v4;
	v5 =	vand.u32 $0xFFFFFFF0, v5  }
0x64: {  	v4 =	vor.u32 v4, v5  }
0x65: {  	v5 =	vperm.xlane v4, v1;
	_ =	sdelay $0x1  }
0x66: {  	v4 =	vperm.xlane v4, v2;
	v5 =	vadd.s32 v3, v5;
	_ =	sdelay $0x1  }
0x67: {  	v4 =	vadd.s32 v3, v4;
	_ =	sdelay $0x1  }
0x68: {  	s23 =	simm.s32 $0x6000  }
0x69: {  	[tilespmem:s23], [sflag:$0x1] =	stream.indirect_vreg.gather [hbm4b:s2+s3], $0x80, v5, vm0, $0xb8;
	[tilespmem:$0x1B080] =	vst v63  }
0x6a: {  	s19 =	simm.s32 $0x6800  }
0x6b: {  	[tilespmem:s19], [sflag:$0x1] =	stream.indirect_vreg.gather [hbm4b:s2+s3], $0x80, v4, vm0, $0xb8;
	[tilespmem:$0x1B080] =	vst v63  }
0x6c: {  	v4 =	vld [tilespmem:$0x50];
	_ =	sdelay $0x4  }
0x6d: {  	v5 =	vshll.u32 v4, $0x1  }
0x6e: {  	v4 =	vand.u32 $0x7, v4;
	v5 =	vand.u32 $0xFFFFFFF0, v5  }
0x6f: {  	v4 =	vor.u32 v4, v5  }
0x70: {  	v5 =	vperm.xlane v4, v1;
	_ =	sdelay $0x1  }
0x71: {  	v4 =	vperm.xlane v4, v2;
	v5 =	vadd.s32 v3, v5;
	_ =	sdelay $0x1  }
0x72: {  	v4 =	vadd.s32 v3, v4;
	_ =	sdelay $0x1  }
0x73: {  	s20 =	simm.s32 $0x7000  }
0x74: {  	[tilespmem:s20], [sflag:$0x1] =	stream.indirect_vreg.gather [hbm4b:s2+s3], $0x80, v5, vm0, $0xb8;
	[tilespmem:$0x1B080] =	vst v63  }
0x75: {  	s21 =	simm.s32 $0x7800  }
0x76: {  	[tilespmem:s21], [sflag:$0x1] =	stream.indirect_vreg.gather [hbm4b:s2+s3], $0x80, v4, vm0, $0xb8;
	[tilespmem:$0x1B080] =	vst v63  }
0x77: {  	v4 =	vld [tilespmem:$0x60];
	_ =	sdelay $0x4  }
0x78: {  	v5 =	vshll.u32 v4, $0x1  }
0x79: {  	v4 =	vand.u32 $0x7, v4;
	v5 =	vand.u32 $0xFFFFFFF0, v5  }
0x7a: {  	v4 =	vor.u32 v4, v5  }
0x7b: {  	v5 =	vperm.xlane v4, v1;
	_ =	sdelay $0x1  }
0x7c: {  	v4 =	vperm.xlane v4, v2;
	v5 =	vadd.s32 v3, v5;
	_ =	sdelay $0x1  }
0x7d: {  	v4 =	vadd.s32 v3, v4;
	_ =	sdelay $0x1  }
0x7e: {  	s22 =	simm.s32 $0x8000  }
0x7f: {  	[tilespmem:s22], [sflag:$0x1] =	stream.indirect_vreg.gather [hbm4b:s2+s3], $0x80, v5, vm0, $0xb8;
	[tilespmem:$0x1B080] =	vst v63  }
0x80: {  	s23 =	simm.s32 $0x8800  }
0x81: {  	[tilespmem:s23], [sflag:$0x1] =	stream.indirect_vreg.gather [hbm4b:s2+s3], $0x80, v4, vm0, $0xb8;
	[tilespmem:$0x1B080] =	vst v63  }
0x82: {  	v4 =	vld [tilespmem:$0x70];
	_ =	sdelay $0x4  }
0x83: {  	v5 =	vshll.u32 v4, $0x1  }
0x84: {  	v4 =	vand.u32 $0x7, v4;
	v5 =	vand.u32 $0xFFFFFFF0, v5  }
0x85: {  	v4 =	vor.u32 v4, v5  }
0x86: {  	v5 =	vperm.xlane v4, v1;
	_ =	sdelay $0x1  }
0x87: {  	v4 =	vperm.xlane v4, v2;
	v5 =	vadd.s32 v3, v5;
	_ =	sdelay $0x1  }
0x88: {  	v4 =	vadd.s32 v3, v4;
	_ =	sdelay $0x1  }
0x89: {  	[tilespmem:$0x1FFA0] =	vst v62  }
0x8a: {  	[tilespmem:s25], [sflag:$0x1] =	stream.indirect_vreg.gather [hbm4b:s2+s3], $0x80, v5, vm0, $0xb8;
	[tilespmem:$0x1B080] =	vst v63  }
0x8b: {  	s18 =	simm.s32 $0x0;
	[tilespmem:$0x1FFB0] =	vst v63  }
0x8c: {  	[tilespmem:s26], [sflag:$0x1] =	stream.indirect_vreg.gather [hbm4b:s2+s3], $0x80, v4, vm0, $0xb8;
	[tilespmem:$0x1B080] =	vst v63  }
.LBB2_2:
0x8d: {  	s19 =	sshllo.u32 s18, $0x1  }
0x8e: {  	s20 =	sshll.u32 s19, $0x7  }
0x8f: {  	s21 =	sand.u32 $0x3FFFFF80, s20  }
0x90: {  	v4 =	vld [tilespmem:s21+$0x0];
	_ =	sdelay $0x2  }
0x91: {  	v1 =	vld [tilespmem:$0x1FFC0];
	_ =	sdelay $0x1  }
0x92: {  	v2 =	vld [tilespmem:$0x1FFD0];
	v5 =	vshll.u32 v4, $0x1  }
0x93: {  	v4 =	vand.u32 $0x7, v4;
	v5 =	vand.u32 $0xFFFFFFF0, v5  }
0x94: {  	v4 =	vor.u32 v4, v5  }
0x95: {  	v5 =	vperm.xlane v4, v1;
	_ =	sdelay $0x1  }
0x96: {  	v4 =	vperm.xlane v4, v2;
	v5 =	vadd.s32 v3, v5;
	_ =	sdelay $0x1  }
0x97: {  	v4 =	vadd.s32 v3, v4;
	_ =	sdelay $0x1  }
0x98: {  	s22 =	simm.s32 $0x0  }
0x99: {  	[tilespmem:s28], [sflag:$0x2] =	stream.indirect_vreg.gather [hbm4b:s2+s22], $0x80, v5, vm0, $0xb8;
	[tilespmem:$0x1B080] =	vst v63  }
0x9a: {  	_ = 	snop  }
0x9b: {  	[tilespmem:s29], [sflag:$0x2] =	stream.indirect_vreg.gather [hbm4b:s2+s22], $0x80, v4, vm0, $0xb8;
	[tilespmem:$0x1B080] =	vst v63  }
0x9c: {  	v4 =	vld [tilespmem:s21+$0x10];
	_ =	sdelay $0x4  }
0x9d: {  	v5 =	vshll.u32 v4, $0x1  }
0x9e: {  	v4 =	vand.u32 $0x7, v4;
	v5 =	vand.u32 $0xFFFFFFF0, v5  }
0x9f: {  	v4 =	vor.u32 v4, v5  }
0xa0: {  	v5 =	vperm.xlane v4, v1;
	_ =	sdelay $0x1  }
0xa1: {  	v4 =	vperm.xlane v4, v2;
	v5 =	vadd.s32 v3, v5;
	_ =	sdelay $0x1  }
0xa2: {  	v4 =	vadd.s32 v3, v4;
	_ =	sdelay $0x2  }
0xa3: {  	[tilespmem:s30], [sflag:$0x2] =	stream.indirect_vreg.gather [hbm4b:s2+s22], $0x80, v5, vm0, $0xb8;
	[tilespmem:$0x1B080] =	vst v63  }
0xa4: {  	_ = 	snop  }
0xa5: {  	[tilespmem:s31], [sflag:$0x2] =	stream.indirect_vreg.gather [hbm4b:s2+s22], $0x80, v4, vm0, $0xb8;
	[tilespmem:$0x1B080] =	vst v63  }
0xa6: {  	v4 =	vld [tilespmem:s21+$0x20];
	_ =	sdelay $0x4  }
0xa7: {  	v5 =	vshll.u32 v4, $0x1  }
0xa8: {  	v4 =	vand.u32 $0x7, v4;
	v5 =	vand.u32 $0xFFFFFFF0, v5  }
0xa9: {  	v4 =	vor.u32 v4, v5  }
0xaa: {  	v5 =	vperm.xlane v4, v1;
	_ =	sdelay $0x1  }
0xab: {  	v4 =	vperm.xlane v4, v2;
	v5 =	vadd.s32 v3, v5;
	_ =	sdelay $0x1  }
0xac: {  	v4 =	vadd.s32 v3, v4;
	_ =	sdelay $0x2  }
0xad: {  	[tilespmem:s0], [sflag:$0x2] =	stream.indirect_vreg.gather [hbm4b:s2+s22], $0x80, v5, vm0, $0xb8;
	[tilespmem:$0x1B080] =	vst v63  }
0xae: {  	_ = 	snop  }
0xaf: {  	[tilespmem:s1], [sflag:$0x2] =	stream.indirect_vreg.gather [hbm4b:s2+s22], $0x80, v4, vm0, $0xb8;
	[tilespmem:$0x1B080] =	vst v63  }
0xb0: {  	v4 =	vld [tilespmem:s21+$0x30];
	_ =	sdelay $0x4  }
0xb1: {  	v5 =	vshll.u32 v4, $0x1  }
0xb2: {  	v4 =	vand.u32 $0x7, v4;
	v5 =	vand.u32 $0xFFFFFFF0, v5  }
0xb3: {  	v4 =	vor.u32 v4, v5  }
0xb4: {  	v5 =	vperm.xlane v4, v1;
	_ =	sdelay $0x1  }
0xb5: {  	v4 =	vperm.xlane v4, v2;
	v5 =	vadd.s32 v3, v5;
	_ =	sdelay $0x1  }
0xb6: {  	v4 =	vadd.s32 v3, v4;
	_ =	sdelay $0x2  }
0xb7: {  	[tilespmem:s9], [sflag:$0x2] =	stream.indirect_vreg.gather [hbm4b:s2+s22], $0x80, v5, vm0, $0xb8;
	[tilespmem:$0x1B080] =	vst v63  }
0xb8: {  	_ = 	snop  }
0xb9: {  	[tilespmem:s4], [sflag:$0x2] =	stream.indirect_vreg.gather [hbm4b:s2+s22], $0x80, v4, vm0, $0xb8;
	[tilespmem:$0x1B080] =	vst v63  }
0xba: {  	v4 =	vld [tilespmem:s21+$0x40];
	_ =	sdelay $0x4  }
0xbb: {  	v5 =	vshll.u32 v4, $0x1  }
0xbc: {  	v4 =	vand.u32 $0x7, v4;
	v5 =	vand.u32 $0xFFFFFFF0, v5  }
0xbd: {  	v4 =	vor.u32 v4, v5  }
0xbe: {  	v5 =	vperm.xlane v4, v1;
	_ =	sdelay $0x1  }
0xbf: {  	v4 =	vperm.xlane v4, v2;
	v5 =	vadd.s32 v3, v5;
	_ =	sdelay $0x1  }
0xc0: {  	v4 =	vadd.s32 v3, v4;
	_ =	sdelay $0x2  }
0xc1: {  	[tilespmem:s5], [sflag:$0x2] =	stream.indirect_vreg.gather [hbm4b:s2+s22], $0x80, v5, vm0, $0xb8;
	[tilespmem:$0x1B080] =	vst v63  }
0xc2: {  	_ = 	snop  }
0xc3: {  	[tilespmem:s6], [sflag:$0x2] =	stream.indirect_vreg.gather [hbm4b:s2+s22], $0x80, v4, vm0, $0xb8;
	[tilespmem:$0x1B080] =	vst v63  }
0xc4: {  	v4 =	vld [tilespmem:s21+$0x50];
	_ =	sdelay $0x4  }
0xc5: {  	v5 =	vshll.u32 v4, $0x1  }
0xc6: {  	v4 =	vand.u32 $0x7, v4;
	v5 =	vand.u32 $0xFFFFFFF0, v5  }
0xc7: {  	v4 =	vor.u32 v4, v5  }
0xc8: {  	v5 =	vperm.xlane v4, v1;
	_ =	sdelay $0x1  }
0xc9: {  	v4 =	vperm.xlane v4, v2;
	v5 =	vadd.s32 v3, v5;
	_ =	sdelay $0x1  }
0xca: {  	v4 =	vadd.s32 v3, v4;
	_ =	sdelay $0x2  }
0xcb: {  	[tilespmem:s10], [sflag:$0x2] =	stream.indirect_vreg.gather [hbm4b:s2+s22], $0x80, v5, vm0, $0xb8;
	[tilespmem:$0x1B080] =	vst v63  }
0xcc: {  	_ = 	snop  }
0xcd: {  	[tilespmem:s7], [sflag:$0x2] =	stream.indirect_vreg.gather [hbm4b:s2+s22], $0x80, v4, vm0, $0xb8;
	[tilespmem:$0x1B080] =	vst v63  }
0xce: {  	v4 =	vld [tilespmem:s21+$0x60];
	_ =	sdelay $0x4  }
0xcf: {  	v5 =	vshll.u32 v4, $0x1  }
0xd0: {  	v4 =	vand.u32 $0x7, v4;
	v5 =	vand.u32 $0xFFFFFFF0, v5  }
0xd1: {  	v4 =	vor.u32 v4, v5  }
0xd2: {  	v5 =	vperm.xlane v4, v1;
	_ =	sdelay $0x1  }
0xd3: {  	v4 =	vperm.xlane v4, v2;
	v5 =	vadd.s32 v3, v5;
	_ =	sdelay $0x1  }
0xd4: {  	v4 =	vadd.s32 v3, v4;
	_ =	sdelay $0x2  }
0xd5: {  	[tilespmem:s8], [sflag:$0x2] =	stream.indirect_vreg.gather [hbm4b:s2+s22], $0x80, v5, vm0, $0xb8;
	[tilespmem:$0x1B080] =	vst v63  }
0xd6: {  	_ = 	snop  }
0xd7: {  	[tilespmem:s12], [sflag:$0x2] =	stream.indirect_vreg.gather [hbm4b:s2+s22], $0x80, v4, vm0, $0xb8;
	[tilespmem:$0x1B080] =	vst v63  }
0xd8: {  	v4 =	vld [tilespmem:s21+$0x70];
	_ =	sdelay $0x4  }
0xd9: {  	v5 =	vshll.u32 v4, $0x1  }
0xda: {  	v4 =	vand.u32 $0x7, v4;
	v5 =	vand.u32 $0xFFFFFFF0, v5  }
0xdb: {  	v4 =	vor.u32 v4, v5  }
0xdc: {  	v5 =	vperm.xlane v4, v1;
	_ =	sdelay $0x1  }
0xdd: {  	v4 =	vperm.xlane v4, v2;
	v5 =	vadd.s32 v3, v5;
	_ =	sdelay $0x1  }
0xde: {  	v4 =	vadd.s32 v3, v4;
	_ =	sdelay $0x2  }
0xdf: {  	[tilespmem:s13], [sflag:$0x2] =	stream.indirect_vreg.gather [hbm4b:s2+s22], $0x80, v5, vm0, $0xb8;
	[tilespmem:$0x1B080] =	vst v63  }
0xe0: {  	s21 =	sshll.u32 s18, $0x8  }
0xe1: {  	[tilespmem:s14], [sflag:$0x2] =	stream.indirect_vreg.gather [hbm4b:s2+s22], $0x80, v4, vm0, $0xb8;
	v4 =	vor.u32 s21, v7;
	[tilespmem:$0x1B080] =	vst v63  }
0xe2: {  	_ = 	snop  }
0xe3: {  	_ =	swait.ge [sflag:s15], $0x8000  }
0xe4: {  	[sflag:s15] =	ssyncset.done $0x0  }
0xe5: {  	v24 =	vor.u32 s21, v8;
	[sflag:s15] =	ssyncadd.s32 $0xFFFF8000  }
0xe6: {  	v1 =	vld.idx.msk [tilespmem:v4+s22+$0x0], $0xffff;
	v4 =	vor.u32 s21, v10;
	_ =	sdelay $0x2  }
0xe7: {  	v6 =	vmov s22;
	v5 =	vor.u32 s21, v0  }
0xe8: {  	v23 =	vshll.u32 v6, $0x8;
	v6 =	vshll.u32 v6, $0x7;
	v25 =	vor.u32 s21, v9;
	v59 =	vld.idx.msk [tilespmem:v24+s22+$0x0], $0xffff  }
0xe9: {  	v23 =	vand.u32 $0x3800, v23;
	v6 =	vand.u32 $0x380, v6;
	v24 =	vor.u32 s21, v11;
	[tilespmem:$0x1FE80] =	vst v1;
	v1 =	vld.idx.msk [tilespmem:v4+s22+$0x0], $0xffff  }
0xea: {  	v23 =	vor.u32 v6, v23  }
0xeb: {  	v6 =	vor.u32 v21, v23  }
0xec: {  	v60 =	vld.idx.msk [tilespmem:v5+s22+$0x0], $0xffff;
	v5 =	vor.u32 v0, v23  }
0xed: {  	v28 =	vor.u32 v7, v23;
	v61 =	vld.idx.msk [tilespmem:v25+s22+$0x0], $0xffff  }
0xee: {  	v25 =	vor.u32 s21, v12;
	[tilespmem:$0x1FE90] =	vst v1;
	v1 =	vld.idx.msk [tilespmem:v24+s22+$0x0], $0xffff  }
0xef: {  	v44 =	vimm.f32 $0.0e+00;
	v56 =	vimm.f32 $0.0e+00;
	v32 =	vor.u32 v8, v23  }
0xf0: {  	v57 =	vimm.f32 $0.0e+00;
	v54 =	vimm.f32 $0.0e+00;
	v45 =	vor.u32 v9, v23;
	v31 =	vld.idx.msk [tilespmem:v6+s11+$0x0], $0xffff  }
0xf1: {  	v55 =	vimm.f32 $0.0e+00;
	v52 =	vimm.f32 $0.0e+00;
	v46 =	vor.u32 v10, v23;
	v5 =	vld.idx.msk [tilespmem:v5+s11+$0x0], $0xffff  }
0xf2: {  	v53 =	vimm.f32 $0.0e+00;
	v50 =	vimm.f32 $0.0e+00;
	v47 =	vor.u32 v11, v23;
	v30 =	vld.idx.msk [tilespmem:v28+s11+$0x0], $0xffff  }
0xf3: {  	v51 =	vimm.f32 $0.0e+00;
	v49 =	vimm.f32 $0.0e+00;
	v48 =	vor.u32 v12, v23;
	[tilespmem:$0x1FEA0] =	vst v1;
	v1 =	vld.idx.msk [tilespmem:v25+s22+$0x0], $0xffff  }
0xf4: {  	v29 =	vor.u32 v13, v23;
	v27 =	vor.u32 v14, v23;
	v26 =	vor.u32 v15, v23;
	v28 =	vld.idx.msk [tilespmem:v32+s11+$0x0], $0xffff  }
0xf5: {  	s23 =	simm.s32 $0x1;
	v63 =	vor.u32 v19, v23;
	v62 =	vor.u32 v20, v23;
	v42 =	vadd.f32 v31, v44;
	v31 =	vld.idx.msk [tilespmem:v45+s11+$0x0], $0xffff  }
0xf6: {  	v6 =	vor.u32 v17, v23;
	v32 =	vmov s23;
	v43 =	vadd.f32 v5, v44;
	v5 =	vld.idx.msk [tilespmem:v46+s11+$0x0], $0xffff  }
0xf7: {  	v45 =	vimm.f32 $0.0e+00;
	v4 =	vor.u32 v18, v23;
	v24 =	vor.u32 v16, v23;
	v23 =	vld.idx.msk [tilespmem:v47+s11+$0x0], $0xffff  }
0xf8: {  	v46 =	vimm.f32 $0.0e+00;
	v47 =	vimm.f32 $0.0e+00;
	s22 =	simm.s32 $0x2;
	v25 =	vld.idx.msk [tilespmem:v48+s11+$0x0], $0xffff;
	v48 =	vimm.f32 $0.0e+00;
	[tilespmem:$0x1FEB0] =	vst v1  }
.LBB2_3:
0xf9: {  	p0 =	sne.s32 s22, $0x31;
	v33 =	vshll.u32 v32, $0x8;
	v32 =	vshll.u32 v32, $0x7;
	v44 =	vadd.f32 v30, v44;
	v30 =	vld.idx.msk [tilespmem:v29+s11+$0x0], $0xffff  }
0xfa: {  	v56 =	vadd.f32 v28, v56;
	v29 =	vand.u32 $0x3800, v33;
	v32 =	vand.u32 $0x380, v32;
	v28 =	vld.idx.msk [tilespmem:v27+s11+$0x0], $0xffff  }
0xfb: {  	v57 =	vadd.f32 v31, v57;
	v32 =	vor.u32 v32, v29;
	v31 =	vld.idx.msk [tilespmem:v26+s11+$0x0], $0xffff  }
0xfc: {  	v33 =	vor.u32 v0, v32;
	v34 =	vor.u32 v7, v32;
	v35 =	vor.u32 v21, v32;
	v36 =	vld.idx.msk [tilespmem:v24+s11+$0x0], $0xffff  }
0xfd: {  	v37 =	vor.u32 v8, v32;
	v38 =	vor.u32 v9, v32;
	v39 =	vor.u32 v10, v32;
	v40 =	vld.idx.msk [tilespmem:v6+s11+$0x0], $0xffff  }
0xfe: {  	v41 =	vor.u32 v11, v32;
	v22 =	vor.u32 v12, v32;
	v29 =	vor.u32 v13, v32;
	v1 =	vld.idx.msk [tilespmem:v4+s11+$0x0], $0xffff  }
0xff: {  	v27 =	vor.u32 v14, v32;
	v26 =	vor.u32 v15, v32;
	v24 =	vor.u32 v16, v32;
	v2 =	vld.idx.msk [tilespmem:v63+s11+$0x0], $0xffff  }
0x100: {  	v6 =	vor.u32 v17, v32;
	v4 =	vor.u32 v18, v32;
	v63 =	vor.u32 v19, v32;
	v58 =	vld.idx.msk [tilespmem:v62+s11+$0x0], $0xffff  }
0x101: {  	v54 =	vadd.f32 v5, v54;
	v55 =	vadd.f32 v23, v55;
	v62 =	vor.u32 v20, v32;
	v32 =	vld.idx.msk [tilespmem:v35+s11+$0x0], $0xffff  }
0x102: {  	v52 =	vadd.f32 v25, v52;
	v53 =	vadd.f32 v30, v53;
	v33 =	vld.idx.msk [tilespmem:v33+s11+$0x0], $0xffff  }
0x103: {  	v50 =	vadd.f32 v28, v50;
	v51 =	vadd.f32 v31, v51;
	v30 =	vld.idx.msk [tilespmem:v34+s11+$0x0], $0xffff  }
.Ltmp0:
0x104: {  	v46 =	vadd.f32 v36, v46;
	v47 =	vadd.f32 v40, v47;
	v28 =	vld.idx.msk [tilespmem:v37+s11+$0x0], $0xffff;
	(pc) =	sbr.rel @p0 .LBB2_3-.Ltmp0, $4  }
0x105: {  	v48 =	vadd.f32 v1, v48;
	v49 =	vadd.f32 v2, v49;
	v31 =	vld.idx.msk [tilespmem:v38+s11+$0x0], $0xffff  }
0x106: {  	v45 =	vadd.f32 v58, v45;
	v5 =	vld.idx.msk [tilespmem:v39+s11+$0x0], $0xffff  }
0x107: {  	v42 =	vadd.f32 v32, v42;
	v23 =	vld.idx.msk [tilespmem:v41+s11+$0x0], $0xffff  }
0x108: {  	v32 =	vmov s22;
	s22 =	sadd.s32 $0x1, s22;
	v43 =	vadd.f32 v33, v43;
	v25 =	vld.idx.msk [tilespmem:v22+s11+$0x0], $0xffff  }
0x109: {  	v40 =	vld [tilespmem:$0x1FE80];
	_ =	sdelay $0x3  }
0x10a: {  	v1 =	vshll.u32 v32, $0x8;
	vm3 =	veq.s32 v60, $0x13B6F9;
	v33 =	vimm.s32 $0x0  }
0x10b: {  	v2 =	vshll.u32 v32, $0x7;
	v22 =	vsel vm3, $0x1, v33;
	vm3 =	veq.s32 v40, $0x13B6F9  }
0x10c: {  	vm4 =	veq.s32 v59, $0x13B6F9;
	v32 =	vsel vm3, $0x1, v33;
	vm3 =	veq.s32 v61, $0x13B6F9  }
0x10d: {  	v41 =	vsel vm4, $0x1, v33;
	v22 =	vadd.s32 v22, v32;
	vm4 =	vmand vm3, vm1  }
0x10e: {  	v22 =	vadd.s32 v41, v22;
	v58 =	vsel vm4, $0x1, v33  }
0x10f: {  	v22 =	vadd.s32 v58, v22  }
0x110: {  	(xrf0) =	vadd.scan.msk.s32 $0xffff, v22  }
0x111: {  	v29 =	vld.idx.msk [tilespmem:v29+s11+$0x0], $0xffff  }
0x112: {  	v27 =	vld.idx.msk [tilespmem:v27+s11+$0x0], $0xffff;
	v1 =	vand.u32 $0x3800, v1;
	v2 =	vand.u32 $0x380, v2  }
0x113: {  	v24 =	vld.idx.msk [tilespmem:v24+s11+$0x0], $0xffff;
	v1 =	vor.u32 v2, v1  }
0x114: {  	v6 =	vld.idx.msk [tilespmem:v6+s11+$0x0], $0xffff;
	v59 =	vor.u32 v7, v1  }
0x115: {  	v4 =	vld.idx.msk [tilespmem:v4+s11+$0x0], $0xffff;
	v60 =	vor.u32 v8, v1  }
0x116: {  	v34 =	vld.idx.msk [tilespmem:v63+s11+$0x0], $0xffff;
	v37 =	vor.u32 v10, v1;
	v39, _, _ =	vpop (xrf0)  }
0x117: {  	v36 =	vld.idx.msk [tilespmem:v62+s11+$0x0], $0xffff;
	v62 =	vor.u32 v15, v1;
	(v2sf) =	vpush v39, $0xF  }
0x118: {  	v2 =	vld.idx.msk [tilespmem:v26+s11+$0x0], $0xffff;
	v63 =	vor.u32 v16, v1  }
0x119: {  	v32 =	vld.idx.msk [tilespmem:v59+s11+$0x0], $0xffff;
	v58 =	vor.u32 v18, v1  }
0x11a: {  	v33 =	vld.idx.msk [tilespmem:v60+s11+$0x0], $0xffff;
	v22 =	vor.u32 v0, v1  }
0x11b: {  	v37 =	vld.idx.msk [tilespmem:v37+s11+$0x0], $0xffff;
	v59 =	vor.u32 v19, v1  }
0x11c: {  	v30 =	vadd.f32 v30, v44;
	v44 =	vld.idx.msk [tilespmem:v62+s11+$0x0], $0xffff  }
0x11d: {  	v60 =	vld.idx.msk [tilespmem:v63+s11+$0x0], $0xffff  }
0x11e: {  	v26 =	vor.u32 v21, v1;
	v62 =	vld.idx.msk [tilespmem:v58+s11+$0x0], $0xffff  }
0x11f: {  	v31 =	vadd.f32 v31, v57;
	v5 =	vadd.f32 v5, v54;
	v35 =	vor.u32 v9, v1;
	v22 =	vld.idx.msk [tilespmem:v22+s11+$0x0], $0xffff  }
0x120: {  	v38 =	vor.u32 v11, v1;
	v23 =	vadd.f32 v23, v55;
	v29 =	vadd.f32 v29, v53;
	v63 =	vld.idx.msk [tilespmem:v59+s11+$0x0], $0xffff  }
0x121: {  	v57 =	vor.u32 v17, v1;
	v55 =	vld [tilespmem:$0x1FED0];
	v24 =	vadd.f32 v24, v46;
	v4 =	vadd.f32 v4, v48  }
0x122: {  	v40 =	vor.u32 v12, v1;
	v34 =	vadd.f32 v34, v49;
	v36 =	vadd.f32 v36, v45;
	v53 =	vld [tilespmem:$0x1FEC0]  }
0x123: {  	s22 =	sshll.u32 s18, $0x2;
	v61 =	vor.u32 v13, v1;
	v26 =	vld.idx.msk [tilespmem:v26+s11+$0x0], $0xffff;
	v41 =	vor.u32 v14, v1;
	v5 =	vadd.f32 v37, v5  }
0x124: {  	v4 =	vadd.f32 v62, v4;
	v62 =	vld [tilespmem:$0x1FFA0];
	v22 =	vadd.f32 v22, v43;
	v43 =	vmov s22  }
0x125: {  	v48 =	vadd.f32 v63, v34;
	v63 =	vld [tilespmem:$0x1FFB0];
	v45 =	vshll.u32 v43, $0x8;
	v37 =	vshll.u32 v43, $0x7  }
0x126: {  	v35 =	vld.idx.msk [tilespmem:v35+s11+$0x0], $0xffff;
	v1 =	vor.u32 v20, v1;
	v46 =	vand.u32 $0x7800, v45;
	v37 =	vand.u32 $0x200, v37;
	s23 =	spop (v2sf)  }
0x127: {  	v6 =	vadd.f32 v6, v47;
	v38 =	vld.idx.msk [tilespmem:v38+s11+$0x0], $0xffff;
	v47 =	vor.u32 v37, v46;
	s23 =	scvt.s32.f32 s23  }
0x128: {  	v25 =	vadd.f32 v25, v52;
	v27 =	vadd.f32 v27, v50;
	v40 =	vld.idx.msk [tilespmem:v40+s11+$0x0], $0xffff;
	v49 =	vor.u32 v0, v47  }
0x129: {  	v2 =	vadd.f32 v2, v51;
	v41 =	vld.idx.msk [tilespmem:v41+s11+$0x0], $0xffff;
	v51 =	vor.u32 v7, v47;
	v50 =	vmul.f32 s23, v62  }
0x12a: {  	v30 =	vadd.f32 v32, v30;
	v24 =	vadd.f32 v60, v24;
	v60 =	vld [tilespmem:$0x1FF00];
	v52 =	vmul.f32 s23, v63  }
0x12b: {  	v1 =	vld.idx.msk [tilespmem:v1+s11+$0x0], $0xffff;
	v22 =	vsub.f32 v22, v50  }
0x12c: {  	v28 =	vadd.f32 v28, v56;
	v39 =	vld.idx.msk [tilespmem:v61+s11+$0x0], $0xffff;
	v30 =	vsub.f32 v30, v52  }
0x12d: {  	v61 =	vld.idx.msk [tilespmem:v57+s11+$0x0], $0xffff;
	[tilespmem:v49+s16+$0x0] =	vst.idx.msk $0xffff, v22  }
0x12e: {  	v28 =	vadd.f32 v33, v28;
	[tilespmem:v51+s16+$0x0] =	vst.idx.msk $0xffff, v30;
	v30 =	vld [tilespmem:$0x1FEF0]  }
0x12f: {  	v31 =	vadd.f32 v35, v31;
	v25 =	vadd.f32 v40, v25;
	v54 =	vor.u32 v8, v47  }
0x130: {  	v56 =	vor.u32 v9, v47;
	v40 =	vmul.f32 s23, v53;
	v35 =	vmul.f32 s23, v55  }
0x131: {  	v23 =	vadd.f32 v38, v23  }
0x132: {  	v28 =	vsub.f32 v28, v40;
	v22 =	vsub.f32 v31, v35;
	v31 =	vld [tilespmem:$0x1FEE0]  }
0x133: {  	v1 =	vadd.f32 v1, v36;
	v36 =	vmul.f32 s23, v60;
	v30 =	vmul.f32 s23, v30  }
0x134: {  	[tilespmem:v54+s16+$0x0] =	vst.idx.msk $0xffff, v28  }
0x135: {  	[tilespmem:v56+s16+$0x0] =	vst.idx.msk $0xffff, v22;
	v22 =	vsub.f32 v23, v30;
	v23 =	vsub.f32 v25, v36;
	v25 =	vld [tilespmem:$0x1FF20];
	_ =	sdelay $0x1  }
0x136: {  	v58 =	vor.u32 v10, v47;
	v31 =	vmul.f32 s23, v31;
	_ =	sdelay $0x1  }
0x137: {  	v5 =	vsub.f32 v5, v31;
	v31 =	vld [tilespmem:$0x1FF10]  }
0x138: {  	v27 =	vadd.f32 v41, v27;
	v25 =	vmul.f32 s23, v25;
	_ =	sdelay $0x1  }
0x139: {  	[tilespmem:v58+s16+$0x0] =	vst.idx.msk $0xffff, v5;
	v5 =	vsub.f32 v27, v25;
	v27 =	vld [tilespmem:$0x1FF30]  }
0x13a: {  	v59 =	vor.u32 v11, v47  }
0x13b: {  	v29 =	vadd.f32 v39, v29;
	v28 =	vor.u32 v12, v47;
	v31 =	vmul.f32 s23, v31  }
0x13c: {  	v6 =	vadd.f32 v61, v6;
	v61 =	vld [tilespmem:$0x1FF40]  }
0x13d: {  	v30 =	vor.u32 v13, v47;
	v29 =	vsub.f32 v29, v31;
	v31 =	vor.u32 v37, v45  }
0x13e: {  	v2 =	vadd.f32 v44, v2;
	v25 =	vor.u32 v14, v31;
	v27 =	vmul.f32 s23, v27  }
0x13f: {  	[tilespmem:v59+s16+$0x0] =	vst.idx.msk $0xffff, v22;
	v22 =	vor.u32 v15, v31  }
0x140: {  	[tilespmem:v28+s16+$0x0] =	vst.idx.msk $0xffff, v23;
	v23 =	vor.u32 v16, v31;
	v2 =	vsub.f32 v2, v27;
	v27 =	vld [tilespmem:$0x1FF60]  }
0x141: {  	v32 =	vmul.f32 s23, v61  }
0x142: {  	v36 =	vld [tilespmem:$0x1FF50];
	[tilespmem:v30+s16+$0x0] =	vst.idx.msk $0xffff, v29  }
0x143: {  	v57 =	vmov s24;
	v24 =	vsub.f32 v24, v32;
	[tilespmem:v25+s16+$0x0] =	vst.idx.msk $0xffff, v5  }
0x144: {  	v29 =	vld [tilespmem:$0x1FF70];
	v30 =	vshll.u32 v57, $0x7;
	v25 =	vshll.u32 v57, $0x8;
	[tilespmem:v22+s16+$0x0] =	vst.idx.msk $0xffff, v2  }
0x145: {  	v22 =	vand.u32 $0x7800, v25;
	v25 =	vand.u32 $0x380, v30;
	[tilespmem:v23+s16+$0x0] =	vst.idx.msk $0xffff, v24;
	v23 =	vld [tilespmem:$0x1FF80];
	v27 =	vmul.f32 s23, v27  }
0x146: {  	v28 =	vor.u32 v17, v31;
	v22 =	vor.u32 v25, v22;
	v25 =	vld [tilespmem:$0x1FF90]  }
0x147: {  	v34 =	vmul.f32 s23, v36;
	v4 =	vsub.f32 v4, v27;
	v27 =	vor.u32 v18, v31  }
0x148: {  	v5 =	vor.u32 v19, v31  }
0x149: {  	v6 =	vsub.f32 v6, v34;
	v29 =	vmul.f32 s23, v29;
	v2 =	vor.u32 v20, v31  }
0x14a: {  	v26 =	vadd.f32 v26, v42;
	v24 =	vor.u32 v21, v31;
	v23 =	vmul.f32 s23, v23  }
0x14b: {  	[tilespmem:v28+s16+$0x0] =	vst.idx.msk $0xffff, v6;
	v6 =	vsub.f32 v48, v29;
	v28 =	vor.u32 v21, v22;
	v25 =	vmul.f32 s23, v25  }
0x14c: {  	v1 =	vsub.f32 v1, v23;
	v23 =	vor.u32 v9, v22;
	[tilespmem:v27+s16+$0x0] =	vst.idx.msk $0xffff, v4  }
0x14d: {  	v4 =	vor.u32 v0, v22;
	[tilespmem:v5+s16+$0x0] =	vst.idx.msk $0xffff, v6;
	v5 =	vsub.f32 v26, v25  }
0x14e: {  	v44 =	vimm.f32 $0.0e+00;
	v46 =	vimm.f32 $0.0e+00;
	[tilespmem:v2+s16+$0x0] =	vst.idx.msk $0xffff, v1;
	v1 =	vor.u32 v7, v22  }
0x14f: {  	v55 =	vimm.f32 $0.0e+00;
	v53 =	vimm.f32 $0.0e+00;
	[tilespmem:v24+s16+$0x0] =	vst.idx.msk $0xffff, v5;
	v5 =	vor.u32 v8, v22  }
0x150: {  	v52 =	vimm.f32 $0.0e+00;
	v50 =	vimm.f32 $0.0e+00;
	v38 =	vor.u32 v11, v22;
	v2 =	vld.idx.msk [tilespmem:v28+s11+$0x0], $0xffff  }
0x151: {  	v49 =	vimm.f32 $0.0e+00;
	v51 =	vimm.f32 $0.0e+00;
	v37 =	vor.u32 v10, v22;
	v30 =	vld.idx.msk [tilespmem:v23+s11+$0x0], $0xffff  }
0x152: {  	v54 =	vimm.f32 $0.0e+00;
	v56 =	vimm.f32 $0.0e+00;
	v39 =	vor.u32 v12, v22;
	v25 =	vld.idx.msk [tilespmem:v4+s11+$0x0], $0xffff  }
0x153: {  	v47 =	vimm.f32 $0.0e+00;
	v45 =	vimm.f32 $0.0e+00;
	v27 =	vor.u32 v13, v22;
	v28 =	vld.idx.msk [tilespmem:v1+s11+$0x0], $0xffff  }
0x154: {  	v57 =	vimm.f32 $0.0e+00;
	v60 =	vor.u32 v18, v22;
	v26 =	vor.u32 v14, v22;
	v29 =	vld.idx.msk [tilespmem:v5+s11+$0x0], $0xffff  }
0x155: {  	v59 =	vor.u32 v19, v22;
	v58 =	vor.u32 v20, v22;
	s23 =	simm.s32 $0x33;
	v24 =	vor.u32 v15, v22;
	v23 =	vld.idx.msk [tilespmem:v38+s11+$0x0], $0xffff  }
0x156: {  	v48 =	vimm.f32 $0.0e+00;
	v31 =	vmov s23;
	v6 =	vor.u32 v16, v22;
	v5 =	vld.idx.msk [tilespmem:v37+s11+$0x0], $0xffff  }
0x157: {  	s23 =	simm.s32 $0x34;
	v4 =	vor.u32 v17, v22;
	v42 =	vadd.f32 v2, v44;
	v43 =	vadd.f32 v25, v44;
	v25 =	vld.idx.msk [tilespmem:v39+s11+$0x0], $0xffff  }
.LBB2_5:
0x158: {  	p0 =	sne.s32 s23, $0x63;
	v1 =	vshll.u32 v31, $0x8;
	v2 =	vshll.u32 v31, $0x7;
	v44 =	vadd.f32 v28, v44;
	v22 =	vld.idx.msk [tilespmem:v27+s11+$0x0], $0xffff  }
0x159: {  	v57 =	vadd.f32 v29, v57;
	v1 =	vand.u32 $0x7800, v1;
	v2 =	vand.u32 $0x380, v2;
	v29 =	vld.idx.msk [tilespmem:v26+s11+$0x0], $0xffff  }
0x15a: {  	v55 =	vadd.f32 v30, v55;
	v1 =	vor.u32 v2, v1;
	v2 =	vld.idx.msk [tilespmem:v24+s11+$0x0], $0xffff  }
0x15b: {  	v28 =	vor.u32 v0, v1;
	v30 =	vor.u32 v7, v1;
	v31 =	vor.u32 v21, v1;
	v32 =	vld.idx.msk [tilespmem:v6+s11+$0x0], $0xffff  }
0x15c: {  	v33 =	vor.u32 v8, v1;
	v34 =	vor.u32 v9, v1;
	v35 =	vor.u32 v10, v1;
	v36 =	vld.idx.msk [tilespmem:v4+s11+$0x0], $0xffff  }
0x15d: {  	v37 =	vor.u32 v11, v1;
	v38 =	vor.u32 v12, v1;
	v27 =	vor.u32 v13, v1;
	v39 =	vld.idx.msk [tilespmem:v60+s11+$0x0], $0xffff  }
0x15e: {  	v26 =	vor.u32 v14, v1;
	v24 =	vor.u32 v15, v1;
	v6 =	vor.u32 v16, v1;
	v40 =	vld.idx.msk [tilespmem:v59+s11+$0x0], $0xffff  }
0x15f: {  	v4 =	vor.u32 v17, v1;
	v60 =	vor.u32 v18, v1;
	v59 =	vor.u32 v19, v1;
	v41 =	vld.idx.msk [tilespmem:v58+s11+$0x0], $0xffff  }
0x160: {  	v56 =	vadd.f32 v5, v56;
	v53 =	vadd.f32 v23, v53;
	v58 =	vor.u32 v20, v1;
	v1 =	vld.idx.msk [tilespmem:v31+s11+$0x0], $0xffff  }
0x161: {  	v54 =	vadd.f32 v25, v54;
	v51 =	vadd.f32 v22, v51;
	v61 =	vld.idx.msk [tilespmem:v28+s11+$0x0], $0xffff  }
0x162: {  	v52 =	vadd.f32 v29, v52;
	v48 =	vadd.f32 v2, v48;
	v28 =	vld.idx.msk [tilespmem:v30+s11+$0x0], $0xffff  }
.Ltmp1:
0x163: {  	v49 =	vadd.f32 v32, v49;
	v45 =	vadd.f32 v36, v45;
	v29 =	vld.idx.msk [tilespmem:v33+s11+$0x0], $0xffff;
	(pc) =	sbr.rel @p0 .LBB2_5-.Ltmp1, $4  }
0x164: {  	v50 =	vadd.f32 v39, v50;
	v46 =	vadd.f32 v40, v46;
	v30 =	vld.idx.msk [tilespmem:v34+s11+$0x0], $0xffff  }
0x165: {  	v47 =	vadd.f32 v41, v47;
	v5 =	vld.idx.msk [tilespmem:v35+s11+$0x0], $0xffff  }
0x166: {  	v42 =	vadd.f32 v1, v42;
	v23 =	vld.idx.msk [tilespmem:v37+s11+$0x0], $0xffff  }
0x167: {  	v31 =	vmov s23;
	s23 =	sadd.s32 $0x1, s23;
	v43 =	vadd.f32 v61, v43;
	v25 =	vld.idx.msk [tilespmem:v38+s11+$0x0], $0xffff  }
0x168: {  	v1 =	vld [tilespmem:$0x1FE90]  }
0x169: {  	v22 =	vld [tilespmem:$0x1FEA0];
	_ =	sdelay $0x3  }
0x16a: {  	v32 =	vimm.s32 $0x0;
	vm4 =	veq.s32 v1, $0x13B6F9  }
0x16b: {  	v2 =	vsel vm4, $0x1, v32;
	vm4 =	veq.s32 v22, $0x13B6F9;
	v22 =	vld [tilespmem:$0x1FEB0];
	_ =	sdelay $0x3  }
0x16c: {  	vm3 =	vmand vm3, vm2  }
0x16d: {  	v1 =	vsel vm3, $0x1, v32;
	vm3 =	vmmov $0xf;
	vm5 =	veq.s32 v22, $0x13B6F9  }
0x16e: {  	v1 =	vadd.s32 v2, v1;
	v22 =	vsel vm4, $0x1, v32;
	vm4 =	vmand vm5, vm3  }
0x16f: {  	v1 =	vadd.s32 v22, v1;
	v2 =	vsel vm4, $0x1, v32  }
0x170: {  	v1 =	vadd.s32 v2, v1  }
0x171: {  	(xrf0) =	vadd.scan.msk.s32 $0xffff, v1;
	_ =	sdelay $0x2  }
0x172: {  	v27 =	vld.idx.msk [tilespmem:v27+s11+$0x0], $0xffff  }
0x173: {  	v26 =	vld.idx.msk [tilespmem:v26+s11+$0x0], $0xffff  }
0x174: {  	v6 =	vld.idx.msk [tilespmem:v6+s11+$0x0], $0xffff  }
0x175: {  	v40 =	vshll.u32 v31, $0x7;
	v36 =	vld.idx.msk [tilespmem:v58+s11+$0x0], $0xffff;
	v22 =	vshll.u32 v31, $0x8;
	v37, _, _ =	vpop (xrf0)  }
0x176: {  	v32 =	vld.idx.msk [tilespmem:v60+s11+$0x0], $0xffff;
	v2 =	vand.u32 $0x7800, v22;
	v22 =	vand.u32 $0x380, v40;
	(v2sf) =	vpush v37, $0xF  }
0x177: {  	v1 =	vor.u32 v22, v2;
	v2 =	vld.idx.msk [tilespmem:v24+s11+$0x0], $0xffff  }
0x178: {  	v4 =	vld.idx.msk [tilespmem:v4+s11+$0x0], $0xffff;
	v22 =	vor.u32 v0, v1  }
0x179: {  	v34 =	vld.idx.msk [tilespmem:v59+s11+$0x0], $0xffff;
	v41 =	vor.u32 v7, v1  }
0x17a: {  	v36 =	vadd.f32 v36, v47;
	v47 =	vld [tilespmem:$0x1FEC0];
	v58 =	vor.u32 v12, v1  }
0x17b: {  	v39 =	vor.u32 v13, v1;
	v32 =	vadd.f32 v32, v50;
	v50 =	vld [tilespmem:$0x1FEE0]  }
0x17c: {  	v61 =	vor.u32 v8, v1;
	v2 =	vadd.f32 v2, v48;
	v48 =	vld [tilespmem:$0x1FED0]  }
0x17d: {  	v28 =	vadd.f32 v28, v44;
	v33 =	vor.u32 v9, v1;
	v22 =	vld.idx.msk [tilespmem:v22+s11+$0x0], $0xffff  }
0x17e: {  	v29 =	vadd.f32 v29, v57;
	v30 =	vadd.f32 v30, v55;
	v35 =	vor.u32 v10, v1;
	v24 =	vld.idx.msk [tilespmem:v41+s11+$0x0], $0xffff  }
0x17f: {  	v5 =	vadd.f32 v5, v56;
	v23 =	vadd.f32 v23, v53;
	v60 =	vor.u32 v17, v1;
	v37 =	vld.idx.msk [tilespmem:v58+s11+$0x0], $0xffff  }
0x180: {  	v25 =	vadd.f32 v25, v54;
	v26 =	vadd.f32 v26, v52;
	v52 =	vor.u32 v19, v1;
	v39 =	vld.idx.msk [tilespmem:v39+s11+$0x0], $0xffff  }
0x181: {  	v27 =	vadd.f32 v27, v51;
	v4 =	vadd.f32 v4, v45;
	v38 =	vor.u32 v11, v1;
	v31 =	vld.idx.msk [tilespmem:v61+s11+$0x0], $0xffff  }
0x182: {  	s22 =	sor.u32 $0x1, s22;
	v34 =	vadd.f32 v34, v46;
	v40 =	vor.u32 v14, v1;
	v33 =	vld.idx.msk [tilespmem:v33+s11+$0x0], $0xffff;
	v61 =	vor.u32 v18, v1  }
0x183: {  	v59 =	vor.u32 v16, v1;
	v53 =	vor.u32 v20, v1;
	v35 =	vld.idx.msk [tilespmem:v35+s11+$0x0], $0xffff;
	v58 =	vmov s22  }
0x184: {  	v55 =	vld.idx.msk [tilespmem:v60+s11+$0x0], $0xffff;
	v60 =	vshll.u32 v58, $0x8;
	v25 =	vadd.f32 v37, v25;
	v37 =	vshll.u32 v58, $0x7  }
0x185: {  	v57 =	vld.idx.msk [tilespmem:v52+s11+$0x0], $0xffff;
	v27 =	vadd.f32 v39, v27;
	v39 =	vand.u32 $0x7800, v60;
	v37 =	vand.u32 $0x280, v37;
	s23 =	spop (v2sf)  }
0x186: {  	v41 =	vor.u32 v15, v1;
	v38 =	vld.idx.msk [tilespmem:v38+s11+$0x0], $0xffff;
	v24 =	vadd.f32 v24, v28;
	v28 =	vor.u32 v37, v39;
	s22 =	scvt.s32.f32 s23  }
0x187: {  	v1 =	vor.u32 v21, v1;
	v22 =	vadd.f32 v22, v43;
	v56 =	vld.idx.msk [tilespmem:v61+s11+$0x0], $0xffff;
	v61 =	vor.u32 v0, v28  }
0x188: {  	v40 =	vld.idx.msk [tilespmem:v40+s11+$0x0], $0xffff;
	v29 =	vadd.f32 v31, v29;
	v44 =	vor.u32 v7, v28;
	v43 =	vmul.f32 s22, v62  }
0x189: {  	v54 =	vld.idx.msk [tilespmem:v59+s11+$0x0], $0xffff;
	v30 =	vadd.f32 v33, v30;
	v46 =	vor.u32 v8, v28;
	v45 =	vmul.f32 s22, v63  }
0x18a: {  	v59 =	vld.idx.msk [tilespmem:v53+s11+$0x0], $0xffff;
	v33 =	vadd.f32 v57, v34;
	v34 =	vmul.f32 s22, v47;
	v22 =	vsub.f32 v22, v43  }
0x18b: {  	v41 =	vld.idx.msk [tilespmem:v41+s11+$0x0], $0xffff;
	v24 =	vsub.f32 v24, v45  }
0x18c: {  	v1 =	vld.idx.msk [tilespmem:v1+s11+$0x0], $0xffff;
	[tilespmem:v61+s16+$0x0] =	vst.idx.msk $0xffff, v22;
	v22 =	vsub.f32 v29, v34  }
0x18d: {  	[tilespmem:v44+s16+$0x0] =	vst.idx.msk $0xffff, v24  }
0x18e: {  	[tilespmem:v46+s16+$0x0] =	vst.idx.msk $0xffff, v22;
	v22 =	vld [tilespmem:$0x1FF00]  }
0x18f: {  	v39 =	vor.u32 v9, v28  }
0x190: {  	v6 =	vadd.f32 v6, v49;
	v49 =	vor.u32 v10, v28;
	v37 =	vmul.f32 s22, v48  }
0x191: {  	v5 =	vadd.f32 v35, v5;
	v29 =	vmul.f32 s22, v50  }
0x192: {  	v53 =	vld [tilespmem:$0x1FEF0];
	v52 =	vsub.f32 v30, v37  }
0x193: {  	v5 =	vsub.f32 v5, v29;
	v22 =	vmul.f32 s22, v22  }
0x194: {  	v31 =	vadd.f32 v56, v32;
	v56 =	vld [tilespmem:$0x1FF10];
	[tilespmem:v39+s16+$0x0] =	vst.idx.msk $0xffff, v52  }
0x195: {  	[tilespmem:v49+s16+$0x0] =	vst.idx.msk $0xffff, v5;
	v5 =	vsub.f32 v25, v22;
	v22 =	vld [tilespmem:$0x1FF20]  }
0x196: {  	v23 =	vadd.f32 v38, v23;
	v51 =	vor.u32 v11, v28  }
0x197: {  	v6 =	vadd.f32 v54, v6;
	v54 =	vor.u32 v12, v28;
	v30 =	vmul.f32 s22, v53  }
0x198: {  	v4 =	vadd.f32 v55, v4;
	v55 =	vor.u32 v13, v28  }
0x199: {  	v23 =	vsub.f32 v23, v30;
	v24 =	vmul.f32 s22, v56  }
0x19a: {  	v26 =	vadd.f32 v40, v26;
	v22 =	vmul.f32 s22, v22  }
0x19b: {  	v36 =	vadd.f32 v59, v36;
	v59 =	vld [tilespmem:$0x1FF30];
	[tilespmem:v51+s16+$0x0] =	vst.idx.msk $0xffff, v23;
	v23 =	vsub.f32 v27, v24  }
0x19c: {  	[tilespmem:v54+s16+$0x0] =	vst.idx.msk $0xffff, v5;
	v5 =	vsub.f32 v26, v22;
	v22 =	vld [tilespmem:$0x1FF40]  }
0x19d: {  	[tilespmem:v55+s16+$0x0] =	vst.idx.msk $0xffff, v23;
	v23 =	vld [tilespmem:$0x1FF50]  }
0x19e: {  	v57 =	vor.u32 v14, v28  }
0x19f: {  	v58 =	vor.u32 v15, v28  }
0x1a0: {  	v2 =	vadd.f32 v41, v2;
	v24 =	vmul.f32 s22, v59  }
0x1a1: {  	v22 =	vmul.f32 s22, v22  }
0x1a2: {  	v2 =	vsub.f32 v2, v24;
	v23 =	vmul.f32 s22, v23  }
0x1a3: {  	[tilespmem:v57+s16+$0x0] =	vst.idx.msk $0xffff, v5;
	v5 =	vsub.f32 v6, v22;
	v6 =	vld [tilespmem:$0x1FF60]  }
0x1a4: {  	[tilespmem:v58+s16+$0x0] =	vst.idx.msk $0xffff, v2;
	v2 =	vsub.f32 v4, v23;
	v4 =	vld [tilespmem:$0x1FF70]  }
0x1a5: {  	v60 =	vor.u32 v16, v28  }
0x1a6: {  	v61 =	vor.u32 v17, v28;
	_ =	sdelay $0x1  }
0x1a7: {  	v6 =	vmul.f32 s22, v6  }
0x1a8: {  	v4 =	vmul.f32 s22, v4  }
0x1a9: {  	[tilespmem:v60+s16+$0x0] =	vst.idx.msk $0xffff, v5;
	v5 =	vsub.f32 v31, v6;
	v6 =	vld [tilespmem:$0x1FF80]  }
0x1aa: {  	[tilespmem:v61+s16+$0x0] =	vst.idx.msk $0xffff, v2;
	v2 =	vsub.f32 v33, v4;
	v4 =	vld [tilespmem:$0x1FF90]  }
0x1ab: {  	v62 =	vor.u32 v18, v28  }
0x1ac: {  	v22 =	vor.u32 v19, v28  }
0x1ad: {  	v23 =	vor.u32 v20, v28  }
0x1ae: {  	p0 =	seq.s32 s18, $0x1F;
	v63 =	vor.u32 v21, v28;
	v6 =	vmul.f32 s22, v6  }
.Ltmp2:
0x1af: {  	v1 =	vadd.f32 v1, v42;
	v4 =	vmul.f32 s22, v4;
	(pc) =	sbr.rel @p0 .LBB2_8-.Ltmp2, $4  }
0x1b0: {  	[tilespmem:v62+s16+$0x0] =	vst.idx.msk $0xffff, v5;
	v5 =	vsub.f32 v36, v6  }
0x1b1: {  	[tilespmem:v22+s16+$0x0] =	vst.idx.msk $0xffff, v2;
	v1 =	vsub.f32 v1, v4  }
0x1b2: {  	[tilespmem:v23+s16+$0x0] =	vst.idx.msk $0xffff, v5  }
0x1b3: {  	[tilespmem:v63+s16+$0x0] =	vst.idx.msk $0xffff, v1  }
0x1b4: {  	s21 =	sand.u32 $0x3FFFFF00, s21  }
0x1b5: {  	v1 =	vld [tilespmem:s21+$0x100];
	_ =	sdelay $0x2  }
0x1b6: {  	v4 =	vld [tilespmem:$0x1FFC0];
	_ =	sdelay $0x1  }
0x1b7: {  	v5 =	vld [tilespmem:$0x1FFD0];
	v2 =	vshll.u32 v1, $0x1  }
0x1b8: {  	v1 =	vand.u32 $0x7, v1;
	v2 =	vand.u32 $0xFFFFFFF0, v2  }
0x1b9: {  	v1 =	vor.u32 v1, v2  }
0x1ba: {  	v2 =	vperm.xlane v1, v4;
	_ =	sdelay $0x1  }
0x1bb: {  	v1 =	vperm.xlane v1, v5;
	v2 =	vadd.s32 v3, v2;
	_ =	sdelay $0x1  }
0x1bc: {  	v1 =	vadd.s32 v3, v1;
	_ =	sdelay $0x2  }
0x1bd: {  	[tilespmem:s11], [sflag:$0x1] =	stream.indirect_vreg.gather [hbm4b:s2+s3], $0x80, v2, vm0, $0xb8;
	[tilespmem:$0x1B080] =	vst v63  }
0x1be: {  	s22 =	simm.s32 $0x2800  }
0x1bf: {  	[tilespmem:s22], [sflag:$0x1] =	stream.indirect_vreg.gather [hbm4b:s2+s3], $0x80, v1, vm0, $0xb8;
	[tilespmem:$0x1B080] =	vst v63  }
0x1c0: {  	v1 =	vld [tilespmem:s21+$0x110];
	_ =	sdelay $0x4  }
0x1c1: {  	v2 =	vshll.u32 v1, $0x1  }
0x1c2: {  	v1 =	vand.u32 $0x7, v1;
	v2 =	vand.u32 $0xFFFFFFF0, v2  }
0x1c3: {  	v1 =	vor.u32 v1, v2  }
0x1c4: {  	v2 =	vperm.xlane v1, v4;
	_ =	sdelay $0x1  }
0x1c5: {  	v1 =	vperm.xlane v1, v5;
	v2 =	vadd.s32 v3, v2;
	_ =	sdelay $0x1  }
0x1c6: {  	v1 =	vadd.s32 v3, v1;
	_ =	sdelay $0x1  }
0x1c7: {  	s23 =	simm.s32 $0x3000  }
0x1c8: {  	[tilespmem:s23], [sflag:$0x1] =	stream.indirect_vreg.gather [hbm4b:s2+s3], $0x80, v2, vm0, $0xb8;
	[tilespmem:$0x1B080] =	vst v63  }
0x1c9: {  	s23 =	simm.s32 $0x3800  }
0x1ca: {  	[tilespmem:s23], [sflag:$0x1] =	stream.indirect_vreg.gather [hbm4b:s2+s3], $0x80, v1, vm0, $0xb8;
	[tilespmem:$0x1B080] =	vst v63  }
0x1cb: {  	v1 =	vld [tilespmem:s21+$0x120];
	_ =	sdelay $0x4  }
0x1cc: {  	v2 =	vshll.u32 v1, $0x1  }
0x1cd: {  	v1 =	vand.u32 $0x7, v1;
	v2 =	vand.u32 $0xFFFFFFF0, v2  }
0x1ce: {  	v1 =	vor.u32 v1, v2  }
0x1cf: {  	v2 =	vperm.xlane v1, v4;
	_ =	sdelay $0x1  }
0x1d0: {  	v1 =	vperm.xlane v1, v5;
	v2 =	vadd.s32 v3, v2;
	_ =	sdelay $0x1  }
0x1d1: {  	v1 =	vadd.s32 v3, v1;
	_ =	sdelay $0x1  }
0x1d2: {  	s23 =	simm.s32 $0x4000  }
0x1d3: {  	[tilespmem:s23], [sflag:$0x1] =	stream.indirect_vreg.gather [hbm4b:s2+s3], $0x80, v2, vm0, $0xb8;
	[tilespmem:$0x1B080] =	vst v63  }
0x1d4: {  	s23 =	simm.s32 $0x4800  }
0x1d5: {  	[tilespmem:s23], [sflag:$0x1] =	stream.indirect_vreg.gather [hbm4b:s2+s3], $0x80, v1, vm0, $0xb8;
	[tilespmem:$0x1B080] =	vst v63  }
0x1d6: {  	v1 =	vld [tilespmem:s21+$0x130];
	_ =	sdelay $0x4  }
0x1d7: {  	v2 =	vshll.u32 v1, $0x1  }
0x1d8: {  	v1 =	vand.u32 $0x7, v1;
	v2 =	vand.u32 $0xFFFFFFF0, v2  }
0x1d9: {  	v1 =	vor.u32 v1, v2  }
0x1da: {  	v2 =	vperm.xlane v1, v4;
	_ =	sdelay $0x1  }
0x1db: {  	v1 =	vperm.xlane v1, v5;
	v2 =	vadd.s32 v3, v2;
	_ =	sdelay $0x1  }
0x1dc: {  	v1 =	vadd.s32 v3, v1;
	_ =	sdelay $0x1  }
0x1dd: {  	s23 =	simm.s32 $0x5000  }
0x1de: {  	[tilespmem:s23], [sflag:$0x1] =	stream.indirect_vreg.gather [hbm4b:s2+s3], $0x80, v2, vm0, $0xb8;
	[tilespmem:$0x1B080] =	vst v63  }
0x1df: {  	s23 =	simm.s32 $0x5800  }
0x1e0: {  	[tilespmem:s23], [sflag:$0x1] =	stream.indirect_vreg.gather [hbm4b:s2+s3], $0x80, v1, vm0, $0xb8;
	[tilespmem:$0x1B080] =	vst v63  }
0x1e1: {  	v1 =	vld [tilespmem:s21+$0x140];
	_ =	sdelay $0x4  }
0x1e2: {  	v2 =	vshll.u32 v1, $0x1  }
0x1e3: {  	v1 =	vand.u32 $0x7, v1;
	v2 =	vand.u32 $0xFFFFFFF0, v2  }
0x1e4: {  	v1 =	vor.u32 v1, v2  }
0x1e5: {  	v2 =	vperm.xlane v1, v4;
	_ =	sdelay $0x1  }
0x1e6: {  	v1 =	vperm.xlane v1, v5;
	v2 =	vadd.s32 v3, v2;
	_ =	sdelay $0x1  }
0x1e7: {  	v1 =	vadd.s32 v3, v1;
	_ =	sdelay $0x1  }
0x1e8: {  	s23 =	simm.s32 $0x6000  }
0x1e9: {  	[tilespmem:s23], [sflag:$0x1] =	stream.indirect_vreg.gather [hbm4b:s2+s3], $0x80, v2, vm0, $0xb8;
	[tilespmem:$0x1B080] =	vst v63  }
0x1ea: {  	s23 =	simm.s32 $0x6800  }
0x1eb: {  	[tilespmem:s23], [sflag:$0x1] =	stream.indirect_vreg.gather [hbm4b:s2+s3], $0x80, v1, vm0, $0xb8;
	[tilespmem:$0x1B080] =	vst v63  }
0x1ec: {  	v1 =	vld [tilespmem:s21+$0x150];
	_ =	sdelay $0x4  }
0x1ed: {  	v2 =	vshll.u32 v1, $0x1  }
0x1ee: {  	v1 =	vand.u32 $0x7, v1;
	v2 =	vand.u32 $0xFFFFFFF0, v2  }
0x1ef: {  	v1 =	vor.u32 v1, v2  }
0x1f0: {  	v2 =	vperm.xlane v1, v4;
	_ =	sdelay $0x1  }
0x1f1: {  	v1 =	vperm.xlane v1, v5;
	v2 =	vadd.s32 v3, v2;
	_ =	sdelay $0x1  }
0x1f2: {  	v1 =	vadd.s32 v3, v1;
	_ =	sdelay $0x1  }
0x1f3: {  	s23 =	simm.s32 $0x7000  }
0x1f4: {  	[tilespmem:s23], [sflag:$0x1] =	stream.indirect_vreg.gather [hbm4b:s2+s3], $0x80, v2, vm0, $0xb8;
	[tilespmem:$0x1B080] =	vst v63  }
0x1f5: {  	s23 =	simm.s32 $0x7800  }
0x1f6: {  	[tilespmem:s23], [sflag:$0x1] =	stream.indirect_vreg.gather [hbm4b:s2+s3], $0x80, v1, vm0, $0xb8;
	[tilespmem:$0x1B080] =	vst v63  }
0x1f7: {  	v1 =	vld [tilespmem:s21+$0x160];
	_ =	sdelay $0x4  }
0x1f8: {  	v2 =	vshll.u32 v1, $0x1  }
0x1f9: {  	v1 =	vand.u32 $0x7, v1;
	v2 =	vand.u32 $0xFFFFFFF0, v2  }
0x1fa: {  	v1 =	vor.u32 v1, v2  }
0x1fb: {  	v2 =	vperm.xlane v1, v4;
	_ =	sdelay $0x1  }
0x1fc: {  	v1 =	vperm.xlane v1, v5;
	v2 =	vadd.s32 v3, v2;
	_ =	sdelay $0x1  }
0x1fd: {  	v1 =	vadd.s32 v3, v1;
	_ =	sdelay $0x1  }
0x1fe: {  	s23 =	simm.s32 $0x8000  }
0x1ff: {  	[tilespmem:s23], [sflag:$0x1] =	stream.indirect_vreg.gather [hbm4b:s2+s3], $0x80, v2, vm0, $0xb8;
	[tilespmem:$0x1B080] =	vst v63  }
0x200: {  	s23 =	simm.s32 $0x8800  }
0x201: {  	[tilespmem:s23], [sflag:$0x1] =	stream.indirect_vreg.gather [hbm4b:s2+s3], $0x80, v1, vm0, $0xb8;
	[tilespmem:$0x1B080] =	vst v63  }
0x202: {  	v1 =	vld [tilespmem:s21+$0x170];
	_ =	sdelay $0x4  }
0x203: {  	v2 =	vshll.u32 v1, $0x1  }
0x204: {  	v1 =	vand.u32 $0x7, v1;
	v2 =	vand.u32 $0xFFFFFFF0, v2  }
0x205: {  	v1 =	vor.u32 v1, v2  }
0x206: {  	v2 =	vperm.xlane v1, v4;
	_ =	sdelay $0x1  }
0x207: {  	v1 =	vperm.xlane v1, v5;
	v2 =	vadd.s32 v3, v2;
	_ =	sdelay $0x1  }
0x208: {  	v1 =	vadd.s32 v3, v1;
	_ =	sdelay $0x2  }
0x209: {  	[tilespmem:s25], [sflag:$0x1] =	stream.indirect_vreg.gather [hbm4b:s2+s3], $0x80, v2, vm0, $0xb8;
	[tilespmem:$0x1B080] =	vst v63  }
0x20a: {  	_ = 	snop  }
0x20b: {  	[tilespmem:s26], [sflag:$0x1] =	stream.indirect_vreg.gather [hbm4b:s2+s3], $0x80, v1, vm0, $0xb8;
	[tilespmem:$0x1B080] =	vst v63  }
.LBB2_8:
0x20c: {  	v4 =	vor.u32 s20, v7;
	_ =	sdelay $0x1  }
0x20d: {  	_ =	swait.ge [sflag:s17], $0x8000  }
0x20e: {  	[sflag:s17] =	ssyncset.done $0x0  }
0x20f: {  	s21 =	simm.s32 $0x0;
	[sflag:s17] =	ssyncadd.s32 $0xFFFF8000  }
0x210: {  	v4 =	vld.idx.msk [tilespmem:v4+s21+$0x0], $0xffff;
	_ =	sdelay $0x2  }
0x211: {  	v1 =	vor.u32 s20, v0  }
0x212: {  	v6 =	vor.u32 s20, v8  }
0x213: {  	[tilespmem:$0x1FE40] =	vst v4;
	v4 =	vor.u32 s20, v10;
	_ =	sdelay $0x1  }
0x214: {  	v2 =	vmov s21  }
0x215: {  	v5 =	vshll.u32 v2, $0x8;
	v2 =	vshll.u32 v2, $0x7;
	v1 =	vld.idx.msk [tilespmem:v1+s21+$0x0], $0xffff  }
0x216: {  	v22 =	vor.u32 s20, v9;
	v5 =	vand.u32 $0x3800, v5;
	v2 =	vand.u32 $0x380, v2;
	v60 =	vld.idx.msk [tilespmem:v6+s21+$0x0], $0xffff  }
0x217: {  	v2 =	vor.u32 v2, v5;
	v6 =	vor.u32 s20, v11;
	v4 =	vld.idx.msk [tilespmem:v4+s21+$0x0], $0xffff  }
0x218: {  	v5 =	vor.u32 v21, v2  }
0x219: {  	v24 =	vor.u32 v7, v2  }
0x21a: {  	v26 =	vor.u32 v8, v2  }
0x21b: {  	v62 =	vld.idx.msk [tilespmem:v22+s21+$0x0], $0xffff;
	[tilespmem:$0x1FE30] =	vst v1;
	v1 =	vor.u32 v0, v2  }
0x21c: {  	v22 =	vor.u32 s20, v12;
	[tilespmem:$0x1FE50] =	vst v4;
	v4 =	vld.idx.msk [tilespmem:v6+s21+$0x0], $0xffff  }
0x21d: {  	v44 =	vimm.f32 $0.0e+00;
	v31 =	vor.u32 v9, v2;
	v5 =	vld.idx.msk [tilespmem:v5+s28+$0x0], $0xffff  }
0x21e: {  	v56 =	vimm.f32 $0.0e+00;
	v57 =	vimm.f32 $0.0e+00;
	v34 =	vor.u32 v11, v2;
	v30 =	vld.idx.msk [tilespmem:v24+s28+$0x0], $0xffff  }
0x21f: {  	v54 =	vimm.f32 $0.0e+00;
	v55 =	vimm.f32 $0.0e+00;
	v35 =	vor.u32 v12, v2;
	v29 =	vld.idx.msk [tilespmem:v26+s28+$0x0], $0xffff  }
0x220: {  	v52 =	vimm.f32 $0.0e+00;
	v53 =	vimm.f32 $0.0e+00;
	v33 =	vor.u32 v10, v2;
	v1 =	vld.idx.msk [tilespmem:v1+s28+$0x0], $0xffff  }
0x221: {  	v50 =	vimm.f32 $0.0e+00;
	v51 =	vimm.f32 $0.0e+00;
	v46 =	vimm.f32 $0.0e+00;
	[tilespmem:$0x1FE60] =	vst v4;
	v4 =	vld.idx.msk [tilespmem:v22+s21+$0x0], $0xffff  }
0x222: {  	v47 =	vimm.f32 $0.0e+00;
	v48 =	vimm.f32 $0.0e+00;
	v28 =	vor.u32 v13, v2;
	v31 =	vld.idx.msk [tilespmem:v31+s28+$0x0], $0xffff  }
0x223: {  	s23 =	simm.s32 $0x1;
	v49 =	vimm.f32 $0.0e+00;
	v45 =	vimm.f32 $0.0e+00;
	v27 =	vor.u32 v14, v2;
	v24 =	vld.idx.msk [tilespmem:v34+s28+$0x0], $0xffff  }
0x224: {  	v32 =	vmov s23;
	v25 =	vor.u32 v15, v2;
	v23 =	vor.u32 v16, v2;
	v26 =	vld.idx.msk [tilespmem:v35+s28+$0x0], $0xffff  }
0x225: {  	v63 =	vor.u32 v19, v2;
	v61 =	vor.u32 v20, v2;
	v42 =	vadd.f32 v5, v44;
	v5 =	vld.idx.msk [tilespmem:v33+s28+$0x0], $0xffff  }
0x226: {  	s20 =	simm.s32 $0x2;
	v6 =	vor.u32 v17, v2;
	v43 =	vadd.f32 v1, v44;
	[tilespmem:$0x1FE70] =	vst v4;
	v4 =	vor.u32 v18, v2  }
.LBB2_9:
0x227: {  	p0 =	sne.s32 s20, $0x31;
	v1 =	vshll.u32 v32, $0x8;
	v2 =	vshll.u32 v32, $0x7;
	v44 =	vadd.f32 v30, v44;
	v22 =	vld.idx.msk [tilespmem:v28+s28+$0x0], $0xffff  }
0x228: {  	v56 =	vadd.f32 v29, v56;
	v1 =	vand.u32 $0x3800, v1;
	v2 =	vand.u32 $0x380, v2;
	v29 =	vld.idx.msk [tilespmem:v27+s28+$0x0], $0xffff  }
0x229: {  	v57 =	vadd.f32 v31, v57;
	v1 =	vor.u32 v2, v1;
	v2 =	vld.idx.msk [tilespmem:v25+s28+$0x0], $0xffff  }
0x22a: {  	v30 =	vor.u32 v0, v1;
	v31 =	vor.u32 v7, v1;
	v32 =	vor.u32 v21, v1;
	v33 =	vld.idx.msk [tilespmem:v23+s28+$0x0], $0xffff  }
0x22b: {  	v34 =	vor.u32 v8, v1;
	v35 =	vor.u32 v9, v1;
	v36 =	vor.u32 v10, v1;
	v37 =	vld.idx.msk [tilespmem:v6+s28+$0x0], $0xffff  }
0x22c: {  	v38 =	vor.u32 v11, v1;
	v39 =	vor.u32 v12, v1;
	v28 =	vor.u32 v13, v1;
	v40 =	vld.idx.msk [tilespmem:v4+s28+$0x0], $0xffff  }
0x22d: {  	v27 =	vor.u32 v14, v1;
	v25 =	vor.u32 v15, v1;
	v23 =	vor.u32 v16, v1;
	v41 =	vld.idx.msk [tilespmem:v63+s28+$0x0], $0xffff  }
0x22e: {  	v6 =	vor.u32 v17, v1;
	v4 =	vor.u32 v18, v1;
	v63 =	vor.u32 v19, v1;
	v58 =	vld.idx.msk [tilespmem:v61+s28+$0x0], $0xffff  }
0x22f: {  	v54 =	vadd.f32 v5, v54;
	v55 =	vadd.f32 v24, v55;
	v61 =	vor.u32 v20, v1;
	v1 =	vld.idx.msk [tilespmem:v32+s28+$0x0], $0xffff  }
0x230: {  	v52 =	vadd.f32 v26, v52;
	v53 =	vadd.f32 v22, v53;
	v59 =	vld.idx.msk [tilespmem:v30+s28+$0x0], $0xffff  }
0x231: {  	v50 =	vadd.f32 v29, v50;
	v51 =	vadd.f32 v2, v51;
	v30 =	vld.idx.msk [tilespmem:v31+s28+$0x0], $0xffff  }
.Ltmp3:
0x232: {  	v46 =	vadd.f32 v33, v46;
	v47 =	vadd.f32 v37, v47;
	v29 =	vld.idx.msk [tilespmem:v34+s28+$0x0], $0xffff;
	(pc) =	sbr.rel @p0 .LBB2_9-.Ltmp3, $4  }
0x233: {  	v48 =	vadd.f32 v40, v48;
	v49 =	vadd.f32 v41, v49;
	v31 =	vld.idx.msk [tilespmem:v35+s28+$0x0], $0xffff  }
0x234: {  	v45 =	vadd.f32 v58, v45;
	v5 =	vld.idx.msk [tilespmem:v36+s28+$0x0], $0xffff  }
0x235: {  	v42 =	vadd.f32 v1, v42;
	v24 =	vld.idx.msk [tilespmem:v38+s28+$0x0], $0xffff  }
0x236: {  	v32 =	vmov s20;
	s20 =	sadd.s32 $0x1, s20;
	v43 =	vadd.f32 v59, v43;
	v26 =	vld.idx.msk [tilespmem:v39+s28+$0x0], $0xffff  }
0x237: {  	v1 =	vld [tilespmem:$0x1FE30]  }
0x238: {  	v2 =	vld [tilespmem:$0x1FE40];
	_ =	sdelay $0x3  }
0x239: {  	v22 =	vimm.s32 $0x0;
	vm4 =	veq.s32 v1, $0x13B6F9  }
0x23a: {  	v1 =	vsel vm4, $0x1, v22;
	vm4 =	veq.s32 v2, $0x13B6F9  }
0x23b: {  	vm5 =	veq.s32 v60, $0x13B6F9;
	v2 =	vsel vm4, $0x1, v22;
	vm4 =	veq.s32 v62, $0x13B6F9  }
0x23c: {  	v1 =	vadd.s32 v1, v2;
	v2 =	vsel vm5, $0x1, v22;
	vm5 =	vmand vm4, vm1  }
0x23d: {  	v1 =	vadd.s32 v2, v1;
	v2 =	vsel vm5, $0x1, v22  }
0x23e: {  	v1 =	vadd.s32 v2, v1  }
0x23f: {  	(xrf0) =	vadd.scan.msk.s32 $0xffff, v1;
	_ =	sdelay $0x3  }
0x240: {  	v60 =	vshll.u32 v32, $0x7;
	v28 =	vld.idx.msk [tilespmem:v28+s28+$0x0], $0xffff;
	v22 =	vshll.u32 v32, $0x8  }
0x241: {  	v27 =	vld.idx.msk [tilespmem:v27+s28+$0x0], $0xffff;
	v2 =	vand.u32 $0x3800, v22;
	v22 =	vand.u32 $0x380, v60  }
0x242: {  	v23 =	vld.idx.msk [tilespmem:v23+s28+$0x0], $0xffff;
	v1 =	vor.u32 v22, v2;
	v37, _, _ =	vpop (xrf0)  }
0x243: {  	v6 =	vld.idx.msk [tilespmem:v6+s28+$0x0], $0xffff;
	v22 =	vor.u32 v21, v1;
	(v2sf) =	vpush v37, $0xF  }
0x244: {  	v2 =	vld.idx.msk [tilespmem:v25+s28+$0x0], $0xffff;
	v25 =	vor.u32 v0, v1  }
0x245: {  	v4 =	vld.idx.msk [tilespmem:v4+s28+$0x0], $0xffff;
	v62 =	vor.u32 v7, v1  }
0x246: {  	v34 =	vld.idx.msk [tilespmem:v63+s28+$0x0], $0xffff;
	v33 =	vor.u32 v8, v1  }
0x247: {  	v36 =	vld.idx.msk [tilespmem:v61+s28+$0x0], $0xffff;
	v35 =	vor.u32 v9, v1  }
0x248: {  	v38 =	vor.u32 v10, v1;
	v22 =	vld.idx.msk [tilespmem:v22+s28+$0x0], $0xffff  }
0x249: {  	v58 =	vor.u32 v11, v1;
	v25 =	vld.idx.msk [tilespmem:v25+s28+$0x0], $0xffff  }
0x24a: {  	v32 =	vld.idx.msk [tilespmem:v62+s28+$0x0], $0xffff;
	v62 =	vor.u32 v18, v1  }
0x24b: {  	v33 =	vld.idx.msk [tilespmem:v33+s28+$0x0], $0xffff  }
0x24c: {  	v31 =	vadd.f32 v31, v57;
	v63 =	vor.u32 v19, v1;
	v35 =	vld.idx.msk [tilespmem:v35+s28+$0x0], $0xffff  }
0x24d: {  	v24 =	vadd.f32 v24, v55;
	v26 =	vadd.f32 v26, v52;
	v38 =	vld.idx.msk [tilespmem:v38+s28+$0x0], $0xffff  }
0x24e: {  	s19 =	sshll.u32 s19, $0x1;
	v28 =	vadd.f32 v28, v53;
	v27 =	vadd.f32 v27, v50;
	v39 =	vor.u32 v12, v1;
	v37 =	vld.idx.msk [tilespmem:v58+s28+$0x0], $0xffff  }
0x24f: {  	v34 =	vadd.f32 v34, v49;
	v50 =	vmov s19;
	v40 =	vor.u32 v13, v1;
	v49 =	vld.idx.msk [tilespmem:v62+s28+$0x0], $0xffff  }
0x250: {  	v52 =	vshll.u32 v50, $0x8;
	v41 =	vor.u32 v14, v1;
	v59 =	vor.u32 v15, v1;
	v62 =	vld [tilespmem:$0x1FFA0]  }
0x251: {  	v2 =	vadd.f32 v2, v51;
	v51 =	vld.idx.msk [tilespmem:v63+s28+$0x0], $0xffff;
	v31 =	vadd.f32 v35, v31;
	v35 =	vshll.u32 v50, $0x7  }
0x252: {  	v53 =	vand.u32 $0x7FFFF800, v52;
	v60 =	vor.u32 v16, v1;
	v63 =	vld [tilespmem:$0x1FFB0];
	v35 =	vand.u32 $0x300, v35;
	s20 =	spop (v2sf)  }
0x253: {  	v30 =	vadd.f32 v30, v44;
	v61 =	vor.u32 v17, v1;
	v39 =	vld.idx.msk [tilespmem:v39+s28+$0x0], $0xffff;
	v35 =	vor.u32 v35, v53;
	s20 =	scvt.s32.f32 s20  }
0x254: {  	v40 =	vld.idx.msk [tilespmem:v40+s28+$0x0], $0xffff;
	v1 =	vor.u32 v20, v1;
	v24 =	vadd.f32 v37, v24;
	v37 =	vor.u32 v0, v35  }
0x255: {  	v5 =	vadd.f32 v5, v54;
	v41 =	vld.idx.msk [tilespmem:v41+s28+$0x0], $0xffff;
	v25 =	vadd.f32 v25, v43;
	v54 =	vmul.f32 s20, v62  }
0x256: {  	v29 =	vadd.f32 v29, v56;
	v6 =	vadd.f32 v6, v47;
	v44 =	vld.idx.msk [tilespmem:v59+s28+$0x0], $0xffff;
	v56 =	vor.u32 v7, v35  }
0x257: {  	v47 =	vld.idx.msk [tilespmem:v60+s28+$0x0], $0xffff;
	v30 =	vadd.f32 v32, v30;
	v57 =	vmul.f32 s20, v63;
	v25 =	vsub.f32 v25, v54  }
0x258: {  	v4 =	vadd.f32 v4, v48;
	v48 =	vld.idx.msk [tilespmem:v61+s28+$0x0], $0xffff  }
0x259: {  	v1 =	vld.idx.msk [tilespmem:v1+s28+$0x0], $0xffff;
	[tilespmem:v37+s16+$0x0] =	vst.idx.msk $0xffff, v25;
	v25 =	vsub.f32 v30, v57;
	_ =	sdelay $0x1  }
0x25a: {  	[tilespmem:v56+s16+$0x0] =	vst.idx.msk $0xffff, v25;
	v25 =	vld [tilespmem:$0x1FEE0]  }
0x25b: {  	v59 =	vld [tilespmem:$0x1FEC0]  }
0x25c: {  	v60 =	vld [tilespmem:$0x1FED0];
	_ =	sdelay $0x2  }
0x25d: {  	v29 =	vadd.f32 v33, v29;
	v5 =	vadd.f32 v38, v5;
	v25 =	vmul.f32 s20, v25  }
0x25e: {  	v26 =	vadd.f32 v39, v26;
	v28 =	vadd.f32 v40, v28;
	v58 =	vor.u32 v8, v35  }
0x25f: {  	v39 =	vmul.f32 s20, v59;
	v40 =	vmul.f32 s20, v60;
	v5 =	vsub.f32 v5, v25;
	v25 =	vld [tilespmem:$0x1FF20]  }
0x260: {  	v61 =	vor.u32 v9, v35  }
0x261: {  	v29 =	vsub.f32 v29, v39;
	v30 =	vsub.f32 v31, v40;
	v31 =	vor.u32 v10, v35  }
0x262: {  	v23 =	vadd.f32 v23, v46;
	v46 =	vld [tilespmem:$0x1FEF0]  }
0x263: {  	[tilespmem:v58+s16+$0x0] =	vst.idx.msk $0xffff, v29;
	v29 =	vld [tilespmem:$0x1FF00]  }
0x264: {  	v27 =	vadd.f32 v41, v27;
	v25 =	vmul.f32 s20, v25  }
0x265: {  	v4 =	vadd.f32 v49, v4;
	v49 =	vld [tilespmem:$0x1FF10];
	[tilespmem:v61+s16+$0x0] =	vst.idx.msk $0xffff, v30  }
0x266: {  	[tilespmem:v31+s16+$0x0] =	vst.idx.msk $0xffff, v5;
	v5 =	vsub.f32 v27, v25;
	v27 =	vld [tilespmem:$0x1FF30]  }
0x267: {  	v23 =	vadd.f32 v47, v23;
	v47 =	vor.u32 v11, v35;
	v32 =	vmul.f32 s20, v46  }
0x268: {  	v6 =	vadd.f32 v48, v6;
	v48 =	vor.u32 v12, v35;
	v29 =	vmul.f32 s20, v29  }
0x269: {  	v24 =	vsub.f32 v24, v32;
	v30 =	vld [tilespmem:$0x1FF40]  }
0x26a: {  	v37 =	vmul.f32 s20, v49;
	v26 =	vsub.f32 v26, v29;
	v29 =	vor.u32 v13, v35  }
0x26b: {  	v2 =	vadd.f32 v44, v2;
	v25 =	vor.u32 v14, v35;
	v27 =	vmul.f32 s20, v27  }
0x26c: {  	v28 =	vsub.f32 v28, v37;
	[tilespmem:v47+s16+$0x0] =	vst.idx.msk $0xffff, v24;
	v24 =	vor.u32 v15, v35  }
0x26d: {  	[tilespmem:v48+s16+$0x0] =	vst.idx.msk $0xffff, v26;
	v26 =	vor.u32 v16, v35;
	v2 =	vsub.f32 v2, v27;
	v27 =	vld [tilespmem:$0x1FF60]  }
0x26e: {  	v30 =	vmul.f32 s20, v30  }
0x26f: {  	s21 =	simm.s32 $0x32;
	v31 =	vld [tilespmem:$0x1FF50];
	[tilespmem:v29+s16+$0x0] =	vst.idx.msk $0xffff, v28  }
0x270: {  	v36 =	vadd.f32 v36, v45;
	v45 =	vmov s21;
	v23 =	vsub.f32 v23, v30;
	[tilespmem:v25+s16+$0x0] =	vst.idx.msk $0xffff, v5  }
0x271: {  	v28 =	vld [tilespmem:$0x1FF70];
	v29 =	vshll.u32 v45, $0x7;
	v25 =	vshll.u32 v45, $0x8;
	[tilespmem:v24+s16+$0x0] =	vst.idx.msk $0xffff, v2  }
0x272: {  	v24 =	vand.u32 $0x7800, v25;
	v25 =	vand.u32 $0x380, v29;
	[tilespmem:v26+s16+$0x0] =	vst.idx.msk $0xffff, v23;
	v23 =	vld [tilespmem:$0x1FF80];
	v27 =	vmul.f32 s20, v27  }
0x273: {  	v30 =	vor.u32 v17, v35;
	v24 =	vor.u32 v25, v24;
	v25 =	vld [tilespmem:$0x1FF90]  }
0x274: {  	v31 =	vmul.f32 s20, v31;
	v4 =	vsub.f32 v4, v27;
	v27 =	vor.u32 v18, v35  }
0x275: {  	v22 =	vadd.f32 v22, v42;
	v55 =	vadd.f32 v51, v34;
	v5 =	vor.u32 v19, v35  }
0x276: {  	v6 =	vsub.f32 v6, v31;
	v28 =	vmul.f32 s20, v28;
	v2 =	vor.u32 v20, v35  }
0x277: {  	v1 =	vadd.f32 v1, v36;
	v26 =	vor.u32 v21, v35;
	v23 =	vmul.f32 s20, v23  }
0x278: {  	[tilespmem:v30+s16+$0x0] =	vst.idx.msk $0xffff, v6;
	v6 =	vsub.f32 v55, v28;
	v28 =	vor.u32 v21, v24;
	v25 =	vmul.f32 s20, v25  }
0x279: {  	v1 =	vsub.f32 v1, v23;
	[tilespmem:v27+s16+$0x0] =	vst.idx.msk $0xffff, v4;
	v4 =	vor.u32 v0, v24  }
0x27a: {  	v60 =	vor.u32 v11, v24;
	[tilespmem:v5+s16+$0x0] =	vst.idx.msk $0xffff, v6;
	v5 =	vsub.f32 v22, v25  }
0x27b: {  	v52 =	vimm.f32 $0.0e+00;
	v50 =	vor.u32 v10, v24;
	[tilespmem:v2+s16+$0x0] =	vst.idx.msk $0xffff, v1;
	v1 =	vor.u32 v7, v24  }
0x27c: {  	v44 =	vimm.f32 $0.0e+00;
	v61 =	vor.u32 v12, v24;
	v6 =	vor.u32 v8, v24;
	[tilespmem:v26+s16+$0x0] =	vst.idx.msk $0xffff, v5  }
0x27d: {  	v59 =	vor.u32 v19, v24;
	v58 =	vor.u32 v20, v24;
	v22 =	vor.u32 v9, v24;
	v2 =	vld.idx.msk [tilespmem:v28+s28+$0x0], $0xffff  }
0x27e: {  	v23 =	vor.u32 v16, v24;
	v27 =	vor.u32 v14, v24;
	v25 =	vor.u32 v15, v24;
	v26 =	vld.idx.msk [tilespmem:v4+s28+$0x0], $0xffff  }
0x27f: {  	v5 =	vor.u32 v17, v24;
	v28 =	vor.u32 v13, v24;
	v4 =	vor.u32 v18, v24;
	v24 =	vld.idx.msk [tilespmem:v60+s28+$0x0], $0xffff  }
0x280: {  	s23 =	simm.s32 $0x33;
	v51 =	vimm.f32 $0.0e+00;
	v53 =	vimm.f32 $0.0e+00;
	v46 =	vimm.f32 $0.0e+00;
	v29 =	vld.idx.msk [tilespmem:v1+s28+$0x0], $0xffff  }
0x281: {  	v32 =	vmov s23;
	v54 =	vimm.f32 $0.0e+00;
	v57 =	vimm.f32 $0.0e+00;
	v30 =	vld.idx.msk [tilespmem:v6+s28+$0x0], $0xffff  }
0x282: {  	v49 =	vimm.f32 $0.0e+00;
	v56 =	vimm.f32 $0.0e+00;
	v47 =	vimm.f32 $0.0e+00;
	v31 =	vld.idx.msk [tilespmem:v22+s28+$0x0], $0xffff  }
0x283: {  	v48 =	vimm.f32 $0.0e+00;
	v45 =	vimm.f32 $0.0e+00;
	v55 =	vimm.f32 $0.0e+00;
	v6 =	vld.idx.msk [tilespmem:v50+s28+$0x0], $0xffff  }
0x284: {  	s20 =	simm.s32 $0x34;
	v50 =	vimm.f32 $0.0e+00;
	v42 =	vadd.f32 v2, v44;
	v43 =	vadd.f32 v26, v44;
	v26 =	vld.idx.msk [tilespmem:v61+s28+$0x0], $0xffff  }
.LBB2_11:
0x285: {  	p0 =	sne.s32 s20, $0x63;
	v1 =	vshll.u32 v32, $0x8;
	v2 =	vshll.u32 v32, $0x7;
	v44 =	vadd.f32 v29, v44;
	v22 =	vld.idx.msk [tilespmem:v28+s28+$0x0], $0xffff  }
0x286: {  	v57 =	vadd.f32 v30, v57;
	v1 =	vand.u32 $0x7800, v1;
	v2 =	vand.u32 $0x380, v2;
	v30 =	vld.idx.msk [tilespmem:v27+s28+$0x0], $0xffff  }
0x287: {  	v55 =	vadd.f32 v31, v55;
	v1 =	vor.u32 v2, v1;
	v2 =	vld.idx.msk [tilespmem:v25+s28+$0x0], $0xffff  }
0x288: {  	v29 =	vor.u32 v0, v1;
	v31 =	vor.u32 v7, v1;
	v32 =	vor.u32 v21, v1;
	v33 =	vld.idx.msk [tilespmem:v23+s28+$0x0], $0xffff  }
0x289: {  	v34 =	vor.u32 v8, v1;
	v35 =	vor.u32 v9, v1;
	v36 =	vor.u32 v10, v1;
	v37 =	vld.idx.msk [tilespmem:v5+s28+$0x0], $0xffff  }
0x28a: {  	v38 =	vor.u32 v11, v1;
	v39 =	vor.u32 v12, v1;
	v28 =	vor.u32 v13, v1;
	v40 =	vld.idx.msk [tilespmem:v4+s28+$0x0], $0xffff  }
0x28b: {  	v27 =	vor.u32 v14, v1;
	v25 =	vor.u32 v15, v1;
	v23 =	vor.u32 v16, v1;
	v41 =	vld.idx.msk [tilespmem:v59+s28+$0x0], $0xffff  }
0x28c: {  	v5 =	vor.u32 v17, v1;
	v4 =	vor.u32 v18, v1;
	v59 =	vor.u32 v19, v1;
	v60 =	vld.idx.msk [tilespmem:v58+s28+$0x0], $0xffff  }
0x28d: {  	v56 =	vadd.f32 v6, v56;
	v53 =	vadd.f32 v24, v53;
	v58 =	vor.u32 v20, v1;
	v1 =	vld.idx.msk [tilespmem:v32+s28+$0x0], $0xffff  }
0x28e: {  	v54 =	vadd.f32 v26, v54;
	v51 =	vadd.f32 v22, v51;
	v61 =	vld.idx.msk [tilespmem:v29+s28+$0x0], $0xffff  }
0x28f: {  	v52 =	vadd.f32 v30, v52;
	v48 =	vadd.f32 v2, v48;
	v29 =	vld.idx.msk [tilespmem:v31+s28+$0x0], $0xffff  }
.Ltmp4:
0x290: {  	v49 =	vadd.f32 v33, v49;
	v45 =	vadd.f32 v37, v45;
	v30 =	vld.idx.msk [tilespmem:v34+s28+$0x0], $0xffff;
	(pc) =	sbr.rel @p0 .LBB2_11-.Ltmp4, $4  }
0x291: {  	v50 =	vadd.f32 v40, v50;
	v46 =	vadd.f32 v41, v46;
	v31 =	vld.idx.msk [tilespmem:v35+s28+$0x0], $0xffff  }
0x292: {  	v47 =	vadd.f32 v60, v47;
	v6 =	vld.idx.msk [tilespmem:v36+s28+$0x0], $0xffff  }
0x293: {  	v42 =	vadd.f32 v1, v42;
	v24 =	vld.idx.msk [tilespmem:v38+s28+$0x0], $0xffff  }
0x294: {  	v32 =	vmov s20;
	s20 =	sadd.s32 $0x1, s20;
	v43 =	vadd.f32 v61, v43;
	v26 =	vld.idx.msk [tilespmem:v39+s28+$0x0], $0xffff  }
0x295: {  	v22 =	vld [tilespmem:$0x1FE60];
	_ =	sdelay $0x3  }
0x296: {  	v2 =	vld [tilespmem:$0x1FE50]  }
0x297: {  	vm15 =	veq.s32 v22, $0x13B6F9;
	v22 =	vld [tilespmem:$0x1FE70];
	_ =	sdelay $0x3  }
0x298: {  	vm4 =	vmand vm4, vm2;
	v33 =	vimm.s32 $0x0;
	vm14 =	veq.s32 v2, $0x13B6F9  }
0x299: {  	v1 =	vsel vm4, $0x1, v33;
	v2 =	vsel vm14, $0x1, v33;
	vm5 =	veq.s32 v22, $0x13B6F9  }
0x29a: {  	v1 =	vadd.s32 v2, v1;
	v22 =	vsel vm15, $0x1, v33;
	vm3 =	vmand vm5, vm3  }
0x29b: {  	v1 =	vadd.s32 v22, v1;
	v2 =	vsel vm3, $0x1, v33  }
0x29c: {  	v1 =	vadd.s32 v2, v1  }
0x29d: {  	(xrf0) =	vadd.scan.msk.s32 $0xffff, v1;
	_ =	sdelay $0x2  }
0x29e: {  	v28 =	vld.idx.msk [tilespmem:v28+s28+$0x0], $0xffff  }
0x29f: {  	v27 =	vld.idx.msk [tilespmem:v27+s28+$0x0], $0xffff  }
0x2a0: {  	v23 =	vld.idx.msk [tilespmem:v23+s28+$0x0], $0xffff  }
0x2a1: {  	v40 =	vshll.u32 v32, $0x7;
	v5 =	vld.idx.msk [tilespmem:v5+s28+$0x0], $0xffff;
	v22 =	vshll.u32 v32, $0x8;
	v37, _, _ =	vpop (xrf0)  }
0x2a2: {  	v34 =	vld.idx.msk [tilespmem:v59+s28+$0x0], $0xffff;
	v2 =	vand.u32 $0x7800, v22;
	v22 =	vand.u32 $0x380, v40;
	(v2sf) =	vpush v37, $0xF  }
0x2a3: {  	v1 =	vor.u32 v22, v2;
	v2 =	vld.idx.msk [tilespmem:v25+s28+$0x0], $0xffff  }
0x2a4: {  	v4 =	vld.idx.msk [tilespmem:v4+s28+$0x0], $0xffff;
	v22 =	vor.u32 v0, v1  }
0x2a5: {  	v36 =	vld.idx.msk [tilespmem:v58+s28+$0x0], $0xffff;
	v41 =	vor.u32 v7, v1  }
0x2a6: {  	v5 =	vadd.f32 v5, v45;
	v45 =	vld [tilespmem:$0x1FEC0];
	v58 =	vor.u32 v12, v1  }
0x2a7: {  	v34 =	vadd.f32 v34, v46;
	v46 =	vld [tilespmem:$0x1FED0];
	v39 =	vor.u32 v13, v1  }
0x2a8: {  	v60 =	vor.u32 v8, v1;
	v2 =	vadd.f32 v2, v48;
	v48 =	vld [tilespmem:$0x1FEE0]  }
0x2a9: {  	v61 =	vor.u32 v9, v1;
	v22 =	vld.idx.msk [tilespmem:v22+s28+$0x0], $0xffff  }
0x2aa: {  	v29 =	vadd.f32 v29, v44;
	v30 =	vadd.f32 v30, v57;
	s19 =	sor.u32 $0x1, s19;
	v35 =	vor.u32 v10, v1;
	v25 =	vld.idx.msk [tilespmem:v41+s28+$0x0], $0xffff  }
0x2ab: {  	v31 =	vadd.f32 v31, v55;
	v57 =	vmov s19;
	v59 =	vor.u32 v16, v1;
	v37 =	vld.idx.msk [tilespmem:v58+s28+$0x0], $0xffff  }
0x2ac: {  	v6 =	vadd.f32 v6, v56;
	v4 =	vadd.f32 v4, v50;
	v50 =	vor.u32 v19, v1;
	v39 =	vld.idx.msk [tilespmem:v39+s28+$0x0], $0xffff  }
0x2ad: {  	v24 =	vadd.f32 v24, v53;
	v26 =	vadd.f32 v26, v54;
	v38 =	vor.u32 v11, v1;
	v32 =	vld.idx.msk [tilespmem:v60+s28+$0x0], $0xffff  }
0x2ae: {  	v28 =	vadd.f32 v28, v51;
	v27 =	vadd.f32 v27, v52;
	v33 =	vld.idx.msk [tilespmem:v61+s28+$0x0], $0xffff;
	v60 =	vor.u32 v17, v1  }
0x2af: {  	v40 =	vor.u32 v14, v1;
	v52 =	vor.u32 v20, v1;
	v35 =	vld.idx.msk [tilespmem:v35+s28+$0x0], $0xffff;
	v61 =	vor.u32 v18, v1  }
0x2b0: {  	v53 =	vld.idx.msk [tilespmem:v59+s28+$0x0], $0xffff;
	v59 =	vshll.u32 v57, $0x8;
	v26 =	vadd.f32 v37, v26;
	v37 =	vshll.u32 v57, $0x7  }
0x2b1: {  	v56 =	vld.idx.msk [tilespmem:v50+s28+$0x0], $0xffff;
	v28 =	vadd.f32 v39, v28;
	v39 =	vand.u32 $0x7FFFF800, v59;
	v37 =	vand.u32 $0x380, v37;
	s23 =	spop (v2sf)  }
0x2b2: {  	v41 =	vor.u32 v15, v1;
	v38 =	vld.idx.msk [tilespmem:v38+s28+$0x0], $0xffff;
	v25 =	vadd.f32 v25, v29;
	v29 =	vor.u32 v37, v39;
	s19 =	scvt.s32.f32 s23  }
0x2b3: {  	v1 =	vor.u32 v21, v1;
	v22 =	vadd.f32 v22, v43;
	v54 =	vld.idx.msk [tilespmem:v60+s28+$0x0], $0xffff;
	v60 =	vor.u32 v0, v29  }
0x2b4: {  	v30 =	vadd.f32 v32, v30;
	v55 =	vld.idx.msk [tilespmem:v61+s28+$0x0], $0xffff;
	v61 =	vmul.f32 s19, v62;
	v62 =	vor.u32 v7, v29  }
0x2b5: {  	v40 =	vld.idx.msk [tilespmem:v40+s28+$0x0], $0xffff;
	v31 =	vadd.f32 v33, v31;
	v44 =	vor.u32 v8, v29;
	v43 =	vmul.f32 s19, v63  }
0x2b6: {  	v58 =	vld.idx.msk [tilespmem:v52+s28+$0x0], $0xffff;
	v33 =	vadd.f32 v56, v34;
	v34 =	vmul.f32 s19, v45;
	v22 =	vsub.f32 v22, v61  }
0x2b7: {  	v41 =	vld.idx.msk [tilespmem:v41+s28+$0x0], $0xffff;
	v25 =	vsub.f32 v25, v43  }
0x2b8: {  	v1 =	vld.idx.msk [tilespmem:v1+s28+$0x0], $0xffff;
	[tilespmem:v60+s16+$0x0] =	vst.idx.msk $0xffff, v22;
	v22 =	vsub.f32 v30, v34  }
0x2b9: {  	[tilespmem:v62+s16+$0x0] =	vst.idx.msk $0xffff, v25  }
0x2ba: {  	[tilespmem:v44+s16+$0x0] =	vst.idx.msk $0xffff, v22;
	v22 =	vld [tilespmem:$0x1FF00]  }
0x2bb: {  	v39 =	vor.u32 v9, v29  }
0x2bc: {  	v36 =	vadd.f32 v36, v47;
	v47 =	vor.u32 v10, v29;
	v37 =	vmul.f32 s19, v46  }
0x2bd: {  	v6 =	vadd.f32 v35, v6;
	v30 =	vmul.f32 s19, v48  }
0x2be: {  	v51 =	vld [tilespmem:$0x1FEF0];
	v50 =	vsub.f32 v31, v37  }
0x2bf: {  	v6 =	vsub.f32 v6, v30;
	v22 =	vmul.f32 s19, v22  }
0x2c0: {  	v5 =	vadd.f32 v54, v5;
	v54 =	vld [tilespmem:$0x1FF10];
	[tilespmem:v39+s16+$0x0] =	vst.idx.msk $0xffff, v50  }
0x2c1: {  	[tilespmem:v47+s16+$0x0] =	vst.idx.msk $0xffff, v6;
	v6 =	vsub.f32 v26, v22;
	v22 =	vld [tilespmem:$0x1FF20]  }
0x2c2: {  	v23 =	vadd.f32 v23, v49;
	v36 =	vadd.f32 v58, v36;
	v58 =	vld [tilespmem:$0x1FF30];
	v49 =	vor.u32 v11, v29  }
0x2c3: {  	v24 =	vadd.f32 v38, v24;
	v52 =	vor.u32 v12, v29;
	v31 =	vmul.f32 s19, v51  }
0x2c4: {  	v23 =	vadd.f32 v53, v23;
	v53 =	vor.u32 v13, v29;
	v4 =	vadd.f32 v55, v4;
	v61 =	vld [tilespmem:$0x1FF50]  }
0x2c5: {  	v55 =	vor.u32 v14, v29;
	v24 =	vsub.f32 v24, v31;
	v25 =	vmul.f32 s19, v54  }
0x2c6: {  	v27 =	vadd.f32 v40, v27;
	v56 =	vor.u32 v15, v29;
	v22 =	vmul.f32 s19, v22  }
0x2c7: {  	v2 =	vadd.f32 v41, v2;
	v57 =	vsub.f32 v28, v25;
	v25 =	vmul.f32 s19, v58;
	[tilespmem:v49+s16+$0x0] =	vst.idx.msk $0xffff, v24  }
0x2c8: {  	[tilespmem:v52+s16+$0x0] =	vst.idx.msk $0xffff, v6;
	v6 =	vsub.f32 v27, v22;
	v22 =	vld [tilespmem:$0x1FF40]  }
0x2c9: {  	v2 =	vsub.f32 v2, v25;
	v24 =	vmul.f32 s19, v61;
	[tilespmem:v53+s16+$0x0] =	vst.idx.msk $0xffff, v57  }
0x2ca: {  	[tilespmem:v55+s16+$0x0] =	vst.idx.msk $0xffff, v6  }
0x2cb: {  	[tilespmem:v56+s16+$0x0] =	vst.idx.msk $0xffff, v2;
	v2 =	vsub.f32 v5, v24;
	v5 =	vld [tilespmem:$0x1FF70]  }
0x2cc: {  	v59 =	vor.u32 v16, v29  }
0x2cd: {  	v60 =	vor.u32 v17, v29;
	v22 =	vmul.f32 s19, v22;
	_ =	sdelay $0x1  }
0x2ce: {  	v6 =	vsub.f32 v23, v22;
	v22 =	vld [tilespmem:$0x1FF60]  }
0x2cf: {  	v5 =	vmul.f32 s19, v5  }
0x2d0: {  	[tilespmem:v59+s16+$0x0] =	vst.idx.msk $0xffff, v6;
	v6 =	vld [tilespmem:$0x1FF80]  }
0x2d1: {  	[tilespmem:v60+s16+$0x0] =	vst.idx.msk $0xffff, v2;
	v2 =	vsub.f32 v33, v5;
	v5 =	vld [tilespmem:$0x1FF90]  }
0x2d2: {  	v62 =	vor.u32 v18, v29  }
0x2d3: {  	v23 =	vor.u32 v19, v29;
	v22 =	vmul.f32 s19, v22  }
0x2d4: {  	s18 =	sadd.s32 $0x1, s18;
	v63 =	vor.u32 v20, v29  }
0x2d5: {  	p0 =	sne.s32 s18, $0x20;
	v4 =	vsub.f32 v4, v22;
	v6 =	vmul.f32 s19, v6;
	v22 =	vor.u32 v21, v29  }
.Ltmp5:
0x2d6: {  	v1 =	vadd.f32 v1, v42;
	v5 =	vmul.f32 s19, v5;
	(pc) =	sbr.rel @p0 .LBB2_2-.Ltmp5, $4  }
0x2d7: {  	[tilespmem:v62+s16+$0x0] =	vst.idx.msk $0xffff, v4;
	v4 =	vsub.f32 v36, v6  }
0x2d8: {  	[tilespmem:v23+s16+$0x0] =	vst.idx.msk $0xffff, v2;
	v1 =	vsub.f32 v1, v5  }
0x2d9: {  	[tilespmem:v63+s16+$0x0] =	vst.idx.msk $0xffff, v4  }
0x2da: {  	[tilespmem:v22+s16+$0x0] =	vst.idx.msk $0xffff, v1  }
0x2db: {  	s18 =	rddreg [dreg:$0x4];
	s19 =	simm.s32 $0x4  }
0x2dc: {  	[hbm4b:s18+s3] =	stream.linear.scatter [tilespmem:s16], [sflag:$0x4], $0x8000, $0x38;
	[tilespmem:$0x1B080] =	vst v63  }
0x2dd: {  	_ =	swait.ge [sflag:s19], $0x8000  }
0x2de: {  	s20 =	rddreg [dreg:$0x6]  }
0x2df: {  	s23 =	rddreg [dreg:$0x5];
	s20 =	sadd.s32 $0x1, s20  }
0x2e0: {  	p0 =	sne.s32 s20, s23  }
.Ltmp6:
0x2e1: {  	_ = 	snop;
	(pc) =	sbr.rel @p0 .LBB2_1-.Ltmp6, $3  }
0x2e2: {  	_ =	sdelay $0x1  }
0x2e3: {  	[sflag:s19] =	ssyncset.done $0x0  }
0x2e4: {  	[sflag:s19] =	ssyncadd.s32 $0xFFFF8000  }
0x2e5: {  	_ =	sfence.sel $0x180000  }
0x2e6: {  	[bflag:$0x0] =	sbarrier.arrive $0xFFFF  }
0x2e7: {  	_ =	strace $0x90000047  }
0x2e8: {  	s0 =	stileid.u32;
	[bflag:$0x2] =	sbarrier.arrive $0xFFFF  }
0x2e9: {  	p0 =	sne.s32 s0, $0x0;
	s0 =	rddreg [dreg:$0x2]  }
0x2ea: {  	s0 =	sadd.s32 @!p0 $0x100000, s0  }
0x2eb: {  	[sflag:s0] =	ssyncadd.tile.s32 @!p0 $0x1;
	_ =	shalt  }
.Lfunc_end2:
_tile_overlayer_lowered:
.L_overlay_start_2:
0x2ec: {  	(tag) =	ssettag $0x2  }
0x2ed: {  	s0 =	rddreg [dreg:$0x0];
	s2 =	stileid.u32  }
0x2ee: {  	s1 =	rddreg [dreg:$0x1];
	p0 =	sne.s32 s2, $0x0  }
0x2ef: {  	s3 =	rddreg [dreg:$0x2];
	[bflag:$0x3] =	sbarrier.arrive $0xFFFF;
	s2 =	simm.s32 @!p0 $0x1C04  }
0x2f0: {  	[timem:s3], [sflag:s2] =	dma.local @!p0 [hbm:s0], s1  }
0x2f1: {  	s0 =	simm.s32 @!p0 $0x4  }
0x2f2: {  	_ =	swait.ge @!p0 [sflag:s0], s1  }
0x2f3: {  	s1 =	ssub.s32 @!p0 $0x0, s1;
	[sflag:s0] =	ssyncset.done @!p0 $0x0  }
0x2f4: {  	[sflag:s0] =	ssyncadd.s32 @!p0 s1  }
0x2f5: {  	[bflag:$0x3] =	sbarrier.arrive $0xFFFF  }
0x2f6: {  	_ =	shalt  }

</sc_bundles>
